<compile_context>
chip_gen: v7x
topology: tpu7x:2x2x1
jax: 0.10.2.dev20260603
libtpu: 0.0.44.dev20260713+nightly
codegen_flags: <defaults>
</compile_context>

<pallas_src>
import functools

import jax
import jax.numpy as jnp
import numpy as np
from jax import lax
from jax.experimental import pallas as pl
from jax.experimental.pallas import tpu as pltpu
from jax.experimental.pallas import tpu_sc as plsc

_B = 128
_V = 100000
_C = 64
_TINY = np.float32(np.finfo(np.float32).tiny)
_ONE_MINUS_TINY = np.float32(np.float32(1.0) - _TINY)
_NEG_INF = np.float32(-np.inf)

_NC = 2
_NS = 16
_NW = _NC * _NS
_RPW = _B // _NW
_GRP = 10
_NGRP = _V // (16 * _GRP)



def _split_kv(ak, av, bk, bv):
    m = ak < bk
    lo_k = jnp.where(m, ak, bk)
    lo_v = jnp.where(m, av, bv)
    hi_k = jnp.where(m, bk, ak)
    hi_v = jnp.where(m, bv, av)
    return lo_k, lo_v, hi_k, hi_v


def _insert(ck, cv, regs):
    k = [regs[0], regs[2], regs[4], regs[6]]
    v = [regs[1], regs[3], regs[5], regs[7]]
    _, _, hk, hv = _split_kv(ck, cv, k[0], v[0])
    ck, cv = plsc.sort_key_val(hk, hv)
    nk = [None] * 4
    nv = [None] * 4
    for j in range(1, 4):
        lk, lv, hk, hv = _split_kv(ck, cv, k[j], v[j])
        nk[j - 1], nv[j - 1] = plsc.sort_key_val(lk, lv, descending=True)
        ck, cv = plsc.sort_key_val(hk, hv)
    nk[3], nv[3] = plsc.sort_key_val(ck, cv, descending=True)
    return (nk[0], nv[0], nk[1], nv[1], nk[2], nv[2], nk[3], nv[3])


def _topk_sc_body(logits_hbm, vals_hbm, idxs_hbm, row_v, stage_v, stage_i):
    wid = lax.axis_index("s") * _NC + lax.axis_index("c")
    lane = lax.iota(jnp.int32, 16)

    def do_row(r, _):
        row = wid * _RPW + r
        pltpu.sync_copy(logits_hbm.at[row], row_v)

        def group(g, carry):
            regs = carry[:8]
            t = carry[8]
            base = g * (16 * _GRP)
            vecs = []
            macc = None
            for u in range(_GRP):
                vu = row_v[pl.ds(base + 16 * u, 16)]
                vecs.append(vu)
                macc = vu if macc is None else jnp.maximum(macc, vu)
            sk, _sv = plsc.sort_key_val(macc, lane)
            gmax = sk[15]

            def slow(carry):
                for u in range(_GRP):
                    idx = base + 16 * u + lane
                    sk_u, sv_u = plsc.sort_key_val(vecs[u], idx)
                    vmax = sk_u[15]

                    def ins(c, sk_u=sk_u, sv_u=sv_u):
                        rg = c[:8]

                        def ins_b0(rg):
                            _, _, hk, hv = _split_kv(sk_u, sv_u, rg[0], rg[1])
                            nk0, nv0 = plsc.sort_key_val(hk, hv,
                                                         descending=True)
                            return (nk0, nv0) + rg[2:]

                        def ins_b01(rg):
                            _, _, hk, hv = _split_kv(sk_u, sv_u, rg[0], rg[1])
                            ck, cv = plsc.sort_key_val(hk, hv)
                            lk, lv, hk, hv = _split_kv(ck, cv, rg[2], rg[3])
                            nk0, nv0 = plsc.sort_key_val(lk, lv,
                                                         descending=True)
                            nk1, nv1 = plsc.sort_key_val(hk, hv,
                                                         descending=True)
                            return (nk0, nv0, nk1, nv1) + rg[4:]

                        def ins_mid(rg, vmax=vmax):
                            return lax.cond(vmax < rg[4][15], ins_b01,
                                            lambda r: _insert(sk_u, sv_u, r),
                                            rg)

                        rg2 = lax.cond(vmax < rg[2][15], ins_b0, ins_mid, rg)
                        return rg2 + (rg2[0][15],)

                    carry = lax.cond(vmax > carry[8], ins,
                                     lambda c: c, carry)
                return carry

            return lax.cond(gmax > t, slow, lambda c: c, carry)

        init = (jnp.full((16,), _NEG_INF, jnp.float32),
                jnp.zeros((16,), jnp.int32)) * 4
        carry = lax.fori_loop(0, _NGRP, group,
                              init + (jnp.float32(_NEG_INF),))
        for j in range(4):
            stage_v[pl.ds(16 * j, 16)] = carry[2 * (3 - j)]
            stage_i[pl.ds(16 * j, 16)] = carry[2 * (3 - j) + 1]
        pltpu.sync_copy(stage_v, vals_hbm.at[row])
        pltpu.sync_copy(stage_i, idxs_hbm.at[row])
        return 0

    lax.fori_loop(0, _RPW, do_row, 0)


_topk_sc = functools.partial(
    pl.kernel,
    out_type=[
        jax.ShapeDtypeStruct((_B, _C), jnp.float32),
        jax.ShapeDtypeStruct((_B, _C), jnp.int32),
    ],
    mesh=plsc.VectorSubcoreMesh(
        core_axis_name="c", subcore_axis_name="s",
        num_cores=_NC, num_subcores=_NS),
    compiler_params=pltpu.CompilerParams(needs_layout_passes=False),
    scratch_types=[
        pltpu.VMEM((_V,), jnp.float32),
        pltpu.VMEM((_C,), jnp.float32),
        pltpu.VMEM((_C,), jnp.int32),
    ],
)(_topk_sc_body)



def _threefry_gumbel(flat_idx):
    k0 = jnp.uint32(0)
    k1 = jnp.uint32(42)
    k2 = k0 ^ k1 ^ jnp.uint32(0x1BD11BDA)
    x0 = jnp.zeros_like(flat_idx) + k0
    x1 = flat_idx + k1
    rot0 = (13, 15, 26, 6)
    rot1 = (17, 29, 16, 24)
    rots = (rot0, rot1, rot0, rot1, rot0)
    kxs = (k1, k2, k0, k1, k2)
    kys = (k2, k0, k1, k2, k0)
    for i in range(5):
        for r in rots[i]:
            x0 = x0 + x1
            x1 = (x1 << jnp.uint32(r)) | (x1 >> jnp.uint32(32 - r))
            x1 = x1 ^ x0
        x0 = x0 + kxs[i]
        x1 = x1 + kys[i] + jnp.uint32(i + 1)
    bits = x0 ^ x1
    fb = (bits >> jnp.uint32(9)) | jnp.uint32(0x3F800000)
    floats = jax.lax.bitcast_convert_type(fb, jnp.float32) - jnp.float32(1.0)
    u = jnp.maximum(_TINY, floats * _ONE_MINUS_TINY + _TINY)
    return -jnp.log(-jnp.log(u))


_RB = 32


def _finalize_body(vals_ref, idx_ref, params_ref, out_ref):
    i = pl.program_id(0)
    temp = params_ref[:, 0:1]
    minp = params_ref[:, 1:2]
    topp = params_ref[:, 2:3]
    topk = params_ref[:, 3:4].astype(jnp.int32)

    m = vals_ref[...] / temp
    idx = idx_ref[...]
    col = jax.lax.broadcasted_iota(jnp.int32, (_RB, _C), 1)

    kth = jnp.sum(jnp.where(col == (topk - 1), m, 0.0), axis=1, keepdims=True)
    keep = m >= kth
    mx = m[:, 0:1]
    e = jnp.where(keep, jnp.exp(m - mx), 0.0)
    denom = jnp.sum(e, axis=1, keepdims=True)
    p = e / denom
    sfx = p
    for sh in (1, 2, 4, 8, 16, 32):
        sfx = sfx + jnp.concatenate(
            [sfx[:, sh:], jnp.zeros((_RB, sh), jnp.float32)], axis=1)
    cut = (sfx <= (jnp.float32(1.0) - topp)) & (col > 0)
    keep = keep & ~cut
    e2 = jnp.where(keep, e, 0.0)
    denom2 = jnp.sum(e2, axis=1, keepdims=True)
    p2 = e2 / denom2
    keep = keep & ~(p2 < minp * jnp.max(p2, axis=1, keepdims=True))

    rows = i * _RB + jax.lax.broadcasted_iota(jnp.int32, (_RB, _C), 0)
    flat = (rows * _V + idx).astype(jnp.uint32)
    g = _threefry_gumbel(flat)
    score = jnp.where(keep, m + g, _NEG_INF)
    smax = jnp.max(score, axis=1, keepdims=True)
    win_idx = jnp.where(score == smax, idx, jnp.int32(_V))
    out_ref[0, 0, :] = jnp.min(win_idx, axis=1).astype(jnp.int32)


@functools.partial(jax.jit)
def kernel(logits, temperatures, min_ps, top_ps, top_ks):
    cand_vals, cand_idx = _topk_sc(logits)
    params = jnp.stack(
        [temperatures, min_ps, top_ps, top_ks.astype(jnp.float32)], axis=1)
    grid = _B // _RB
    out = pl.pallas_call(
        _finalize_body,
        grid=(grid,),
        in_specs=[
            pl.BlockSpec((_RB, _C), lambda i: (i, 0)),
            pl.BlockSpec((_RB, _C), lambda i: (i, 0)),
            pl.BlockSpec((_RB, 4), lambda i: (i, 0)),
        ],
        out_specs=pl.BlockSpec((1, 1, _RB), lambda i: (i, 0, 0)),
        out_shape=jax.ShapeDtypeStruct((grid, 1, _RB), jnp.int32),
    )(cand_vals, cand_idx, params)
    return out.reshape(_B)

# --- scband reference (transcript-rebuilt; emitter-appended) ---
"""Pipeline reference for scband-sampler-73529840107542 (READ-ONLY COPY).

The authoritative reference and input builder live on the scoring server;
editing this copy changes nothing except your own understanding.
"""

import jax, jax.numpy as jnp
import numpy as np

B = 128
V = 100000


def setup_inputs(seed: int = 0) -> dict:
    key = jax.random.key(seed)
    k1, k2, k3, k4, k5 = jax.random.split(key, 5)
    logits = jax.random.normal(k1, (B, V), dtype=jnp.float32)
    temperatures = jax.random.uniform(k2, (B,), dtype=jnp.float32, minval=0.5, maxval=1.5)
    min_ps = jax.random.uniform(k3, (B,), dtype=jnp.float32, minval=0.0, maxval=0.1)
    top_ps = jax.random.uniform(k4, (B,), dtype=jnp.float32, minval=0.8, maxval=1.0)
    top_ks = jax.random.randint(k5, (B,), 1, 64, dtype=jnp.int32)
    return {"logits": logits, "temperatures": temperatures, "min_ps": min_ps, "top_ps": top_ps, "top_ks": top_ks}


def _apply_top_k_top_p(logits, top_ps, top_ks):
    Vdim = logits.shape[-1]
    logits_idx = jnp.argsort(logits, axis=-1)  # ascending, matches torch sort(descending=False)
    logits_sort = jnp.take_along_axis(logits, logits_idx, axis=-1)
    # top-k: keep the k largest (last k in ascending order)
    kth_pos = (Vdim - top_ks.astype(jnp.int32))[:, None]
    kth_val = jnp.take_along_axis(logits_sort, kth_pos, axis=-1)
    logits_sort = jnp.where(logits_sort < kth_val, -jnp.inf, logits_sort)
    # top-p
    probs_sort = jax.nn.softmax(logits_sort, axis=-1)
    probs_sum = jnp.cumsum(probs_sort, axis=-1)
    top_p_mask = probs_sum <= (1.0 - top_ps)[:, None]
    top_p_mask = top_p_mask.at[:, -1].set(False)
    logits_sort = jnp.where(top_p_mask, -jnp.inf, logits_sort)
    # scatter back to original order
    rows = jnp.arange(logits.shape[0])[:, None]
    return jnp.zeros_like(logits).at[rows, logits_idx].set(logits_sort)


def _apply_min_p(logits, min_ps):
    probs = jax.nn.softmax(logits, axis=-1)
    top_probs = jnp.max(probs, axis=-1, keepdims=True)
    scaled_min_p = min_ps[:, None] * top_probs
    return jnp.where(probs < scaled_min_p, -jnp.inf, logits)


def reference(logits, temperatures, min_ps, top_ps, top_ks):
    logits = logits.astype(jnp.float32) / temperatures[:, None]
    logits = _apply_top_k_top_p(logits, top_ps, top_ks)
    logits = _apply_min_p(logits, min_ps)
    # multinomial over softmax(logits) == categorical over logits (shift-invariant)
    token_ids = jax.random.categorical(jax.random.key(42), logits, axis=-1)
    return token_ids

if __name__ == "__main__":
    import jax
    _d = setup_inputs()
    print(jax.jit(kernel)(*tuple(_d.values())))

</pallas_src>

<mosaic_0001>
#map = affine_map<(d0, d1) -> (0, 0)>
module attributes {stable_mosaic.version = 14 : i64} {
  func.func @_topk_sc_body(%arg0: i32, %arg1: i32, %arg2: memref<128x100000xf32, #tpu.memory_space<hbm>>, %arg3: memref<128x64xf32, #tpu.memory_space<hbm>>, %arg4: memref<128x64xi32, #tpu.memory_space<hbm>>, %arg5: memref<100000xf32, #tpu.memory_space<vmem>>, %arg6: memref<64xf32, #tpu.memory_space<vmem>>, %arg7: memref<64xi32, #tpu.memory_space<vmem>>) attributes {dimension_semantics = [#tpu.dimension_semantics<core_parallel>, #tpu.dimension_semantics<subcore_parallel>], iteration_bounds = array<i64: 2, 16>, scalar_prefetch = 0 : i64, scratch_operands = 3 : i64, tpu.core_type = #tpu.core_type<sc_vector_subcore>, window_params = [{transform_indices = #map}, {transform_indices = #map}, {transform_indices = #map}]} {
    %mul3A = arith.constant 2 : i32
    %mul3A_0 = arith.muli %arg1, %mul3A : i32
    %add3A = arith.addi %mul3A_0, %arg0 : i32
    %iota3A = tpu.iota {dimensions = array<i32: 0>} : vector<16xi32>
    %scan3A = arith.constant 0 : i32
    %scan3A_1 = arith.constant 0 : i32
    %scan3A_2 = arith.constant 4 : i32
    %scan3A_3 = arith.addi %scan3A_1, %scan3A_2 : i32
    %scan3A_4 = arith.constant 1 : i32
    %scan3A_5 = scf.for %scan3A_7 = %scan3A_1 to %scan3A_3 step %scan3A_4 iter_args(%scan3A_8 = %scan3A) -> (i32)  : i32 {
      %mul3A_9 = arith.constant 4 : i32
      %mul3A_10 = arith.muli %add3A, %mul3A_9 : i32
      %add3A_11 = arith.addi %mul3A_10, %scan3A_7 : i32
      "tpu.region"() ({
        %run_scoped3A = tpu.sem_alloc : memref<!tpu.dma_semaphore, #tpu.memory_space<semaphore_mem>>
        %dma_start3A = arith.constant 0 : i32
        %dma_start3A_38 = tpu.memref_slice %arg2[%add3A_11, %dma_start3A] : memref<128x100000xf32, #tpu.memory_space<hbm>> -> memref<1x100000xf32, #tpu.memory_space<hbm>>
        %dma_start3A_39 = tpu.memref_squeeze %dma_start3A_38 : memref<1x100000xf32, #tpu.memory_space<hbm>> -> memref<100000xf32, #tpu.memory_space<hbm>>
        %dma_start3A_40 = arith.constant 0 : i32
        %dma_start3A_41 = tpu.memref_slice %arg2[%add3A_11, %dma_start3A_40] : memref<128x100000xf32, #tpu.memory_space<hbm>> -> memref<1x100000xf32, #tpu.memory_space<hbm>>
        %dma_start3A_42 = tpu.memref_squeeze %dma_start3A_41 : memref<1x100000xf32, #tpu.memory_space<hbm>> -> memref<100000xf32, #tpu.memory_space<hbm>>
        tpu.enqueue_dma source(%dma_start3A_42 : memref<100000xf32, #tpu.memory_space<hbm>>) target(%arg5 : memref<100000xf32, #tpu.memory_space<vmem>>) target_semaphore(%run_scoped3A : memref<!tpu.dma_semaphore, #tpu.memory_space<semaphore_mem>>)
        %dma_wait3A = arith.constant 0 : i32
        %dma_wait3A_43 = tpu.memref_slice %arg2[%add3A_11, %dma_wait3A] : memref<128x100000xf32, #tpu.memory_space<hbm>> -> memref<1x100000xf32, #tpu.memory_space<hbm>>
        %dma_wait3A_44 = tpu.memref_squeeze %dma_wait3A_43 : memref<1x100000xf32, #tpu.memory_space<hbm>> -> memref<100000xf32, #tpu.memory_space<hbm>>
        %dma_wait3A_45 = arith.constant 0 : i32
        %dma_wait3A_46 = tpu.memref_slice %arg2[%add3A_11, %dma_wait3A_45] : memref<128x100000xf32, #tpu.memory_space<hbm>> -> memref<1x100000xf32, #tpu.memory_space<hbm>>
        %dma_wait3A_47 = tpu.memref_squeeze %dma_wait3A_46 : memref<1x100000xf32, #tpu.memory_space<hbm>> -> memref<100000xf32, #tpu.memory_space<hbm>>
        tpu.wait_dma2 semaphore(%run_scoped3A : memref<!tpu.dma_semaphore, #tpu.memory_space<semaphore_mem>>) src(%dma_wait3A_47 : memref<100000xf32, #tpu.memory_space<hbm>>) dst(%arg5 : memref<100000xf32, #tpu.memory_space<vmem>>)
        tpu.yield
      }) : () -> ()
      %broadcast_in_dim3A = arith.constant 0xFF800000 : f32
      %broadcast_in_dim3A_12 = vector.broadcast %broadcast_in_dim3A : f32 to vector<16xf32>
      %broadcast_in_dim3A_13 = arith.constant 0 : i32
      %broadcast_in_dim3A_14 = vector.broadcast %broadcast_in_dim3A_13 : i32 to vector<16xi32>
      %scan3A_15 = arith.constant 0xFF800000 : f32
      %scan3A_16 = arith.constant 0 : i32
      %scan3A_17 = arith.constant 625 : i32
      %scan3A_18 = arith.addi %scan3A_16, %scan3A_17 : i32
      %scan3A_19 = arith.constant 1 : i32
      %scan3A_20:9 = scf.for %scan3A_38 = %scan3A_16 to %scan3A_18 step %scan3A_19 iter_args(%scan3A_39 = %broadcast_in_dim3A_12, %scan3A_40 = %broadcast_in_dim3A_14, %scan3A_41 = %broadcast_in_dim3A_12, %scan3A_42 = %broadcast_in_dim3A_14, %scan3A_43 = %broadcast_in_dim3A_12, %scan3A_44 = %broadcast_in_dim3A_14, %scan3A_45 = %broadcast_in_dim3A_12, %scan3A_46 = %broadcast_in_dim3A_14, %scan3A_47 = %scan3A_15) -> (vector<16xf32>, vector<16xi32>, vector<16xf32>, vector<16xi32>, vector<16xf32>, vector<16xi32>, vector<16xf32>, vector<16xi32>, f32)  : i32 {
        %mul3A_48 = arith.constant 160 : i32
        %mul3A_49 = arith.muli %scan3A_38, %mul3A_48 : i32
        %add3A_50 = arith.constant 0 : i32
        %add3A_51 = arith.addi %mul3A_49, %add3A_50 : i32
        %get3A = arith.index_cast %add3A_51 : i32 to index
        %get3A_52 = tpu.vector_load %arg5[%get3A] {strides = array<i32>} : memref<100000xf32, #tpu.memory_space<vmem>>, vector<16xf32>,
        %add3A_53 = arith.constant 16 : i32
        %add3A_54 = arith.addi %mul3A_49, %add3A_53 : i32
        %get3A_55 = arith.index_cast %add3A_54 : i32 to index
        %get3A_56 = tpu.vector_load %arg5[%get3A_55] {strides = array<i32>} : memref<100000xf32, #tpu.memory_space<vmem>>, vector<16xf32>,
        %max3A = arith.maximumf %get3A_52, %get3A_56 : vector<16xf32>
        %add3A_57 = arith.constant 32 : i32
        %add3A_58 = arith.addi %mul3A_49, %add3A_57 : i32
        %get3A_59 = arith.index_cast %add3A_58 : i32 to index
        %get3A_60 = tpu.vector_load %arg5[%get3A_59] {strides = array<i32>} : memref<100000xf32, #tpu.memory_space<vmem>>, vector<16xf32>,
        %max3A_61 = arith.maximumf %max3A, %get3A_60 : vector<16xf32>
        %add3A_62 = arith.constant 48 : i32
        %add3A_63 = arith.addi %mul3A_49, %add3A_62 : i32
        %get3A_64 = arith.index_cast %add3A_63 : i32 to index
        %get3A_65 = tpu.vector_load %arg5[%get3A_64] {strides = array<i32>} : memref<100000xf32, #tpu.memory_space<vmem>>, vector<16xf32>,
        %max3A_66 = arith.maximumf %max3A_61, %get3A_65 : vector<16xf32>
        %add3A_67 = arith.constant 64 : i32
        %add3A_68 = arith.addi %mul3A_49, %add3A_67 : i32
        %get3A_69 = arith.index_cast %add3A_68 : i32 to index
        %get3A_70 = tpu.vector_load %arg5[%get3A_69] {strides = array<i32>} : memref<100000xf32, #tpu.memory_space<vmem>>, vector<16xf32>,
        %max3A_71 = arith.maximumf %max3A_66, %get3A_70 : vector<16xf32>
        %add3A_72 = arith.constant 80 : i32
        %add3A_73 = arith.addi %mul3A_49, %add3A_72 : i32
        %get3A_74 = arith.index_cast %add3A_73 : i32 to index
        %get3A_75 = tpu.vector_load %arg5[%get3A_74] {strides = array<i32>} : memref<100000xf32, #tpu.memory_space<vmem>>, vector<16xf32>,
        %max3A_76 = arith.maximumf %max3A_71, %get3A_75 : vector<16xf32>
        %add3A_77 = arith.constant 96 : i32
        %add3A_78 = arith.addi %mul3A_49, %add3A_77 : i32
        %get3A_79 = arith.index_cast %add3A_78 : i32 to index
        %get3A_80 = tpu.vector_load %arg5[%get3A_79] {strides = array<i32>} : memref<100000xf32, #tpu.memory_space<vmem>>, vector<16xf32>,
        %max3A_81 = arith.maximumf %max3A_76, %get3A_80 : vector<16xf32>
        %add3A_82 = arith.constant 112 : i32
        %add3A_83 = arith.addi %mul3A_49, %add3A_82 : i32
        %get3A_84 = arith.index_cast %add3A_83 : i32 to index
        %get3A_85 = tpu.vector_load %arg5[%get3A_84] {strides = array<i32>} : memref<100000xf32, #tpu.memory_space<vmem>>, vector<16xf32>,
        %max3A_86 = arith.maximumf %max3A_81, %get3A_85 : vector<16xf32>
        %add3A_87 = arith.constant 128 : i32
        %add3A_88 = arith.addi %mul3A_49, %add3A_87 : i32
        %get3A_89 = arith.index_cast %add3A_88 : i32 to index
        %get3A_90 = tpu.vector_load %arg5[%get3A_89] {strides = array<i32>} : memref<100000xf32, #tpu.memory_space<vmem>>, vector<16xf32>,
        %max3A_91 = arith.maximumf %max3A_86, %get3A_90 : vector<16xf32>
        %add3A_92 = arith.constant 144 : i32
        %add3A_93 = arith.addi %mul3A_49, %add3A_92 : i32
        %get3A_94 = arith.index_cast %add3A_93 : i32 to index
        %get3A_95 = tpu.vector_load %arg5[%get3A_94] {strides = array<i32>} : memref<100000xf32, #tpu.memory_space<vmem>>, vector<16xf32>,
        %max3A_96 = arith.maximumf %max3A_91, %get3A_95 : vector<16xf32>
        %masked_sort3A = arith.constant dense<true> : vector<16xi1>
        %masked_sort3A_97, %masked_sort3A_98, %masked_sort3A_99 = tpu.sort %max3A_96, %iota3A masked %masked_sort3A : (vector<16xf32>, vector<16xi32>, vector<16xi1>) -> (vector<16xi1>, vector<16xf32>, vector<16xi32>)
        %slice3A = vector.extract_strided_slice %masked_sort3A_98 {offsets = [15], sizes = [1], strides = [1]} : vector<16xf32> to vector<1xf32>
        %squeeze3A = vector.extract %slice3A[0] : f32 from vector<1xf32>
        %gt3A = arith.cmpf ogt, %squeeze3A, %scan3A_47 : f32
        %convert_element_type3A = arith.extui %gt3A : i1 to i32
        %cond3A = arith.constant 0 : i32
        %cond3A_100 = arith.cmpi ne, %convert_element_type3A, %cond3A : i32
        %cond3A_101:9 = scf.if %cond3A_100 -> (vector<16xf32>, vector<16xi32>, vector<16xf32>, vector<16xi32>, vector<16xf32>, vector<16xi32>, vector<16xf32>, vector<16xi32>, f32) {
          %add3A_102 = arith.constant 0 : i32
          %add3A_103 = arith.addi %mul3A_49, %add3A_102 : i32
          %add3A_104 = vector.broadcast %add3A_103 : i32 to vector<16xi32>
          %add3A_105 = arith.addi %add3A_104, %iota3A : vector<16xi32>
          %masked_sort3A_106 = arith.constant dense<true> : vector<16xi1>
          %masked_sort3A_107, %masked_sort3A_108, %masked_sort3A_109 = tpu.sort %get3A_52, %add3A_105 masked %masked_sort3A_106 : (vector<16xf32>, vector<16xi32>, vector<16xi1>) -> (vector<16xi1>, vector<16xf32>, vector<16xi32>)
          %slice3A_110 = vector.extract_strided_slice %masked_sort3A_108 {offsets = [15], sizes = [1], strides = [1]} : vector<16xf32> to vector<1xf32>
          %squeeze3A_111 = vector.extract %slice3A_110[0] : f32 from vector<1xf32>
          %gt3A_112 = arith.cmpf ogt, %squeeze3A_111, %scan3A_47 : f32
          %convert_element_type3A_113 = arith.extui %gt3A_112 : i1 to i32
          %cond3A_114 = arith.constant 0 : i32
          %cond3A_115 = arith.cmpi ne, %convert_element_type3A_113, %cond3A_114 : i32
          %cond3A_116:9 = scf.if %cond3A_115 -> (vector<16xf32>, vector<16xi32>, vector<16xf32>, vector<16xi32>, vector<16xf32>, vector<16xi32>, vector<16xf32>, vector<16xi32>, f32) {
            %slice3A_252 = vector.extract_strided_slice %scan3A_41 {offsets = [15], sizes = [1], strides = [1]} : vector<16xf32> to vector<1xf32>
            %squeeze3A_253 = vector.extract %slice3A_252[0] : f32 from vector<1xf32>
            %lt3A = arith.cmpf olt, %squeeze3A_111, %squeeze3A_253 : f32
            %convert_element_type3A_254 = arith.extui %lt3A : i1 to i32
            %cond3A_255 = arith.constant 0 : i32
            %cond3A_256 = arith.cmpi ne, %convert_element_type3A_254, %cond3A_255 : i32
            %cond3A_257:8 = scf.if %cond3A_256 -> (vector<16xf32>, vector<16xi32>, vector<16xf32>, vector<16xi32>, vector<16xf32>, vector<16xi32>, vector<16xf32>, vector<16xi32>) {
              %lt3A_260 = arith.cmpf olt, %masked_sort3A_108, %scan3A_39 : vector<16xf32>
              %select_n3A = arith.select %lt3A_260, %masked_sort3A_108, %scan3A_39 : vector<16xi1>, vector<16xf32>
              %select_n3A_261 = arith.select %lt3A_260, %masked_sort3A_109, %scan3A_40 : vector<16xi1>, vector<16xi32>
              %select_n3A_262 = arith.select %lt3A_260, %scan3A_39, %masked_sort3A_108 : vector<16xi1>, vector<16xf32>
              %select_n3A_263 = arith.select %lt3A_260, %scan3A_40, %masked_sort3A_109 : vector<16xi1>, vector<16xi32>
              %masked_sort3A_264 = arith.constant dense<true> : vector<16xi1>
              %masked_sort3A_265, %masked_sort3A_266, %masked_sort3A_267 = tpu.sort %select_n3A_262, %select_n3A_263 masked %masked_sort3A_264 {descending = true} : (vector<16xf32>, vector<16xi32>, vector<16xi1>) -> (vector<16xi1>, vector<16xf32>, vector<16xi32>)
              scf.yield %masked_sort3A_266, %masked_sort3A_267, %scan3A_41, %scan3A_42, %scan3A_43, %scan3A_44, %scan3A_45, %scan3A_46 : vector<16xf32>, vector<16xi32>, vector<16xf32>, vector<16xi32>, vector<16xf32>, vector<16xi32>, vector<16xf32>, vector<16xi32>
            } else {
              %slice3A_260 = vector.extract_strided_slice %scan3A_43 {offsets = [15], sizes = [1], strides = [1]} : vector<16xf32> to vector<1xf32>
              %squeeze3A_261 = vector.extract %slice3A_260[0] : f32 from vector<1xf32>
              %lt3A_262 = arith.cmpf olt, %squeeze3A_111, %squeeze3A_261 : f32
              %convert_element_type3A_263 = arith.extui %lt3A_262 : i1 to i32
              %cond3A_264 = arith.constant 0 : i32
              %cond3A_265 = arith.cmpi ne, %convert_element_type3A_263, %cond3A_264 : i32
              %cond3A_266:8 = scf.if %cond3A_265 -> (vector<16xf32>, vector<16xi32>, vector<16xf32>, vector<16xi32>, vector<16xf32>, vector<16xi32>, vector<16xf32>, vector<16xi32>) {
                %lt3A_267 = arith.cmpf olt, %masked_sort3A_108, %scan3A_39 : vector<16xf32>
                %select_n3A = arith.select %lt3A_267, %masked_sort3A_108, %scan3A_39 : vector<16xi1>, vector<16xf32>
                %select_n3A_268 = arith.select %lt3A_267, %masked_sort3A_109, %scan3A_40 : vector<16xi1>, vector<16xi32>
                %select_n3A_269 = arith.select %lt3A_267, %scan3A_39, %masked_sort3A_108 : vector<16xi1>, vector<16xf32>
                %select_n3A_270 = arith.select %lt3A_267, %scan3A_40, %masked_sort3A_109 : vector<16xi1>, vector<16xi32>
                %masked_sort3A_271 = arith.constant dense<true> : vector<16xi1>
                %masked_sort3A_272, %masked_sort3A_273, %masked_sort3A_274 = tpu.sort %select_n3A_269, %select_n3A_270 masked %masked_sort3A_271 : (vector<16xf32>, vector<16xi32>, vector<16xi1>) -> (vector<16xi1>, vector<16xf32>, vector<16xi32>)
                %lt3A_275 = arith.cmpf olt, %masked_sort3A_273, %scan3A_41 : vector<16xf32>
                %select_n3A_276 = arith.select %lt3A_275, %masked_sort3A_273, %scan3A_41 : vector<16xi1>, vector<16xf32>
                %select_n3A_277 = arith.select %lt3A_275, %masked_sort3A_274, %scan3A_42 : vector<16xi1>, vector<16xi32>
                %select_n3A_278 = arith.select %lt3A_275, %scan3A_41, %masked_sort3A_273 : vector<16xi1>, vector<16xf32>
                %select_n3A_279 = arith.select %lt3A_275, %scan3A_42, %masked_sort3A_274 : vector<16xi1>, vector<16xi32>
                %masked_sort3A_280 = arith.constant dense<true> : vector<16xi1>
                %masked_sort3A_281, %masked_sort3A_282, %masked_sort3A_283 = tpu.sort %select_n3A_276, %select_n3A_277 masked %masked_sort3A_280 {descending = true} : (vector<16xf32>, vector<16xi32>, vector<16xi1>) -> (vector<16xi1>, vector<16xf32>, vector<16xi32>)
                %masked_sort3A_284 = arith.constant dense<true> : vector<16xi1>
                %masked_sort3A_285, %masked_sort3A_286, %masked_sort3A_287 = tpu.sort %select_n3A_278, %select_n3A_279 masked %masked_sort3A_284 {descending = true} : (vector<16xf32>, vector<16xi32>, vector<16xi1>) -> (vector<16xi1>, vector<16xf32>, vector<16xi32>)
                scf.yield %masked_sort3A_282, %masked_sort3A_283, %masked_sort3A_286, %masked_sort3A_287, %scan3A_43, %scan3A_44, %scan3A_45, %scan3A_46 : vector<16xf32>, vector<16xi32>, vector<16xf32>, vector<16xi32>, vector<16xf32>, vector<16xi32>, vector<16xf32>, vector<16xi32>
              } else {
                %lt3A_267 = arith.cmpf olt, %masked_sort3A_108, %scan3A_39 : vector<16xf32>
                %select_n3A = arith.select %lt3A_267, %masked_sort3A_108, %scan3A_39 : vector<16xi1>, vector<16xf32>
                %select_n3A_268 = arith.select %lt3A_267, %masked_sort3A_109, %scan3A_40 : vector<16xi1>, vector<16xi32>
                %select_n3A_269 = arith.select %lt3A_267, %scan3A_39, %masked_sort3A_108 : vector<16xi1>, vector<16xf32>
                %select_n3A_270 = arith.select %lt3A_267, %scan3A_40, %masked_sort3A_109 : vector<16xi1>, vector<16xi32>
                %masked_sort3A_271 = arith.constant dense<true> : vector<16xi1>
                %masked_sort3A_272, %masked_sort3A_273, %masked_sort3A_274 = tpu.sort %select_n3A_269, %select_n3A_270 masked %masked_sort3A_271 : (vector<16xf32>, vector<16xi32>, vector<16xi1>) -> (vector<16xi1>, vector<16xf32>, vector<16xi32>)
                %lt3A_275 = arith.cmpf olt, %masked_sort3A_273, %scan3A_41 : vector<16xf32>
                %select_n3A_276 = arith.select %lt3A_275, %masked_sort3A_273, %scan3A_41 : vector<16xi1>, vector<16xf32>
                %select_n3A_277 = arith.select %lt3A_275, %masked_sort3A_274, %scan3A_42 : vector<16xi1>, vector<16xi32>
                %select_n3A_278 = arith.select %lt3A_275, %scan3A_41, %masked_sort3A_273 : vector<16xi1>, vector<16xf32>
                %select_n3A_279 = arith.select %lt3A_275, %scan3A_42, %masked_sort3A_274 : vector<16xi1>, vector<16xi32>
                %masked_sort3A_280 = arith.constant dense<true> : vector<16xi1>
                %masked_sort3A_281, %masked_sort3A_282, %masked_sort3A_283 = tpu.sort %select_n3A_276, %select_n3A_277 masked %masked_sort3A_280 {descending = true} : (vector<16xf32>, vector<16xi32>, vector<16xi1>) -> (vector<16xi1>, vector<16xf32>, vector<16xi32>)
                %masked_sort3A_284 = arith.constant dense<true> : vector<16xi1>
                %masked_sort3A_285, %masked_sort3A_286, %masked_sort3A_287 = tpu.sort %select_n3A_278, %select_n3A_279 masked %masked_sort3A_284 : (vector<16xf32>, vector<16xi32>, vector<16xi1>) -> (vector<16xi1>, vector<16xf32>, vector<16xi32>)
                %lt3A_288 = arith.cmpf olt, %masked_sort3A_286, %scan3A_43 : vector<16xf32>
                %select_n3A_289 = arith.select %lt3A_288, %masked_sort3A_286, %scan3A_43 : vector<16xi1>, vector<16xf32>
                %select_n3A_290 = arith.select %lt3A_288, %masked_sort3A_287, %scan3A_44 : vector<16xi1>, vector<16xi32>
                %select_n3A_291 = arith.select %lt3A_288, %scan3A_43, %masked_sort3A_286 : vector<16xi1>, vector<16xf32>
                %select_n3A_292 = arith.select %lt3A_288, %scan3A_44, %masked_sort3A_287 : vector<16xi1>, vector<16xi32>
                %masked_sort3A_293 = arith.constant dense<true> : vector<16xi1>
                %masked_sort3A_294, %masked_sort3A_295, %masked_sort3A_296 = tpu.sort %select_n3A_289, %select_n3A_290 masked %masked_sort3A_293 {descending = true} : (vector<16xf32>, vector<16xi32>, vector<16xi1>) -> (vector<16xi1>, vector<16xf32>, vector<16xi32>)
                %masked_sort3A_297 = arith.constant dense<true> : vector<16xi1>
                %masked_sort3A_298, %masked_sort3A_299, %masked_sort3A_300 = tpu.sort %select_n3A_291, %select_n3A_292 masked %masked_sort3A_297 : (vector<16xf32>, vector<16xi32>, vector<16xi1>) -> (vector<16xi1>, vector<16xf32>, vector<16xi32>)
                %lt3A_301 = arith.cmpf olt, %masked_sort3A_299, %scan3A_45 : vector<16xf32>
                %select_n3A_302 = arith.select %lt3A_301, %masked_sort3A_299, %scan3A_45 : vector<16xi1>, vector<16xf32>
                %select_n3A_303 = arith.select %lt3A_301, %masked_sort3A_300, %scan3A_46 : vector<16xi1>, vector<16xi32>
                %select_n3A_304 = arith.select %lt3A_301, %scan3A_45, %masked_sort3A_299 : vector<16xi1>, vector<16xf32>
                %select_n3A_305 = arith.select %lt3A_301, %scan3A_46, %masked_sort3A_300 : vector<16xi1>, vector<16xi32>
                %masked_sort3A_306 = arith.constant dense<true> : vector<16xi1>
                %masked_sort3A_307, %masked_sort3A_308, %masked_sort3A_309 = tpu.sort %select_n3A_302, %select_n3A_303 masked %masked_sort3A_306 {descending = true} : (vector<16xf32>, vector<16xi32>, vector<16xi1>) -> (vector<16xi1>, vector<16xf32>, vector<16xi32>)
                %masked_sort3A_310 = arith.constant dense<true> : vector<16xi1>
                %masked_sort3A_311, %masked_sort3A_312, %masked_sort3A_313 = tpu.sort %select_n3A_304, %select_n3A_305 masked %masked_sort3A_310 : (vector<16xf32>, vector<16xi32>, vector<16xi1>) -> (vector<16xi1>, vector<16xf32>, vector<16xi32>)
                %masked_sort3A_314 = arith.constant dense<true> : vector<16xi1>
                %masked_sort3A_315, %masked_sort3A_316, %masked_sort3A_317 = tpu.sort %masked_sort3A_312, %masked_sort3A_313 masked %masked_sort3A_314 {descending = true} : (vector<16xf32>, vector<16xi32>, vector<16xi1>) -> (vector<16xi1>, vector<16xf32>, vector<16xi32>)
                scf.yield %masked_sort3A_282, %masked_sort3A_283, %masked_sort3A_295, %masked_sort3A_296, %masked_sort3A_308, %masked_sort3A_309, %masked_sort3A_316, %masked_sort3A_317 : vector<16xf32>, vector<16xi32>, vector<16xf32>, vector<16xi32>, vector<16xf32>, vector<16xi32>, vector<16xf32>, vector<16xi32>
              }
              scf.yield %cond3A_266#0, %cond3A_266#1, %cond3A_266#2, %cond3A_266#3, %cond3A_266#4, %cond3A_266#5, %cond3A_266#6, %cond3A_266#7 : vector<16xf32>, vector<16xi32>, vector<16xf32>, vector<16xi32>, vector<16xf32>, vector<16xi32>, vector<16xf32>, vector<16xi32>
            }
            %slice3A_258 = vector.extract_strided_slice %cond3A_257#0 {offsets = [15], sizes = [1], strides = [1]} : vector<16xf32> to vector<1xf32>
            %squeeze3A_259 = vector.extract %slice3A_258[0] : f32 from vector<1xf32>
            scf.yield %cond3A_257#0, %cond3A_257#1, %cond3A_257#2, %cond3A_257#3, %cond3A_257#4, %cond3A_257#5, %cond3A_257#6, %cond3A_257#7, %squeeze3A_259 : vector<16xf32>, vector<16xi32>, vector<16xf32>, vector<16xi32>, vector<16xf32>, vector<16xi32>, vector<16xf32>, vector<16xi32>, f32
          } else {
            scf.yield %scan3A_39, %scan3A_40, %scan3A_41, %scan3A_42, %scan3A_43, %scan3A_44, %scan3A_45, %scan3A_46, %scan3A_47 : vector<16xf32>, vector<16xi32>, vector<16xf32>, vector<16xi32>, vector<16xf32>, vector<16xi32>, vector<16xf32>, vector<16xi32>, f32
          }
          %add3A_117 = arith.constant 16 : i32
          %add3A_118 = arith.addi %mul3A_49, %add3A_117 : i32
          %add3A_119 = vector.broadcast %add3A_118 : i32 to vector<16xi32>
          %add3A_120 = arith.addi %add3A_119, %iota3A : vector<16xi32>
          %masked_sort3A_121 = arith.constant dense<true> : vector<16xi1>
          %masked_sort3A_122, %masked_sort3A_123, %masked_sort3A_124 = tpu.sort %get3A_56, %add3A_120 masked %masked_sort3A_121 : (vector<16xf32>, vector<16xi32>, vector<16xi1>) -> (vector<16xi1>, vector<16xf32>, vector<16xi32>)
          %slice3A_125 = vector.extract_strided_slice %masked_sort3A_123 {offsets = [15], sizes = [1], strides = [1]} : vector<16xf32> to vector<1xf32>
          %squeeze3A_126 = vector.extract %slice3A_125[0] : f32 from vector<1xf32>
          %gt3A_127 = arith.cmpf ogt, %squeeze3A_126, %cond3A_116#8 : f32
          %convert_element_type3A_128 = arith.extui %gt3A_127 : i1 to i32
          %cond3A_129 = arith.constant 0 : i32
          %cond3A_130 = arith.cmpi ne, %convert_element_type3A_128, %cond3A_129 : i32
          %cond3A_131:9 = scf.if %cond3A_130 -> (vector<16xf32>, vector<16xi32>, vector<16xf32>, vector<16xi32>, vector<16xf32>, vector<16xi32>, vector<16xf32>, vector<16xi32>, f32) {
            %slice3A_252 = vector.extract_strided_slice %cond3A_116#2 {offsets = [15], sizes = [1], strides = [1]} : vector<16xf32> to vector<1xf32>
            %squeeze3A_253 = vector.extract %slice3A_252[0] : f32 from vector<1xf32>
            %lt3A = arith.cmpf olt, %squeeze3A_126, %squeeze3A_253 : f32
            %convert_element_type3A_254 = arith.extui %lt3A : i1 to i32
            %cond3A_255 = arith.constant 0 : i32
            %cond3A_256 = arith.cmpi ne, %convert_element_type3A_254, %cond3A_255 : i32
            %cond3A_257:8 = scf.if %cond3A_256 -> (vector<16xf32>, vector<16xi32>, vector<16xf32>, vector<16xi32>, vector<16xf32>, vector<16xi32>, vector<16xf32>, vector<16xi32>) {
              %lt3A_260 = arith.cmpf olt, %masked_sort3A_123, %cond3A_116#0 : vector<16xf32>
              %select_n3A = arith.select %lt3A_260, %masked_sort3A_123, %cond3A_116#0 : vector<16xi1>, vector<16xf32>
              %select_n3A_261 = arith.select %lt3A_260, %masked_sort3A_124, %cond3A_116#1 : vector<16xi1>, vector<16xi32>
              %select_n3A_262 = arith.select %lt3A_260, %cond3A_116#0, %masked_sort3A_123 : vector<16xi1>, vector<16xf32>
              %select_n3A_263 = arith.select %lt3A_260, %cond3A_116#1, %masked_sort3A_124 : vector<16xi1>, vector<16xi32>
              %masked_sort3A_264 = arith.constant dense<true> : vector<16xi1>
              %masked_sort3A_265, %masked_sort3A_266, %masked_sort3A_267 = tpu.sort %select_n3A_262, %select_n3A_263 masked %masked_sort3A_264 {descending = true} : (vector<16xf32>, vector<16xi32>, vector<16xi1>) -> (vector<16xi1>, vector<16xf32>, vector<16xi32>)
              scf.yield %masked_sort3A_266, %masked_sort3A_267, %cond3A_116#2, %cond3A_116#3, %cond3A_116#4, %cond3A_116#5, %cond3A_116#6, %cond3A_116#7 : vector<16xf32>, vector<16xi32>, vector<16xf32>, vector<16xi32>, vector<16xf32>, vector<16xi32>, vector<16xf32>, vector<16xi32>
            } else {
              %slice3A_260 = vector.extract_strided_slice %cond3A_116#4 {offsets = [15], sizes = [1], strides = [1]} : vector<16xf32> to vector<1xf32>
              %squeeze3A_261 = vector.extract %slice3A_260[0] : f32 from vector<1xf32>
              %lt3A_262 = arith.cmpf olt, %squeeze3A_126, %squeeze3A_261 : f32
              %convert_element_type3A_263 = arith.extui %lt3A_262 : i1 to i32
              %cond3A_264 = arith.constant 0 : i32
              %cond3A_265 = arith.cmpi ne, %convert_element_type3A_263, %cond3A_264 : i32
              %cond3A_266:8 = scf.if %cond3A_265 -> (vector<16xf32>, vector<16xi32>, vector<16xf32>, vector<16xi32>, vector<16xf32>, vector<16xi32>, vector<16xf32>, vector<16xi32>) {
                %lt3A_267 = arith.cmpf olt, %masked_sort3A_123, %cond3A_116#0 : vector<16xf32>
                %select_n3A = arith.select %lt3A_267, %masked_sort3A_123, %cond3A_116#0 : vector<16xi1>, vector<16xf32>
                %select_n3A_268 = arith.select %lt3A_267, %masked_sort3A_124, %cond3A_116#1 : vector<16xi1>, vector<16xi32>
                %select_n3A_269 = arith.select %lt3A_267, %cond3A_116#0, %masked_sort3A_123 : vector<16xi1>, vector<16xf32>
                %select_n3A_270 = arith.select %lt3A_267, %cond3A_116#1, %masked_sort3A_124 : vector<16xi1>, vector<16xi32>
                %masked_sort3A_271 = arith.constant dense<true> : vector<16xi1>
                %masked_sort3A_272, %masked_sort3A_273, %masked_sort3A_274 = tpu.sort %select_n3A_269, %select_n3A_270 masked %masked_sort3A_271 : (vector<16xf32>, vector<16xi32>, vector<16xi1>) -> (vector<16xi1>, vector<16xf32>, vector<16xi32>)
                %lt3A_275 = arith.cmpf olt, %masked_sort3A_273, %cond3A_116#2 : vector<16xf32>
                %select_n3A_276 = arith.select %lt3A_275, %masked_sort3A_273, %cond3A_116#2 : vector<16xi1>, vector<16xf32>
                %select_n3A_277 = arith.select %lt3A_275, %masked_sort3A_274, %cond3A_116#3 : vector<16xi1>, vector<16xi32>
                %select_n3A_278 = arith.select %lt3A_275, %cond3A_116#2, %masked_sort3A_273 : vector<16xi1>, vector<16xf32>
                %select_n3A_279 = arith.select %lt3A_275, %cond3A_116#3, %masked_sort3A_274 : vector<16xi1>, vector<16xi32>
                %masked_sort3A_280 = arith.constant dense<true> : vector<16xi1>
                %masked_sort3A_281, %masked_sort3A_282, %masked_sort3A_283 = tpu.sort %select_n3A_276, %select_n3A_277 masked %masked_sort3A_280 {descending = true} : (vector<16xf32>, vector<16xi32>, vector<16xi1>) -> (vector<16xi1>, vector<16xf32>, vector<16xi32>)
                %masked_sort3A_284 = arith.constant dense<true> : vector<16xi1>
                %masked_sort3A_285, %masked_sort3A_286, %masked_sort3A_287 = tpu.sort %select_n3A_278, %select_n3A_279 masked %masked_sort3A_284 {descending = true} : (vector<16xf32>, vector<16xi32>, vector<16xi1>) -> (vector<16xi1>, vector<16xf32>, vector<16xi32>)
                scf.yield %masked_sort3A_282, %masked_sort3A_283, %masked_sort3A_286, %masked_sort3A_287, %cond3A_116#4, %cond3A_116#5, %cond3A_116#6, %cond3A_116#7 : vector<16xf32>, vector<16xi32>, vector<16xf32>, vector<16xi32>, vector<16xf32>, vector<16xi32>, vector<16xf32>, vector<16xi32>
              } else {
                %lt3A_267 = arith.cmpf olt, %masked_sort3A_123, %cond3A_116#0 : vector<16xf32>
                %select_n3A = arith.select %lt3A_267, %masked_sort3A_123, %cond3A_116#0 : vector<16xi1>, vector<16xf32>
                %select_n3A_268 = arith.select %lt3A_267, %masked_sort3A_124, %cond3A_116#1 : vector<16xi1>, vector<16xi32>
                %select_n3A_269 = arith.select %lt3A_267, %cond3A_116#0, %masked_sort3A_123 : vector<16xi1>, vector<16xf32>
                %select_n3A_270 = arith.select %lt3A_267, %cond3A_116#1, %masked_sort3A_124 : vector<16xi1>, vector<16xi32>
                %masked_sort3A_271 = arith.constant dense<true> : vector<16xi1>
                %masked_sort3A_272, %masked_sort3A_273, %masked_sort3A_274 = tpu.sort %select_n3A_269, %select_n3A_270 masked %masked_sort3A_271 : (vector<16xf32>, vector<16xi32>, vector<16xi1>) -> (vector<16xi1>, vector<16xf32>, vector<16xi32>)
                %lt3A_275 = arith.cmpf olt, %masked_sort3A_273, %cond3A_116#2 : vector<16xf32>
                %select_n3A_276 = arith.select %lt3A_275, %masked_sort3A_273, %cond3A_116#2 : vector<16xi1>, vector<16xf32>
                %select_n3A_277 = arith.select %lt3A_275, %masked_sort3A_274, %cond3A_116#3 : vector<16xi1>, vector<16xi32>
                %select_n3A_278 = arith.select %lt3A_275, %cond3A_116#2, %masked_sort3A_273 : vector<16xi1>, vector<16xf32>
                %select_n3A_279 = arith.select %lt3A_275, %cond3A_116#3, %masked_sort3A_274 : vector<16xi1>, vector<16xi32>
                %masked_sort3A_280 = arith.constant dense<true> : vector<16xi1>
                %masked_sort3A_281, %masked_sort3A_282, %masked_sort3A_283 = tpu.sort %select_n3A_276, %select_n3A_277 masked %masked_sort3A_280 {descending = true} : (vector<16xf32>, vector<16xi32>, vector<16xi1>) -> (vector<16xi1>, vector<16xf32>, vector<16xi32>)
                %masked_sort3A_284 = arith.constant dense<true> : vector<16xi1>
                %masked_sort3A_285, %masked_sort3A_286, %masked_sort3A_287 = tpu.sort %select_n3A_278, %select_n3A_279 masked %masked_sort3A_284 : (vector<16xf32>, vector<16xi32>, vector<16xi1>) -> (vector<16xi1>, vector<16xf32>, vector<16xi32>)
                %lt3A_288 = arith.cmpf olt, %masked_sort3A_286, %cond3A_116#4 : vector<16xf32>
                %select_n3A_289 = arith.select %lt3A_288, %masked_sort3A_286, %cond3A_116#4 : vector<16xi1>, vector<16xf32>
                %select_n3A_290 = arith.select %lt3A_288, %masked_sort3A_287, %cond3A_116#5 : vector<16xi1>, vector<16xi32>
                %select_n3A_291 = arith.select %lt3A_288, %cond3A_116#4, %masked_sort3A_286 : vector<16xi1>, vector<16xf32>
                %select_n3A_292 = arith.select %lt3A_288, %cond3A_116#5, %masked_sort3A_287 : vector<16xi1>, vector<16xi32>
                %masked_sort3A_293 = arith.constant dense<true> : vector<16xi1>
                %masked_sort3A_294, %masked_sort3A_295, %masked_sort3A_296 = tpu.sort %select_n3A_289, %select_n3A_290 masked %masked_sort3A_293 {descending = true} : (vector<16xf32>, vector<16xi32>, vector<16xi1>) -> (vector<16xi1>, vector<16xf32>, vector<16xi32>)
                %masked_sort3A_297 = arith.constant dense<true> : vector<16xi1>
                %masked_sort3A_298, %masked_sort3A_299, %masked_sort3A_300 = tpu.sort %select_n3A_291, %select_n3A_292 masked %masked_sort3A_297 : (vector<16xf32>, vector<16xi32>, vector<16xi1>) -> (vector<16xi1>, vector<16xf32>, vector<16xi32>)
                %lt3A_301 = arith.cmpf olt, %masked_sort3A_299, %cond3A_116#6 : vector<16xf32>
                %select_n3A_302 = arith.select %lt3A_301, %masked_sort3A_299, %cond3A_116#6 : vector<16xi1>, vector<16xf32>
                %select_n3A_303 = arith.select %lt3A_301, %masked_sort3A_300, %cond3A_116#7 : vector<16xi1>, vector<16xi32>
                %select_n3A_304 = arith.select %lt3A_301, %cond3A_116#6, %masked_sort3A_299 : vector<16xi1>, vector<16xf32>
                %select_n3A_305 = arith.select %lt3A_301, %cond3A_116#7, %masked_sort3A_300 : vector<16xi1>, vector<16xi32>
                %masked_sort3A_306 = arith.constant dense<true> : vector<16xi1>
                %masked_sort3A_307, %masked_sort3A_308, %masked_sort3A_309 = tpu.sort %select_n3A_302, %select_n3A_303 masked %masked_sort3A_306 {descending = true} : (vector<16xf32>, vector<16xi32>, vector<16xi1>) -> (vector<16xi1>, vector<16xf32>, vector<16xi32>)
                %masked_sort3A_310 = arith.constant dense<true> : vector<16xi1>
                %masked_sort3A_311, %masked_sort3A_312, %masked_sort3A_313 = tpu.sort %select_n3A_304, %select_n3A_305 masked %masked_sort3A_310 : (vector<16xf32>, vector<16xi32>, vector<16xi1>) -> (vector<16xi1>, vector<16xf32>, vector<16xi32>)
                %masked_sort3A_314 = arith.constant dense<true> : vector<16xi1>
                %masked_sort3A_315, %masked_sort3A_316, %masked_sort3A_317 = tpu.sort %masked_sort3A_312, %masked_sort3A_313 masked %masked_sort3A_314 {descending = true} : (vector<16xf32>, vector<16xi32>, vector<16xi1>) -> (vector<16xi1>, vector<16xf32>, vector<16xi32>)
                scf.yield %masked_sort3A_282, %masked_sort3A_283, %masked_sort3A_295, %masked_sort3A_296, %masked_sort3A_308, %masked_sort3A_309, %masked_sort3A_316, %masked_sort3A_317 : vector<16xf32>, vector<16xi32>, vector<16xf32>, vector<16xi32>, vector<16xf32>, vector<16xi32>, vector<16xf32>, vector<16xi32>
              }
              scf.yield %cond3A_266#0, %cond3A_266#1, %cond3A_266#2, %cond3A_266#3, %cond3A_266#4, %cond3A_266#5, %cond3A_266#6, %cond3A_266#7 : vector<16xf32>, vector<16xi32>, vector<16xf32>, vector<16xi32>, vector<16xf32>, vector<16xi32>, vector<16xf32>, vector<16xi32>
            }
            %slice3A_258 = vector.extract_strided_slice %cond3A_257#0 {offsets = [15], sizes = [1], strides = [1]} : vector<16xf32> to vector<1xf32>
            %squeeze3A_259 = vector.extract %slice3A_258[0] : f32 from vector<1xf32>
            scf.yield %cond3A_257#0, %cond3A_257#1, %cond3A_257#2, %cond3A_257#3, %cond3A_257#4, %cond3A_257#5, %cond3A_257#6, %cond3A_257#7, %squeeze3A_259 : vector<16xf32>, vector<16xi32>, vector<16xf32>, vector<16xi32>, vector<16xf32>, vector<16xi32>, vector<16xf32>, vector<16xi32>, f32
          } else {
            scf.yield %cond3A_116#0, %cond3A_116#1, %cond3A_116#2, %cond3A_116#3, %cond3A_116#4, %cond3A_116#5, %cond3A_116#6, %cond3A_116#7, %cond3A_116#8 : vector<16xf32>, vector<16xi32>, vector<16xf32>, vector<16xi32>, vector<16xf32>, vector<16xi32>, vector<16xf32>, vector<16xi32>, f32
          }
          %add3A_132 = arith.constant 32 : i32
          %add3A_133 = arith.addi %mul3A_49, %add3A_132 : i32
          %add3A_134 = vector.broadcast %add3A_133 : i32 to vector<16xi32>
          %add3A_135 = arith.addi %add3A_134, %iota3A : vector<16xi32>
          %masked_sort3A_136 = arith.constant dense<true> : vector<16xi1>
          %masked_sort3A_137, %masked_sort3A_138, %masked_sort3A_139 = tpu.sort %get3A_60, %add3A_135 masked %masked_sort3A_136 : (vector<16xf32>, vector<16xi32>, vector<16xi1>) -> (vector<16xi1>, vector<16xf32>, vector<16xi32>)
          %slice3A_140 = vector.extract_strided_slice %masked_sort3A_138 {offsets = [15], sizes = [1], strides = [1]} : vector<16xf32> to vector<1xf32>
          %squeeze3A_141 = vector.extract %slice3A_140[0] : f32 from vector<1xf32>
          %gt3A_142 = arith.cmpf ogt, %squeeze3A_141, %cond3A_131#8 : f32
          %convert_element_type3A_143 = arith.extui %gt3A_142 : i1 to i32
          %cond3A_144 = arith.constant 0 : i32
          %cond3A_145 = arith.cmpi ne, %convert_element_type3A_143, %cond3A_144 : i32
          %cond3A_146:9 = scf.if %cond3A_145 -> (vector<16xf32>, vector<16xi32>, vector<16xf32>, vector<16xi32>, vector<16xf32>, vector<16xi32>, vector<16xf32>, vector<16xi32>, f32) {
            %slice3A_252 = vector.extract_strided_slice %cond3A_131#2 {offsets = [15], sizes = [1], strides = [1]} : vector<16xf32> to vector<1xf32>
            %squeeze3A_253 = vector.extract %slice3A_252[0] : f32 from vector<1xf32>
            %lt3A = arith.cmpf olt, %squeeze3A_141, %squeeze3A_253 : f32
            %convert_element_type3A_254 = arith.extui %lt3A : i1 to i32
            %cond3A_255 = arith.constant 0 : i32
            %cond3A_256 = arith.cmpi ne, %convert_element_type3A_254, %cond3A_255 : i32
            %cond3A_257:8 = scf.if %cond3A_256 -> (vector<16xf32>, vector<16xi32>, vector<16xf32>, vector<16xi32>, vector<16xf32>, vector<16xi32>, vector<16xf32>, vector<16xi32>) {
              %lt3A_260 = arith.cmpf olt, %masked_sort3A_138, %cond3A_131#0 : vector<16xf32>
              %select_n3A = arith.select %lt3A_260, %masked_sort3A_138, %cond3A_131#0 : vector<16xi1>, vector<16xf32>
              %select_n3A_261 = arith.select %lt3A_260, %masked_sort3A_139, %cond3A_131#1 : vector<16xi1>, vector<16xi32>
              %select_n3A_262 = arith.select %lt3A_260, %cond3A_131#0, %masked_sort3A_138 : vector<16xi1>, vector<16xf32>
              %select_n3A_263 = arith.select %lt3A_260, %cond3A_131#1, %masked_sort3A_139 : vector<16xi1>, vector<16xi32>
              %masked_sort3A_264 = arith.constant dense<true> : vector<16xi1>
              %masked_sort3A_265, %masked_sort3A_266, %masked_sort3A_267 = tpu.sort %select_n3A_262, %select_n3A_263 masked %masked_sort3A_264 {descending = true} : (vector<16xf32>, vector<16xi32>, vector<16xi1>) -> (vector<16xi1>, vector<16xf32>, vector<16xi32>)
              scf.yield %masked_sort3A_266, %masked_sort3A_267, %cond3A_131#2, %cond3A_131#3, %cond3A_131#4, %cond3A_131#5, %cond3A_131#6, %cond3A_131#7 : vector<16xf32>, vector<16xi32>, vector<16xf32>, vector<16xi32>, vector<16xf32>, vector<16xi32>, vector<16xf32>, vector<16xi32>
            } else {
              %slice3A_260 = vector.extract_strided_slice %cond3A_131#4 {offsets = [15], sizes = [1], strides = [1]} : vector<16xf32> to vector<1xf32>
              %squeeze3A_261 = vector.extract %slice3A_260[0] : f32 from vector<1xf32>
              %lt3A_262 = arith.cmpf olt, %squeeze3A_141, %squeeze3A_261 : f32
              %convert_element_type3A_263 = arith.extui %lt3A_262 : i1 to i32
              %cond3A_264 = arith.constant 0 : i32
              %cond3A_265 = arith.cmpi ne, %convert_element_type3A_263, %cond3A_264 : i32
              %cond3A_266:8 = scf.if %cond3A_265 -> (vector<16xf32>, vector<16xi32>, vector<16xf32>, vector<16xi32>, vector<16xf32>, vector<16xi32>, vector<16xf32>, vector<16xi32>) {
                %lt3A_267 = arith.cmpf olt, %masked_sort3A_138, %cond3A_131#0 : vector<16xf32>
                %select_n3A = arith.select %lt3A_267, %masked_sort3A_138, %cond3A_131#0 : vector<16xi1>, vector<16xf32>
                %select_n3A_268 = arith.select %lt3A_267, %masked_sort3A_139, %cond3A_131#1 : vector<16xi1>, vector<16xi32>
                %select_n3A_269 = arith.select %lt3A_267, %cond3A_131#0, %masked_sort3A_138 : vector<16xi1>, vector<16xf32>
                %select_n3A_270 = arith.select %lt3A_267, %cond3A_131#1, %masked_sort3A_139 : vector<16xi1>, vector<16xi32>
                %masked_sort3A_271 = arith.constant dense<true> : vector<16xi1>
                %masked_sort3A_272, %masked_sort3A_273, %masked_sort3A_274 = tpu.sort %select_n3A_269, %select_n3A_270 masked %masked_sort3A_271 : (vector<16xf32>, vector<16xi32>, vector<16xi1>) -> (vector<16xi1>, vector<16xf32>, vector<16xi32>)
                %lt3A_275 = arith.cmpf olt, %masked_sort3A_273, %cond3A_131#2 : vector<16xf32>
                %select_n3A_276 = arith.select %lt3A_275, %masked_sort3A_273, %cond3A_131#2 : vector<16xi1>, vector<16xf32>
                %select_n3A_277 = arith.select %lt3A_275, %masked_sort3A_274, %cond3A_131#3 : vector<16xi1>, vector<16xi32>
                %select_n3A_278 = arith.select %lt3A_275, %cond3A_131#2, %masked_sort3A_273 : vector<16xi1>, vector<16xf32>
                %select_n3A_279 = arith.select %lt3A_275, %cond3A_131#3, %masked_sort3A_274 : vector<16xi1>, vector<16xi32>
                %masked_sort3A_280 = arith.constant dense<true> : vector<16xi1>
                %masked_sort3A_281, %masked_sort3A_282, %masked_sort3A_283 = tpu.sort %select_n3A_276, %select_n3A_277 masked %masked_sort3A_280 {descending = true} : (vector<16xf32>, vector<16xi32>, vector<16xi1>) -> (vector<16xi1>, vector<16xf32>, vector<16xi32>)
                %masked_sort3A_284 = arith.constant dense<true> : vector<16xi1>
                %masked_sort3A_285, %masked_sort3A_286, %masked_sort3A_287 = tpu.sort %select_n3A_278, %select_n3A_279 masked %masked_sort3A_284 {descending = true} : (vector<16xf32>, vector<16xi32>, vector<16xi1>) -> (vector<16xi1>, vector<16xf32>, vector<16xi32>)
                scf.yield %masked_sort3A_282, %masked_sort3A_283, %masked_sort3A_286, %masked_sort3A_287, %cond3A_131#4, %cond3A_131#5, %cond3A_131#6, %cond3A_131#7 : vector<16xf32>, vector<16xi32>, vector<16xf32>, vector<16xi32>, vector<16xf32>, vector<16xi32>, vector<16xf32>, vector<16xi32>
              } else {
                %lt3A_267 = arith.cmpf olt, %masked_sort3A_138, %cond3A_131#0 : vector<16xf32>
                %select_n3A = arith.select %lt3A_267, %masked_sort3A_138, %cond3A_131#0 : vector<16xi1>, vector<16xf32>
                %select_n3A_268 = arith.select %lt3A_267, %masked_sort3A_139, %cond3A_131#1 : vector<16xi1>, vector<16xi32>
                %select_n3A_269 = arith.select %lt3A_267, %cond3A_131#0, %masked_sort3A_138 : vector<16xi1>, vector<16xf32>
                %select_n3A_270 = arith.select %lt3A_267, %cond3A_131#1, %masked_sort3A_139 : vector<16xi1>, vector<16xi32>
                %masked_sort3A_271 = arith.constant dense<true> : vector<16xi1>
                %masked_sort3A_272, %masked_sort3A_273, %masked_sort3A_274 = tpu.sort %select_n3A_269, %select_n3A_270 masked %masked_sort3A_271 : (vector<16xf32>, vector<16xi32>, vector<16xi1>) -> (vector<16xi1>, vector<16xf32>, vector<16xi32>)
                %lt3A_275 = arith.cmpf olt, %masked_sort3A_273, %cond3A_131#2 : vector<16xf32>
                %select_n3A_276 = arith.select %lt3A_275, %masked_sort3A_273, %cond3A_131#2 : vector<16xi1>, vector<16xf32>
                %select_n3A_277 = arith.select %lt3A_275, %masked_sort3A_274, %cond3A_131#3 : vector<16xi1>, vector<16xi32>
                %select_n3A_278 = arith.select %lt3A_275, %cond3A_131#2, %masked_sort3A_273 : vector<16xi1>, vector<16xf32>
                %select_n3A_279 = arith.select %lt3A_275, %cond3A_131#3, %masked_sort3A_274 : vector<16xi1>, vector<16xi32>
                %masked_sort3A_280 = arith.constant dense<true> : vector<16xi1>
                %masked_sort3A_281, %masked_sort3A_282, %masked_sort3A_283 = tpu.sort %select_n3A_276, %select_n3A_277 masked %masked_sort3A_280 {descending = true} : (vector<16xf32>, vector<16xi32>, vector<16xi1>) -> (vector<16xi1>, vector<16xf32>, vector<16xi32>)
                %masked_sort3A_284 = arith.constant dense<true> : vector<16xi1>
                %masked_sort3A_285, %masked_sort3A_286, %masked_sort3A_287 = tpu.sort %select_n3A_278, %select_n3A_279 masked %masked_sort3A_284 : (vector<16xf32>, vector<16xi32>, vector<16xi1>) -> (vector<16xi1>, vector<16xf32>, vector<16xi32>)
                %lt3A_288 = arith.cmpf olt, %masked_sort3A_286, %cond3A_131#4 : vector<16xf32>
                %select_n3A_289 = arith.select %lt3A_288, %masked_sort3A_286, %cond3A_131#4 : vector<16xi1>, vector<16xf32>
                %select_n3A_290 = arith.select %lt3A_288, %masked_sort3A_287, %cond3A_131#5 : vector<16xi1>, vector<16xi32>
                %select_n3A_291 = arith.select %lt3A_288, %cond3A_131#4, %masked_sort3A_286 : vector<16xi1>, vector<16xf32>
                %select_n3A_292 = arith.select %lt3A_288, %cond3A_131#5, %masked_sort3A_287 : vector<16xi1>, vector<16xi32>
                %masked_sort3A_293 = arith.constant dense<true> : vector<16xi1>
                %masked_sort3A_294, %masked_sort3A_295, %masked_sort3A_296 = tpu.sort %select_n3A_289, %select_n3A_290 masked %masked_sort3A_293 {descending = true} : (vector<16xf32>, vector<16xi32>, vector<16xi1>) -> (vector<16xi1>, vector<16xf32>, vector<16xi32>)
                %masked_sort3A_297 = arith.constant dense<true> : vector<16xi1>
                %masked_sort3A_298, %masked_sort3A_299, %masked_sort3A_300 = tpu.sort %select_n3A_291, %select_n3A_292 masked %masked_sort3A_297 : (vector<16xf32>, vector<16xi32>, vector<16xi1>) -> (vector<16xi1>, vector<16xf32>, vector<16xi32>)
                %lt3A_301 = arith.cmpf olt, %masked_sort3A_299, %cond3A_131#6 : vector<16xf32>
                %select_n3A_302 = arith.select %lt3A_301, %masked_sort3A_299, %cond3A_131#6 : vector<16xi1>, vector<16xf32>
                %select_n3A_303 = arith.select %lt3A_301, %masked_sort3A_300, %cond3A_131#7 : vector<16xi1>, vector<16xi32>
                %select_n3A_304 = arith.select %lt3A_301, %cond3A_131#6, %masked_sort3A_299 : vector<16xi1>, vector<16xf32>
                %select_n3A_305 = arith.select %lt3A_301, %cond3A_131#7, %masked_sort3A_300 : vector<16xi1>, vector<16xi32>
                %masked_sort3A_306 = arith.constant dense<true> : vector<16xi1>
                %masked_sort3A_307, %masked_sort3A_308, %masked_sort3A_309 = tpu.sort %select_n3A_302, %select_n3A_303 masked %masked_sort3A_306 {descending = true} : (vector<16xf32>, vector<16xi32>, vector<16xi1>) -> (vector<16xi1>, vector<16xf32>, vector<16xi32>)
                %masked_sort3A_310 = arith.constant dense<true> : vector<16xi1>
                %masked_sort3A_311, %masked_sort3A_312, %masked_sort3A_313 = tpu.sort %select_n3A_304, %select_n3A_305 masked %masked_sort3A_310 : (vector<16xf32>, vector<16xi32>, vector<16xi1>) -> (vector<16xi1>, vector<16xf32>, vector<16xi32>)
                %masked_sort3A_314 = arith.constant dense<true> : vector<16xi1>
                %masked_sort3A_315, %masked_sort3A_316, %masked_sort3A_317 = tpu.sort %masked_sort3A_312, %masked_sort3A_313 masked %masked_sort3A_314 {descending = true} : (vector<16xf32>, vector<16xi32>, vector<16xi1>) -> (vector<16xi1>, vector<16xf32>, vector<16xi32>)
                scf.yield %masked_sort3A_282, %masked_sort3A_283, %masked_sort3A_295, %masked_sort3A_296, %masked_sort3A_308, %masked_sort3A_309, %masked_sort3A_316, %masked_sort3A_317 : vector<16xf32>, vector<16xi32>, vector<16xf32>, vector<16xi32>, vector<16xf32>, vector<16xi32>, vector<16xf32>, vector<16xi32>
              }
              scf.yield %cond3A_266#0, %cond3A_266#1, %cond3A_266#2, %cond3A_266#3, %cond3A_266#4, %cond3A_266#5, %cond3A_266#6, %cond3A_266#7 : vector<16xf32>, vector<16xi32>, vector<16xf32>, vector<16xi32>, vector<16xf32>, vector<16xi32>, vector<16xf32>, vector<16xi32>
            }
            %slice3A_258 = vector.extract_strided_slice %cond3A_257#0 {offsets = [15], sizes = [1], strides = [1]} : vector<16xf32> to vector<1xf32>
            %squeeze3A_259 = vector.extract %slice3A_258[0] : f32 from vector<1xf32>
            scf.yield %cond3A_257#0, %cond3A_257#1, %cond3A_257#2, %cond3A_257#3, %cond3A_257#4, %cond3A_257#5, %cond3A_257#6, %cond3A_257#7, %squeeze3A_259 : vector<16xf32>, vector<16xi32>, vector<16xf32>, vector<16xi32>, vector<16xf32>, vector<16xi32>, vector<16xf32>, vector<16xi32>, f32
          } else {
            scf.yield %cond3A_131#0, %cond3A_131#1, %cond3A_131#2, %cond3A_131#3, %cond3A_131#4, %cond3A_131#5, %cond3A_131#6, %cond3A_131#7, %cond3A_131#8 : vector<16xf32>, vector<16xi32>, vector<16xf32>, vector<16xi32>, vector<16xf32>, vector<16xi32>, vector<16xf32>, vector<16xi32>, f32
          }
          %add3A_147 = arith.constant 48 : i32
          %add3A_148 = arith.addi %mul3A_49, %add3A_147 : i32
          %add3A_149 = vector.broadcast %add3A_148 : i32 to vector<16xi32>
          %add3A_150 = arith.addi %add3A_149, %iota3A : vector<16xi32>
          %masked_sort3A_151 = arith.constant dense<true> : vector<16xi1>
          %masked_sort3A_152, %masked_sort3A_153, %masked_sort3A_154 = tpu.sort %get3A_65, %add3A_150 masked %masked_sort3A_151 : (vector<16xf32>, vector<16xi32>, vector<16xi1>) -> (vector<16xi1>, vector<16xf32>, vector<16xi32>)
          %slice3A_155 = vector.extract_strided_slice %masked_sort3A_153 {offsets = [15], sizes = [1], strides = [1]} : vector<16xf32> to vector<1xf32>
          %squeeze3A_156 = vector.extract %slice3A_155[0] : f32 from vector<1xf32>
          %gt3A_157 = arith.cmpf ogt, %squeeze3A_156, %cond3A_146#8 : f32
          %convert_element_type3A_158 = arith.extui %gt3A_157 : i1 to i32
          %cond3A_159 = arith.constant 0 : i32
          %cond3A_160 = arith.cmpi ne, %convert_element_type3A_158, %cond3A_159 : i32
          %cond3A_161:9 = scf.if %cond3A_160 -> (vector<16xf32>, vector<16xi32>, vector<16xf32>, vector<16xi32>, vector<16xf32>, vector<16xi32>, vector<16xf32>, vector<16xi32>, f32) {
            %slice3A_252 = vector.extract_strided_slice %cond3A_146#2 {offsets = [15], sizes = [1], strides = [1]} : vector<16xf32> to vector<1xf32>
            %squeeze3A_253 = vector.extract %slice3A_252[0] : f32 from vector<1xf32>
            %lt3A = arith.cmpf olt, %squeeze3A_156, %squeeze3A_253 : f32
            %convert_element_type3A_254 = arith.extui %lt3A : i1 to i32
            %cond3A_255 = arith.constant 0 : i32
            %cond3A_256 = arith.cmpi ne, %convert_element_type3A_254, %cond3A_255 : i32
            %cond3A_257:8 = scf.if %cond3A_256 -> (vector<16xf32>, vector<16xi32>, vector<16xf32>, vector<16xi32>, vector<16xf32>, vector<16xi32>, vector<16xf32>, vector<16xi32>) {
              %lt3A_260 = arith.cmpf olt, %masked_sort3A_153, %cond3A_146#0 : vector<16xf32>
              %select_n3A = arith.select %lt3A_260, %masked_sort3A_153, %cond3A_146#0 : vector<16xi1>, vector<16xf32>
              %select_n3A_261 = arith.select %lt3A_260, %masked_sort3A_154, %cond3A_146#1 : vector<16xi1>, vector<16xi32>
              %select_n3A_262 = arith.select %lt3A_260, %cond3A_146#0, %masked_sort3A_153 : vector<16xi1>, vector<16xf32>
              %select_n3A_263 = arith.select %lt3A_260, %cond3A_146#1, %masked_sort3A_154 : vector<16xi1>, vector<16xi32>
              %masked_sort3A_264 = arith.constant dense<true> : vector<16xi1>
              %masked_sort3A_265, %masked_sort3A_266, %masked_sort3A_267 = tpu.sort %select_n3A_262, %select_n3A_263 masked %masked_sort3A_264 {descending = true} : (vector<16xf32>, vector<16xi32>, vector<16xi1>) -> (vector<16xi1>, vector<16xf32>, vector<16xi32>)
              scf.yield %masked_sort3A_266, %masked_sort3A_267, %cond3A_146#2, %cond3A_146#3, %cond3A_146#4, %cond3A_146#5, %cond3A_146#6, %cond3A_146#7 : vector<16xf32>, vector<16xi32>, vector<16xf32>, vector<16xi32>, vector<16xf32>, vector<16xi32>, vector<16xf32>, vector<16xi32>
            } else {
              %slice3A_260 = vector.extract_strided_slice %cond3A_146#4 {offsets = [15], sizes = [1], strides = [1]} : vector<16xf32> to vector<1xf32>
              %squeeze3A_261 = vector.extract %slice3A_260[0] : f32 from vector<1xf32>
              %lt3A_262 = arith.cmpf olt, %squeeze3A_156, %squeeze3A_261 : f32
              %convert_element_type3A_263 = arith.extui %lt3A_262 : i1 to i32
              %cond3A_264 = arith.constant 0 : i32
              %cond3A_265 = arith.cmpi ne, %convert_element_type3A_263, %cond3A_264 : i32
              %cond3A_266:8 = scf.if %cond3A_265 -> (vector<16xf32>, vector<16xi32>, vector<16xf32>, vector<16xi32>, vector<16xf32>, vector<16xi32>, vector<16xf32>, vector<16xi32>) {
                %lt3A_267 = arith.cmpf olt, %masked_sort3A_153, %cond3A_146#0 : vector<16xf32>
                %select_n3A = arith.select %lt3A_267, %masked_sort3A_153, %cond3A_146#0 : vector<16xi1>, vector<16xf32>
                %select_n3A_268 = arith.select %lt3A_267, %masked_sort3A_154, %cond3A_146#1 : vector<16xi1>, vector<16xi32>
                %select_n3A_269 = arith.select %lt3A_267, %cond3A_146#0, %masked_sort3A_153 : vector<16xi1>, vector<16xf32>
                %select_n3A_270 = arith.select %lt3A_267, %cond3A_146#1, %masked_sort3A_154 : vector<16xi1>, vector<16xi32>
                %masked_sort3A_271 = arith.constant dense<true> : vector<16xi1>
                %masked_sort3A_272, %masked_sort3A_273, %masked_sort3A_274 = tpu.sort %select_n3A_269, %select_n3A_270 masked %masked_sort3A_271 : (vector<16xf32>, vector<16xi32>, vector<16xi1>) -> (vector<16xi1>, vector<16xf32>, vector<16xi32>)
                %lt3A_275 = arith.cmpf olt, %masked_sort3A_273, %cond3A_146#2 : vector<16xf32>
                %select_n3A_276 = arith.select %lt3A_275, %masked_sort3A_273, %cond3A_146#2 : vector<16xi1>, vector<16xf32>
                %select_n3A_277 = arith.select %lt3A_275, %masked_sort3A_274, %cond3A_146#3 : vector<16xi1>, vector<16xi32>
                %select_n3A_278 = arith.select %lt3A_275, %cond3A_146#2, %masked_sort3A_273 : vector<16xi1>, vector<16xf32>
                %select_n3A_279 = arith.select %lt3A_275, %cond3A_146#3, %masked_sort3A_274 : vector<16xi1>, vector<16xi32>
                %masked_sort3A_280 = arith.constant dense<true> : vector<16xi1>
                %masked_sort3A_281, %masked_sort3A_282, %masked_sort3A_283 = tpu.sort %select_n3A_276, %select_n3A_277 masked %masked_sort3A_280 {descending = true} : (vector<16xf32>, vector<16xi32>, vector<16xi1>) -> (vector<16xi1>, vector<16xf32>, vector<16xi32>)
                %masked_sort3A_284 = arith.constant dense<true> : vector<16xi1>
                %masked_sort3A_285, %masked_sort3A_286, %masked_sort3A_287 = tpu.sort %select_n3A_278, %select_n3A_279 masked %masked_sort3A_284 {descending = true} : (vector<16xf32>, vector<16xi32>, vector<16xi1>) -> (vector<16xi1>, vector<16xf32>, vector<16xi32>)
                scf.yield %masked_sort3A_282, %masked_sort3A_283, %masked_sort3A_286, %masked_sort3A_287, %cond3A_146#4, %cond3A_146#5, %cond3A_146#6, %cond3A_146#7 : vector<16xf32>, vector<16xi32>, vector<16xf32>, vector<16xi32>, vector<16xf32>, vector<16xi32>, vector<16xf32>, vector<16xi32>
              } else {
                %lt3A_267 = arith.cmpf olt, %masked_sort3A_153, %cond3A_146#0 : vector<16xf32>
                %select_n3A = arith.select %lt3A_267, %masked_sort3A_153, %cond3A_146#0 : vector<16xi1>, vector<16xf32>
                %select_n3A_268 = arith.select %lt3A_267, %masked_sort3A_154, %cond3A_146#1 : vector<16xi1>, vector<16xi32>
                %select_n3A_269 = arith.select %lt3A_267, %cond3A_146#0, %masked_sort3A_153 : vector<16xi1>, vector<16xf32>
                %select_n3A_270 = arith.select %lt3A_267, %cond3A_146#1, %masked_sort3A_154 : vector<16xi1>, vector<16xi32>
                %masked_sort3A_271 = arith.constant dense<true> : vector<16xi1>
                %masked_sort3A_272, %masked_sort3A_273, %masked_sort3A_274 = tpu.sort %select_n3A_269, %select_n3A_270 masked %masked_sort3A_271 : (vector<16xf32>, vector<16xi32>, vector<16xi1>) -> (vector<16xi1>, vector<16xf32>, vector<16xi32>)
                %lt3A_275 = arith.cmpf olt, %masked_sort3A_273, %cond3A_146#2 : vector<16xf32>
                %select_n3A_276 = arith.select %lt3A_275, %masked_sort3A_273, %cond3A_146#2 : vector<16xi1>, vector<16xf32>
                %select_n3A_277 = arith.select %lt3A_275, %masked_sort3A_274, %cond3A_146#3 : vector<16xi1>, vector<16xi32>
                %select_n3A_278 = arith.select %lt3A_275, %cond3A_146#2, %masked_sort3A_273 : vector<16xi1>, vector<16xf32>
                %select_n3A_279 = arith.select %lt3A_275, %cond3A_146#3, %masked_sort3A_274 : vector<16xi1>, vector<16xi32>
                %masked_sort3A_280 = arith.constant dense<true> : vector<16xi1>
                %masked_sort3A_281, %masked_sort3A_282, %masked_sort3A_283 = tpu.sort %select_n3A_276, %select_n3A_277 masked %masked_sort3A_280 {descending = true} : (vector<16xf32>, vector<16xi32>, vector<16xi1>) -> (vector<16xi1>, vector<16xf32>, vector<16xi32>)
                %masked_sort3A_284 = arith.constant dense<true> : vector<16xi1>
                %masked_sort3A_285, %masked_sort3A_286, %masked_sort3A_287 = tpu.sort %select_n3A_278, %select_n3A_279 masked %masked_sort3A_284 : (vector<16xf32>, vector<16xi32>, vector<16xi1>) -> (vector<16xi1>, vector<16xf32>, vector<16xi32>)
                %lt3A_288 = arith.cmpf olt, %masked_sort3A_286, %cond3A_146#4 : vector<16xf32>
                %select_n3A_289 = arith.select %lt3A_288, %masked_sort3A_286, %cond3A_146#4 : vector<16xi1>, vector<16xf32>
                %select_n3A_290 = arith.select %lt3A_288, %masked_sort3A_287, %cond3A_146#5 : vector<16xi1>, vector<16xi32>
                %select_n3A_291 = arith.select %lt3A_288, %cond3A_146#4, %masked_sort3A_286 : vector<16xi1>, vector<16xf32>
                %select_n3A_292 = arith.select %lt3A_288, %cond3A_146#5, %masked_sort3A_287 : vector<16xi1>, vector<16xi32>
                %masked_sort3A_293 = arith.constant dense<true> : vector<16xi1>
                %masked_sort3A_294, %masked_sort3A_295, %masked_sort3A_296 = tpu.sort %select_n3A_289, %select_n3A_290 masked %masked_sort3A_293 {descending = true} : (vector<16xf32>, vector<16xi32>, vector<16xi1>) -> (vector<16xi1>, vector<16xf32>, vector<16xi32>)
                %masked_sort3A_297 = arith.constant dense<true> : vector<16xi1>
                %masked_sort3A_298, %masked_sort3A_299, %masked_sort3A_300 = tpu.sort %select_n3A_291, %select_n3A_292 masked %masked_sort3A_297 : (vector<16xf32>, vector<16xi32>, vector<16xi1>) -> (vector<16xi1>, vector<16xf32>, vector<16xi32>)
                %lt3A_301 = arith.cmpf olt, %masked_sort3A_299, %cond3A_146#6 : vector<16xf32>
                %select_n3A_302 = arith.select %lt3A_301, %masked_sort3A_299, %cond3A_146#6 : vector<16xi1>, vector<16xf32>
                %select_n3A_303 = arith.select %lt3A_301, %masked_sort3A_300, %cond3A_146#7 : vector<16xi1>, vector<16xi32>
                %select_n3A_304 = arith.select %lt3A_301, %cond3A_146#6, %masked_sort3A_299 : vector<16xi1>, vector<16xf32>
                %select_n3A_305 = arith.select %lt3A_301, %cond3A_146#7, %masked_sort3A_300 : vector<16xi1>, vector<16xi32>
                %masked_sort3A_306 = arith.constant dense<true> : vector<16xi1>
                %masked_sort3A_307, %masked_sort3A_308, %masked_sort3A_309 = tpu.sort %select_n3A_302, %select_n3A_303 masked %masked_sort3A_306 {descending = true} : (vector<16xf32>, vector<16xi32>, vector<16xi1>) -> (vector<16xi1>, vector<16xf32>, vector<16xi32>)
                %masked_sort3A_310 = arith.constant dense<true> : vector<16xi1>
                %masked_sort3A_311, %masked_sort3A_312, %masked_sort3A_313 = tpu.sort %select_n3A_304, %select_n3A_305 masked %masked_sort3A_310 : (vector<16xf32>, vector<16xi32>, vector<16xi1>) -> (vector<16xi1>, vector<16xf32>, vector<16xi32>)
                %masked_sort3A_314 = arith.constant dense<true> : vector<16xi1>
                %masked_sort3A_315, %masked_sort3A_316, %masked_sort3A_317 = tpu.sort %masked_sort3A_312, %masked_sort3A_313 masked %masked_sort3A_314 {descending = true} : (vector<16xf32>, vector<16xi32>, vector<16xi1>) -> (vector<16xi1>, vector<16xf32>, vector<16xi32>)
                scf.yield %masked_sort3A_282, %masked_sort3A_283, %masked_sort3A_295, %masked_sort3A_296, %masked_sort3A_308, %masked_sort3A_309, %masked_sort3A_316, %masked_sort3A_317 : vector<16xf32>, vector<16xi32>, vector<16xf32>, vector<16xi32>, vector<16xf32>, vector<16xi32>, vector<16xf32>, vector<16xi32>
              }
              scf.yield %cond3A_266#0, %cond3A_266#1, %cond3A_266#2, %cond3A_266#3, %cond3A_266#4, %cond3A_266#5, %cond3A_266#6, %cond3A_266#7 : vector<16xf32>, vector<16xi32>, vector<16xf32>, vector<16xi32>, vector<16xf32>, vector<16xi32>, vector<16xf32>, vector<16xi32>
            }
            %slice3A_258 = vector.extract_strided_slice %cond3A_257#0 {offsets = [15], sizes = [1], strides = [1]} : vector<16xf32> to vector<1xf32>
            %squeeze3A_259 = vector.extract %slice3A_258[0] : f32 from vector<1xf32>
            scf.yield %cond3A_257#0, %cond3A_257#1, %cond3A_257#2, %cond3A_257#3, %cond3A_257#4, %cond3A_257#5, %cond3A_257#6, %cond3A_257#7, %squeeze3A_259 : vector<16xf32>, vector<16xi32>, vector<16xf32>, vector<16xi32>, vector<16xf32>, vector<16xi32>, vector<16xf32>, vector<16xi32>, f32
          } else {
            scf.yield %cond3A_146#0, %cond3A_146#1, %cond3A_146#2, %cond3A_146#3, %cond3A_146#4, %cond3A_146#5, %cond3A_146#6, %cond3A_146#7, %cond3A_146#8 : vector<16xf32>, vector<16xi32>, vector<16xf32>, vector<16xi32>, vector<16xf32>, vector<16xi32>, vector<16xf32>, vector<16xi32>, f32
          }
          %add3A_162 = arith.constant 64 : i32
          %add3A_163 = arith.addi %mul3A_49, %add3A_162 : i32
          %add3A_164 = vector.broadcast %add3A_163 : i32 to vector<16xi32>
          %add3A_165 = arith.addi %add3A_164, %iota3A : vector<16xi32>
          %masked_sort3A_166 = arith.constant dense<true> : vector<16xi1>
          %masked_sort3A_167, %masked_sort3A_168, %masked_sort3A_169 = tpu.sort %get3A_70, %add3A_165 masked %masked_sort3A_166 : (vector<16xf32>, vector<16xi32>, vector<16xi1>) -> (vector<16xi1>, vector<16xf32>, vector<16xi32>)
          %slice3A_170 = vector.extract_strided_slice %masked_sort3A_168 {offsets = [15], sizes = [1], strides = [1]} : vector<16xf32> to vector<1xf32>
          %squeeze3A_171 = vector.extract %slice3A_170[0] : f32 from vector<1xf32>
          %gt3A_172 = arith.cmpf ogt, %squeeze3A_171, %cond3A_161#8 : f32
          %convert_element_type3A_173 = arith.extui %gt3A_172 : i1 to i32
          %cond3A_174 = arith.constant 0 : i32
          %cond3A_175 = arith.cmpi ne, %convert_element_type3A_173, %cond3A_174 : i32
          %cond3A_176:9 = scf.if %cond3A_175 -> (vector<16xf32>, vector<16xi32>, vector<16xf32>, vector<16xi32>, vector<16xf32>, vector<16xi32>, vector<16xf32>, vector<16xi32>, f32) {
            %slice3A_252 = vector.extract_strided_slice %cond3A_161#2 {offsets = [15], sizes = [1], strides = [1]} : vector<16xf32> to vector<1xf32>
            %squeeze3A_253 = vector.extract %slice3A_252[0] : f32 from vector<1xf32>
            %lt3A = arith.cmpf olt, %squeeze3A_171, %squeeze3A_253 : f32
            %convert_element_type3A_254 = arith.extui %lt3A : i1 to i32
            %cond3A_255 = arith.constant 0 : i32
            %cond3A_256 = arith.cmpi ne, %convert_element_type3A_254, %cond3A_255 : i32
            %cond3A_257:8 = scf.if %cond3A_256 -> (vector<16xf32>, vector<16xi32>, vector<16xf32>, vector<16xi32>, vector<16xf32>, vector<16xi32>, vector<16xf32>, vector<16xi32>) {
              %lt3A_260 = arith.cmpf olt, %masked_sort3A_168, %cond3A_161#0 : vector<16xf32>
              %select_n3A = arith.select %lt3A_260, %masked_sort3A_168, %cond3A_161#0 : vector<16xi1>, vector<16xf32>
              %select_n3A_261 = arith.select %lt3A_260, %masked_sort3A_169, %cond3A_161#1 : vector<16xi1>, vector<16xi32>
              %select_n3A_262 = arith.select %lt3A_260, %cond3A_161#0, %masked_sort3A_168 : vector<16xi1>, vector<16xf32>
              %select_n3A_263 = arith.select %lt3A_260, %cond3A_161#1, %masked_sort3A_169 : vector<16xi1>, vector<16xi32>
              %masked_sort3A_264 = arith.constant dense<true> : vector<16xi1>
              %masked_sort3A_265, %masked_sort3A_266, %masked_sort3A_267 = tpu.sort %select_n3A_262, %select_n3A_263 masked %masked_sort3A_264 {descending = true} : (vector<16xf32>, vector<16xi32>, vector<16xi1>) -> (vector<16xi1>, vector<16xf32>, vector<16xi32>)
              scf.yield %masked_sort3A_266, %masked_sort3A_267, %cond3A_161#2, %cond3A_161#3, %cond3A_161#4, %cond3A_161#5, %cond3A_161#6, %cond3A_161#7 : vector<16xf32>, vector<16xi32>, vector<16xf32>, vector<16xi32>, vector<16xf32>, vector<16xi32>, vector<16xf32>, vector<16xi32>
            } else {
              %slice3A_260 = vector.extract_strided_slice %cond3A_161#4 {offsets = [15], sizes = [1], strides = [1]} : vector<16xf32> to vector<1xf32>
              %squeeze3A_261 = vector.extract %slice3A_260[0] : f32 from vector<1xf32>
              %lt3A_262 = arith.cmpf olt, %squeeze3A_171, %squeeze3A_261 : f32
              %convert_element_type3A_263 = arith.extui %lt3A_262 : i1 to i32
              %cond3A_264 = arith.constant 0 : i32
              %cond3A_265 = arith.cmpi ne, %convert_element_type3A_263, %cond3A_264 : i32
              %cond3A_266:8 = scf.if %cond3A_265 -> (vector<16xf32>, vector<16xi32>, vector<16xf32>, vector<16xi32>, vector<16xf32>, vector<16xi32>, vector<16xf32>, vector<16xi32>) {
                %lt3A_267 = arith.cmpf olt, %masked_sort3A_168, %cond3A_161#0 : vector<16xf32>
                %select_n3A = arith.select %lt3A_267, %masked_sort3A_168, %cond3A_161#0 : vector<16xi1>, vector<16xf32>
                %select_n3A_268 = arith.select %lt3A_267, %masked_sort3A_169, %cond3A_161#1 : vector<16xi1>, vector<16xi32>
                %select_n3A_269 = arith.select %lt3A_267, %cond3A_161#0, %masked_sort3A_168 : vector<16xi1>, vector<16xf32>
                %select_n3A_270 = arith.select %lt3A_267, %cond3A_161#1, %masked_sort3A_169 : vector<16xi1>, vector<16xi32>
                %masked_sort3A_271 = arith.constant dense<true> : vector<16xi1>
                %masked_sort3A_272, %masked_sort3A_273, %masked_sort3A_274 = tpu.sort %select_n3A_269, %select_n3A_270 masked %masked_sort3A_271 : (vector<16xf32>, vector<16xi32>, vector<16xi1>) -> (vector<16xi1>, vector<16xf32>, vector<16xi32>)
                %lt3A_275 = arith.cmpf olt, %masked_sort3A_273, %cond3A_161#2 : vector<16xf32>
                %select_n3A_276 = arith.select %lt3A_275, %masked_sort3A_273, %cond3A_161#2 : vector<16xi1>, vector<16xf32>
                %select_n3A_277 = arith.select %lt3A_275, %masked_sort3A_274, %cond3A_161#3 : vector<16xi1>, vector<16xi32>
                %select_n3A_278 = arith.select %lt3A_275, %cond3A_161#2, %masked_sort3A_273 : vector<16xi1>, vector<16xf32>
                %select_n3A_279 = arith.select %lt3A_275, %cond3A_161#3, %masked_sort3A_274 : vector<16xi1>, vector<16xi32>
                %masked_sort3A_280 = arith.constant dense<true> : vector<16xi1>
                %masked_sort3A_281, %masked_sort3A_282, %masked_sort3A_283 = tpu.sort %select_n3A_276, %select_n3A_277 masked %masked_sort3A_280 {descending = true} : (vector<16xf32>, vector<16xi32>, vector<16xi1>) -> (vector<16xi1>, vector<16xf32>, vector<16xi32>)
                %masked_sort3A_284 = arith.constant dense<true> : vector<16xi1>
                %masked_sort3A_285, %masked_sort3A_286, %masked_sort3A_287 = tpu.sort %select_n3A_278, %select_n3A_279 masked %masked_sort3A_284 {descending = true} : (vector<16xf32>, vector<16xi32>, vector<16xi1>) -> (vector<16xi1>, vector<16xf32>, vector<16xi32>)
                scf.yield %masked_sort3A_282, %masked_sort3A_283, %masked_sort3A_286, %masked_sort3A_287, %cond3A_161#4, %cond3A_161#5, %cond3A_161#6, %cond3A_161#7 : vector<16xf32>, vector<16xi32>, vector<16xf32>, vector<16xi32>, vector<16xf32>, vector<16xi32>, vector<16xf32>, vector<16xi32>
              } else {
                %lt3A_267 = arith.cmpf olt, %masked_sort3A_168, %cond3A_161#0 : vector<16xf32>
                %select_n3A = arith.select %lt3A_267, %masked_sort3A_168, %cond3A_161#0 : vector<16xi1>, vector<16xf32>
                %select_n3A_268 = arith.select %lt3A_267, %masked_sort3A_169, %cond3A_161#1 : vector<16xi1>, vector<16xi32>
                %select_n3A_269 = arith.select %lt3A_267, %cond3A_161#0, %masked_sort3A_168 : vector<16xi1>, vector<16xf32>
                %select_n3A_270 = arith.select %lt3A_267, %cond3A_161#1, %masked_sort3A_169 : vector<16xi1>, vector<16xi32>
                %masked_sort3A_271 = arith.constant dense<true> : vector<16xi1>
                %masked_sort3A_272, %masked_sort3A_273, %masked_sort3A_274 = tpu.sort %select_n3A_269, %select_n3A_270 masked %masked_sort3A_271 : (vector<16xf32>, vector<16xi32>, vector<16xi1>) -> (vector<16xi1>, vector<16xf32>, vector<16xi32>)
                %lt3A_275 = arith.cmpf olt, %masked_sort3A_273, %cond3A_161#2 : vector<16xf32>
                %select_n3A_276 = arith.select %lt3A_275, %masked_sort3A_273, %cond3A_161#2 : vector<16xi1>, vector<16xf32>
                %select_n3A_277 = arith.select %lt3A_275, %masked_sort3A_274, %cond3A_161#3 : vector<16xi1>, vector<16xi32>
                %select_n3A_278 = arith.select %lt3A_275, %cond3A_161#2, %masked_sort3A_273 : vector<16xi1>, vector<16xf32>
                %select_n3A_279 = arith.select %lt3A_275, %cond3A_161#3, %masked_sort3A_274 : vector<16xi1>, vector<16xi32>
                %masked_sort3A_280 = arith.constant dense<true> : vector<16xi1>
                %masked_sort3A_281, %masked_sort3A_282, %masked_sort3A_283 = tpu.sort %select_n3A_276, %select_n3A_277 masked %masked_sort3A_280 {descending = true} : (vector<16xf32>, vector<16xi32>, vector<16xi1>) -> (vector<16xi1>, vector<16xf32>, vector<16xi32>)
                %masked_sort3A_284 = arith.constant dense<true> : vector<16xi1>
                %masked_sort3A_285, %masked_sort3A_286, %masked_sort3A_287 = tpu.sort %select_n3A_278, %select_n3A_279 masked %masked_sort3A_284 : (vector<16xf32>, vector<16xi32>, vector<16xi1>) -> (vector<16xi1>, vector<16xf32>, vector<16xi32>)
                %lt3A_288 = arith.cmpf olt, %masked_sort3A_286, %cond3A_161#4 : vector<16xf32>
                %select_n3A_289 = arith.select %lt3A_288, %masked_sort3A_286, %cond3A_161#4 : vector<16xi1>, vector<16xf32>
                %select_n3A_290 = arith.select %lt3A_288, %masked_sort3A_287, %cond3A_161#5 : vector<16xi1>, vector<16xi32>
                %select_n3A_291 = arith.select %lt3A_288, %cond3A_161#4, %masked_sort3A_286 : vector<16xi1>, vector<16xf32>
                %select_n3A_292 = arith.select %lt3A_288, %cond3A_161#5, %masked_sort3A_287 : vector<16xi1>, vector<16xi32>
                %masked_sort3A_293 = arith.constant dense<true> : vector<16xi1>
                %masked_sort3A_294, %masked_sort3A_295, %masked_sort3A_296 = tpu.sort %select_n3A_289, %select_n3A_290 masked %masked_sort3A_293 {descending = true} : (vector<16xf32>, vector<16xi32>, vector<16xi1>) -> (vector<16xi1>, vector<16xf32>, vector<16xi32>)
                %masked_sort3A_297 = arith.constant dense<true> : vector<16xi1>
                %masked_sort3A_298, %masked_sort3A_299, %masked_sort3A_300 = tpu.sort %select_n3A_291, %select_n3A_292 masked %masked_sort3A_297 : (vector<16xf32>, vector<16xi32>, vector<16xi1>) -> (vector<16xi1>, vector<16xf32>, vector<16xi32>)
                %lt3A_301 = arith.cmpf olt, %masked_sort3A_299, %cond3A_161#6 : vector<16xf32>
                %select_n3A_302 = arith.select %lt3A_301, %masked_sort3A_299, %cond3A_161#6 : vector<16xi1>, vector<16xf32>
                %select_n3A_303 = arith.select %lt3A_301, %masked_sort3A_300, %cond3A_161#7 : vector<16xi1>, vector<16xi32>
                %select_n3A_304 = arith.select %lt3A_301, %cond3A_161#6, %masked_sort3A_299 : vector<16xi1>, vector<16xf32>
                %select_n3A_305 = arith.select %lt3A_301, %cond3A_161#7, %masked_sort3A_300 : vector<16xi1>, vector<16xi32>
                %masked_sort3A_306 = arith.constant dense<true> : vector<16xi1>
                %masked_sort3A_307, %masked_sort3A_308, %masked_sort3A_309 = tpu.sort %select_n3A_302, %select_n3A_303 masked %masked_sort3A_306 {descending = true} : (vector<16xf32>, vector<16xi32>, vector<16xi1>) -> (vector<16xi1>, vector<16xf32>, vector<16xi32>)
                %masked_sort3A_310 = arith.constant dense<true> : vector<16xi1>
                %masked_sort3A_311, %masked_sort3A_312, %masked_sort3A_313 = tpu.sort %select_n3A_304, %select_n3A_305 masked %masked_sort3A_310 : (vector<16xf32>, vector<16xi32>, vector<16xi1>) -> (vector<16xi1>, vector<16xf32>, vector<16xi32>)
                %masked_sort3A_314 = arith.constant dense<true> : vector<16xi1>
                %masked_sort3A_315, %masked_sort3A_316, %masked_sort3A_317 = tpu.sort %masked_sort3A_312, %masked_sort3A_313 masked %masked_sort3A_314 {descending = true} : (vector<16xf32>, vector<16xi32>, vector<16xi1>) -> (vector<16xi1>, vector<16xf32>, vector<16xi32>)
                scf.yield %masked_sort3A_282, %masked_sort3A_283, %masked_sort3A_295, %masked_sort3A_296, %masked_sort3A_308, %masked_sort3A_309, %masked_sort3A_316, %masked_sort3A_317 : vector<16xf32>, vector<16xi32>, vector<16xf32>, vector<16xi32>, vector<16xf32>, vector<16xi32>, vector<16xf32>, vector<16xi32>
              }
              scf.yield %cond3A_266#0, %cond3A_266#1, %cond3A_266#2, %cond3A_266#3, %cond3A_266#4, %cond3A_266#5, %cond3A_266#6, %cond3A_266#7 : vector<16xf32>, vector<16xi32>, vector<16xf32>, vector<16xi32>, vector<16xf32>, vector<16xi32>, vector<16xf32>, vector<16xi32>
            }
            %slice3A_258 = vector.extract_strided_slice %cond3A_257#0 {offsets = [15], sizes = [1], strides = [1]} : vector<16xf32> to vector<1xf32>
            %squeeze3A_259 = vector.extract %slice3A_258[0] : f32 from vector<1xf32>
            scf.yield %cond3A_257#0, %cond3A_257#1, %cond3A_257#2, %cond3A_257#3, %cond3A_257#4, %cond3A_257#5, %cond3A_257#6, %cond3A_257#7, %squeeze3A_259 : vector<16xf32>, vector<16xi32>, vector<16xf32>, vector<16xi32>, vector<16xf32>, vector<16xi32>, vector<16xf32>, vector<16xi32>, f32
          } else {
            scf.yield %cond3A_161#0, %cond3A_161#1, %cond3A_161#2, %cond3A_161#3, %cond3A_161#4, %cond3A_161#5, %cond3A_161#6, %cond3A_161#7, %cond3A_161#8 : vector<16xf32>, vector<16xi32>, vector<16xf32>, vector<16xi32>, vector<16xf32>, vector<16xi32>, vector<16xf32>, vector<16xi32>, f32
          }
          %add3A_177 = arith.constant 80 : i32
          %add3A_178 = arith.addi %mul3A_49, %add3A_177 : i32
          %add3A_179 = vector.broadcast %add3A_178 : i32 to vector<16xi32>
          %add3A_180 = arith.addi %add3A_179, %iota3A : vector<16xi32>
          %masked_sort3A_181 = arith.constant dense<true> : vector<16xi1>
          %masked_sort3A_182, %masked_sort3A_183, %masked_sort3A_184 = tpu.sort %get3A_75, %add3A_180 masked %masked_sort3A_181 : (vector<16xf32>, vector<16xi32>, vector<16xi1>) -> (vector<16xi1>, vector<16xf32>, vector<16xi32>)
          %slice3A_185 = vector.extract_strided_slice %masked_sort3A_183 {offsets = [15], sizes = [1], strides = [1]} : vector<16xf32> to vector<1xf32>
          %squeeze3A_186 = vector.extract %slice3A_185[0] : f32 from vector<1xf32>
          %gt3A_187 = arith.cmpf ogt, %squeeze3A_186, %cond3A_176#8 : f32
          %convert_element_type3A_188 = arith.extui %gt3A_187 : i1 to i32
          %cond3A_189 = arith.constant 0 : i32
          %cond3A_190 = arith.cmpi ne, %convert_element_type3A_188, %cond3A_189 : i32
          %cond3A_191:9 = scf.if %cond3A_190 -> (vector<16xf32>, vector<16xi32>, vector<16xf32>, vector<16xi32>, vector<16xf32>, vector<16xi32>, vector<16xf32>, vector<16xi32>, f32) {
            %slice3A_252 = vector.extract_strided_slice %cond3A_176#2 {offsets = [15], sizes = [1], strides = [1]} : vector<16xf32> to vector<1xf32>
            %squeeze3A_253 = vector.extract %slice3A_252[0] : f32 from vector<1xf32>
            %lt3A = arith.cmpf olt, %squeeze3A_186, %squeeze3A_253 : f32
            %convert_element_type3A_254 = arith.extui %lt3A : i1 to i32
            %cond3A_255 = arith.constant 0 : i32
            %cond3A_256 = arith.cmpi ne, %convert_element_type3A_254, %cond3A_255 : i32
            %cond3A_257:8 = scf.if %cond3A_256 -> (vector<16xf32>, vector<16xi32>, vector<16xf32>, vector<16xi32>, vector<16xf32>, vector<16xi32>, vector<16xf32>, vector<16xi32>) {
              %lt3A_260 = arith.cmpf olt, %masked_sort3A_183, %cond3A_176#0 : vector<16xf32>
              %select_n3A = arith.select %lt3A_260, %masked_sort3A_183, %cond3A_176#0 : vector<16xi1>, vector<16xf32>
              %select_n3A_261 = arith.select %lt3A_260, %masked_sort3A_184, %cond3A_176#1 : vector<16xi1>, vector<16xi32>
              %select_n3A_262 = arith.select %lt3A_260, %cond3A_176#0, %masked_sort3A_183 : vector<16xi1>, vector<16xf32>
              %select_n3A_263 = arith.select %lt3A_260, %cond3A_176#1, %masked_sort3A_184 : vector<16xi1>, vector<16xi32>
              %masked_sort3A_264 = arith.constant dense<true> : vector<16xi1>
              %masked_sort3A_265, %masked_sort3A_266, %masked_sort3A_267 = tpu.sort %select_n3A_262, %select_n3A_263 masked %masked_sort3A_264 {descending = true} : (vector<16xf32>, vector<16xi32>, vector<16xi1>) -> (vector<16xi1>, vector<16xf32>, vector<16xi32>)
              scf.yield %masked_sort3A_266, %masked_sort3A_267, %cond3A_176#2, %cond3A_176#3, %cond3A_176#4, %cond3A_176#5, %cond3A_176#6, %cond3A_176#7 : vector<16xf32>, vector<16xi32>, vector<16xf32>, vector<16xi32>, vector<16xf32>, vector<16xi32>, vector<16xf32>, vector<16xi32>
            } else {
              %slice3A_260 = vector.extract_strided_slice %cond3A_176#4 {offsets = [15], sizes = [1], strides = [1]} : vector<16xf32> to vector<1xf32>
              %squeeze3A_261 = vector.extract %slice3A_260[0] : f32 from vector<1xf32>
              %lt3A_262 = arith.cmpf olt, %squeeze3A_186, %squeeze3A_261 : f32
              %convert_element_type3A_263 = arith.extui %lt3A_262 : i1 to i32
              %cond3A_264 = arith.constant 0 : i32
              %cond3A_265 = arith.cmpi ne, %convert_element_type3A_263, %cond3A_264 : i32
              %cond3A_266:8 = scf.if %cond3A_265 -> (vector<16xf32>, vector<16xi32>, vector<16xf32>, vector<16xi32>, vector<16xf32>, vector<16xi32>, vector<16xf32>, vector<16xi32>) {
                %lt3A_267 = arith.cmpf olt, %masked_sort3A_183, %cond3A_176#0 : vector<16xf32>
                %select_n3A = arith.select %lt3A_267, %masked_sort3A_183, %cond3A_176#0 : vector<16xi1>, vector<16xf32>
                %select_n3A_268 = arith.select %lt3A_267, %masked_sort3A_184, %cond3A_176#1 : vector<16xi1>, vector<16xi32>
                %select_n3A_269 = arith.select %lt3A_267, %cond3A_176#0, %masked_sort3A_183 : vector<16xi1>, vector<16xf32>
                %select_n3A_270 = arith.select %lt3A_267, %cond3A_176#1, %masked_sort3A_184 : vector<16xi1>, vector<16xi32>
                %masked_sort3A_271 = arith.constant dense<true> : vector<16xi1>
                %masked_sort3A_272, %masked_sort3A_273, %masked_sort3A_274 = tpu.sort %select_n3A_269, %select_n3A_270 masked %masked_sort3A_271 : (vector<16xf32>, vector<16xi32>, vector<16xi1>) -> (vector<16xi1>, vector<16xf32>, vector<16xi32>)
                %lt3A_275 = arith.cmpf olt, %masked_sort3A_273, %cond3A_176#2 : vector<16xf32>
                %select_n3A_276 = arith.select %lt3A_275, %masked_sort3A_273, %cond3A_176#2 : vector<16xi1>, vector<16xf32>
                %select_n3A_277 = arith.select %lt3A_275, %masked_sort3A_274, %cond3A_176#3 : vector<16xi1>, vector<16xi32>
                %select_n3A_278 = arith.select %lt3A_275, %cond3A_176#2, %masked_sort3A_273 : vector<16xi1>, vector<16xf32>
                %select_n3A_279 = arith.select %lt3A_275, %cond3A_176#3, %masked_sort3A_274 : vector<16xi1>, vector<16xi32>
                %masked_sort3A_280 = arith.constant dense<true> : vector<16xi1>
                %masked_sort3A_281, %masked_sort3A_282, %masked_sort3A_283 = tpu.sort %select_n3A_276, %select_n3A_277 masked %masked_sort3A_280 {descending = true} : (vector<16xf32>, vector<16xi32>, vector<16xi1>) -> (vector<16xi1>, vector<16xf32>, vector<16xi32>)
                %masked_sort3A_284 = arith.constant dense<true> : vector<16xi1>
                %masked_sort3A_285, %masked_sort3A_286, %masked_sort3A_287 = tpu.sort %select_n3A_278, %select_n3A_279 masked %masked_sort3A_284 {descending = true} : (vector<16xf32>, vector<16xi32>, vector<16xi1>) -> (vector<16xi1>, vector<16xf32>, vector<16xi32>)
                scf.yield %masked_sort3A_282, %masked_sort3A_283, %masked_sort3A_286, %masked_sort3A_287, %cond3A_176#4, %cond3A_176#5, %cond3A_176#6, %cond3A_176#7 : vector<16xf32>, vector<16xi32>, vector<16xf32>, vector<16xi32>, vector<16xf32>, vector<16xi32>, vector<16xf32>, vector<16xi32>
              } else {
                %lt3A_267 = arith.cmpf olt, %masked_sort3A_183, %cond3A_176#0 : vector<16xf32>
                %select_n3A = arith.select %lt3A_267, %masked_sort3A_183, %cond3A_176#0 : vector<16xi1>, vector<16xf32>
                %select_n3A_268 = arith.select %lt3A_267, %masked_sort3A_184, %cond3A_176#1 : vector<16xi1>, vector<16xi32>
                %select_n3A_269 = arith.select %lt3A_267, %cond3A_176#0, %masked_sort3A_183 : vector<16xi1>, vector<16xf32>
                %select_n3A_270 = arith.select %lt3A_267, %cond3A_176#1, %masked_sort3A_184 : vector<16xi1>, vector<16xi32>
                %masked_sort3A_271 = arith.constant dense<true> : vector<16xi1>
                %masked_sort3A_272, %masked_sort3A_273, %masked_sort3A_274 = tpu.sort %select_n3A_269, %select_n3A_270 masked %masked_sort3A_271 : (vector<16xf32>, vector<16xi32>, vector<16xi1>) -> (vector<16xi1>, vector<16xf32>, vector<16xi32>)
                %lt3A_275 = arith.cmpf olt, %masked_sort3A_273, %cond3A_176#2 : vector<16xf32>
                %select_n3A_276 = arith.select %lt3A_275, %masked_sort3A_273, %cond3A_176#2 : vector<16xi1>, vector<16xf32>
                %select_n3A_277 = arith.select %lt3A_275, %masked_sort3A_274, %cond3A_176#3 : vector<16xi1>, vector<16xi32>
                %select_n3A_278 = arith.select %lt3A_275, %cond3A_176#2, %masked_sort3A_273 : vector<16xi1>, vector<16xf32>
                %select_n3A_279 = arith.select %lt3A_275, %cond3A_176#3, %masked_sort3A_274 : vector<16xi1>, vector<16xi32>
                %masked_sort3A_280 = arith.constant dense<true> : vector<16xi1>
                %masked_sort3A_281, %masked_sort3A_282, %masked_sort3A_283 = tpu.sort %select_n3A_276, %select_n3A_277 masked %masked_sort3A_280 {descending = true} : (vector<16xf32>, vector<16xi32>, vector<16xi1>) -> (vector<16xi1>, vector<16xf32>, vector<16xi32>)
                %masked_sort3A_284 = arith.constant dense<true> : vector<16xi1>
                %masked_sort3A_285, %masked_sort3A_286, %masked_sort3A_287 = tpu.sort %select_n3A_278, %select_n3A_279 masked %masked_sort3A_284 : (vector<16xf32>, vector<16xi32>, vector<16xi1>) -> (vector<16xi1>, vector<16xf32>, vector<16xi32>)
                %lt3A_288 = arith.cmpf olt, %masked_sort3A_286, %cond3A_176#4 : vector<16xf32>
                %select_n3A_289 = arith.select %lt3A_288, %masked_sort3A_286, %cond3A_176#4 : vector<16xi1>, vector<16xf32>
                %select_n3A_290 = arith.select %lt3A_288, %masked_sort3A_287, %cond3A_176#5 : vector<16xi1>, vector<16xi32>
                %select_n3A_291 = arith.select %lt3A_288, %cond3A_176#4, %masked_sort3A_286 : vector<16xi1>, vector<16xf32>
                %select_n3A_292 = arith.select %lt3A_288, %cond3A_176#5, %masked_sort3A_287 : vector<16xi1>, vector<16xi32>
                %masked_sort3A_293 = arith.constant dense<true> : vector<16xi1>
                %masked_sort3A_294, %masked_sort3A_295, %masked_sort3A_296 = tpu.sort %select_n3A_289, %select_n3A_290 masked %masked_sort3A_293 {descending = true} : (vector<16xf32>, vector<16xi32>, vector<16xi1>) -> (vector<16xi1>, vector<16xf32>, vector<16xi32>)
                %masked_sort3A_297 = arith.constant dense<true> : vector<16xi1>
                %masked_sort3A_298, %masked_sort3A_299, %masked_sort3A_300 = tpu.sort %select_n3A_291, %select_n3A_292 masked %masked_sort3A_297 : (vector<16xf32>, vector<16xi32>, vector<16xi1>) -> (vector<16xi1>, vector<16xf32>, vector<16xi32>)
                %lt3A_301 = arith.cmpf olt, %masked_sort3A_299, %cond3A_176#6 : vector<16xf32>
                %select_n3A_302 = arith.select %lt3A_301, %masked_sort3A_299, %cond3A_176#6 : vector<16xi1>, vector<16xf32>
                %select_n3A_303 = arith.select %lt3A_301, %masked_sort3A_300, %cond3A_176#7 : vector<16xi1>, vector<16xi32>
                %select_n3A_304 = arith.select %lt3A_301, %cond3A_176#6, %masked_sort3A_299 : vector<16xi1>, vector<16xf32>
                %select_n3A_305 = arith.select %lt3A_301, %cond3A_176#7, %masked_sort3A_300 : vector<16xi1>, vector<16xi32>
                %masked_sort3A_306 = arith.constant dense<true> : vector<16xi1>
                %masked_sort3A_307, %masked_sort3A_308, %masked_sort3A_309 = tpu.sort %select_n3A_302, %select_n3A_303 masked %masked_sort3A_306 {descending = true} : (vector<16xf32>, vector<16xi32>, vector<16xi1>) -> (vector<16xi1>, vector<16xf32>, vector<16xi32>)
                %masked_sort3A_310 = arith.constant dense<true> : vector<16xi1>
                %masked_sort3A_311, %masked_sort3A_312, %masked_sort3A_313 = tpu.sort %select_n3A_304, %select_n3A_305 masked %masked_sort3A_310 : (vector<16xf32>, vector<16xi32>, vector<16xi1>) -> (vector<16xi1>, vector<16xf32>, vector<16xi32>)
                %masked_sort3A_314 = arith.constant dense<true> : vector<16xi1>
                %masked_sort3A_315, %masked_sort3A_316, %masked_sort3A_317 = tpu.sort %masked_sort3A_312, %masked_sort3A_313 masked %masked_sort3A_314 {descending = true} : (vector<16xf32>, vector<16xi32>, vector<16xi1>) -> (vector<16xi1>, vector<16xf32>, vector<16xi32>)
                scf.yield %masked_sort3A_282, %masked_sort3A_283, %masked_sort3A_295, %masked_sort3A_296, %masked_sort3A_308, %masked_sort3A_309, %masked_sort3A_316, %masked_sort3A_317 : vector<16xf32>, vector<16xi32>, vector<16xf32>, vector<16xi32>, vector<16xf32>, vector<16xi32>, vector<16xf32>, vector<16xi32>
              }
              scf.yield %cond3A_266#0, %cond3A_266#1, %cond3A_266#2, %cond3A_266#3, %cond3A_266#4, %cond3A_266#5, %cond3A_266#6, %cond3A_266#7 : vector<16xf32>, vector<16xi32>, vector<16xf32>, vector<16xi32>, vector<16xf32>, vector<16xi32>, vector<16xf32>, vector<16xi32>
            }
            %slice3A_258 = vector.extract_strided_slice %cond3A_257#0 {offsets = [15], sizes = [1], strides = [1]} : vector<16xf32> to vector<1xf32>
            %squeeze3A_259 = vector.extract %slice3A_258[0] : f32 from vector<1xf32>
            scf.yield %cond3A_257#0, %cond3A_257#1, %cond3A_257#2, %cond3A_257#3, %cond3A_257#4, %cond3A_257#5, %cond3A_257#6, %cond3A_257#7, %squeeze3A_259 : vector<16xf32>, vector<16xi32>, vector<16xf32>, vector<16xi32>, vector<16xf32>, vector<16xi32>, vector<16xf32>, vector<16xi32>, f32
          } else {
            scf.yield %cond3A_176#0, %cond3A_176#1, %cond3A_176#2, %cond3A_176#3, %cond3A_176#4, %cond3A_176#5, %cond3A_176#6, %cond3A_176#7, %cond3A_176#8 : vector<16xf32>, vector<16xi32>, vector<16xf32>, vector<16xi32>, vector<16xf32>, vector<16xi32>, vector<16xf32>, vector<16xi32>, f32
          }
          %add3A_192 = arith.constant 96 : i32
          %add3A_193 = arith.addi %mul3A_49, %add3A_192 : i32
          %add3A_194 = vector.broadcast %add3A_193 : i32 to vector<16xi32>
          %add3A_195 = arith.addi %add3A_194, %iota3A : vector<16xi32>
          %masked_sort3A_196 = arith.constant dense<true> : vector<16xi1>
          %masked_sort3A_197, %masked_sort3A_198, %masked_sort3A_199 = tpu.sort %get3A_80, %add3A_195 masked %masked_sort3A_196 : (vector<16xf32>, vector<16xi32>, vector<16xi1>) -> (vector<16xi1>, vector<16xf32>, vector<16xi32>)
          %slice3A_200 = vector.extract_strided_slice %masked_sort3A_198 {offsets = [15], sizes = [1], strides = [1]} : vector<16xf32> to vector<1xf32>
          %squeeze3A_201 = vector.extract %slice3A_200[0] : f32 from vector<1xf32>
          %gt3A_202 = arith.cmpf ogt, %squeeze3A_201, %cond3A_191#8 : f32
          %convert_element_type3A_203 = arith.extui %gt3A_202 : i1 to i32
          %cond3A_204 = arith.constant 0 : i32
          %cond3A_205 = arith.cmpi ne, %convert_element_type3A_203, %cond3A_204 : i32
          %cond3A_206:9 = scf.if %cond3A_205 -> (vector<16xf32>, vector<16xi32>, vector<16xf32>, vector<16xi32>, vector<16xf32>, vector<16xi32>, vector<16xf32>, vector<16xi32>, f32) {
            %slice3A_252 = vector.extract_strided_slice %cond3A_191#2 {offsets = [15], sizes = [1], strides = [1]} : vector<16xf32> to vector<1xf32>
            %squeeze3A_253 = vector.extract %slice3A_252[0] : f32 from vector<1xf32>
            %lt3A = arith.cmpf olt, %squeeze3A_201, %squeeze3A_253 : f32
            %convert_element_type3A_254 = arith.extui %lt3A : i1 to i32
            %cond3A_255 = arith.constant 0 : i32
            %cond3A_256 = arith.cmpi ne, %convert_element_type3A_254, %cond3A_255 : i32
            %cond3A_257:8 = scf.if %cond3A_256 -> (vector<16xf32>, vector<16xi32>, vector<16xf32>, vector<16xi32>, vector<16xf32>, vector<16xi32>, vector<16xf32>, vector<16xi32>) {
              %lt3A_260 = arith.cmpf olt, %masked_sort3A_198, %cond3A_191#0 : vector<16xf32>
              %select_n3A = arith.select %lt3A_260, %masked_sort3A_198, %cond3A_191#0 : vector<16xi1>, vector<16xf32>
              %select_n3A_261 = arith.select %lt3A_260, %masked_sort3A_199, %cond3A_191#1 : vector<16xi1>, vector<16xi32>
              %select_n3A_262 = arith.select %lt3A_260, %cond3A_191#0, %masked_sort3A_198 : vector<16xi1>, vector<16xf32>
              %select_n3A_263 = arith.select %lt3A_260, %cond3A_191#1, %masked_sort3A_199 : vector<16xi1>, vector<16xi32>
              %masked_sort3A_264 = arith.constant dense<true> : vector<16xi1>
              %masked_sort3A_265, %masked_sort3A_266, %masked_sort3A_267 = tpu.sort %select_n3A_262, %select_n3A_263 masked %masked_sort3A_264 {descending = true} : (vector<16xf32>, vector<16xi32>, vector<16xi1>) -> (vector<16xi1>, vector<16xf32>, vector<16xi32>)
              scf.yield %masked_sort3A_266, %masked_sort3A_267, %cond3A_191#2, %cond3A_191#3, %cond3A_191#4, %cond3A_191#5, %cond3A_191#6, %cond3A_191#7 : vector<16xf32>, vector<16xi32>, vector<16xf32>, vector<16xi32>, vector<16xf32>, vector<16xi32>, vector<16xf32>, vector<16xi32>
            } else {
              %slice3A_260 = vector.extract_strided_slice %cond3A_191#4 {offsets = [15], sizes = [1], strides = [1]} : vector<16xf32> to vector<1xf32>
              %squeeze3A_261 = vector.extract %slice3A_260[0] : f32 from vector<1xf32>
              %lt3A_262 = arith.cmpf olt, %squeeze3A_201, %squeeze3A_261 : f32
              %convert_element_type3A_263 = arith.extui %lt3A_262 : i1 to i32
              %cond3A_264 = arith.constant 0 : i32
              %cond3A_265 = arith.cmpi ne, %convert_element_type3A_263, %cond3A_264 : i32
              %cond3A_266:8 = scf.if %cond3A_265 -> (vector<16xf32>, vector<16xi32>, vector<16xf32>, vector<16xi32>, vector<16xf32>, vector<16xi32>, vector<16xf32>, vector<16xi32>) {
                %lt3A_267 = arith.cmpf olt, %masked_sort3A_198, %cond3A_191#0 : vector<16xf32>
                %select_n3A = arith.select %lt3A_267, %masked_sort3A_198, %cond3A_191#0 : vector<16xi1>, vector<16xf32>
                %select_n3A_268 = arith.select %lt3A_267, %masked_sort3A_199, %cond3A_191#1 : vector<16xi1>, vector<16xi32>
                %select_n3A_269 = arith.select %lt3A_267, %cond3A_191#0, %masked_sort3A_198 : vector<16xi1>, vector<16xf32>
                %select_n3A_270 = arith.select %lt3A_267, %cond3A_191#1, %masked_sort3A_199 : vector<16xi1>, vector<16xi32>
                %masked_sort3A_271 = arith.constant dense<true> : vector<16xi1>
                %masked_sort3A_272, %masked_sort3A_273, %masked_sort3A_274 = tpu.sort %select_n3A_269, %select_n3A_270 masked %masked_sort3A_271 : (vector<16xf32>, vector<16xi32>, vector<16xi1>) -> (vector<16xi1>, vector<16xf32>, vector<16xi32>)
                %lt3A_275 = arith.cmpf olt, %masked_sort3A_273, %cond3A_191#2 : vector<16xf32>
                %select_n3A_276 = arith.select %lt3A_275, %masked_sort3A_273, %cond3A_191#2 : vector<16xi1>, vector<16xf32>
                %select_n3A_277 = arith.select %lt3A_275, %masked_sort3A_274, %cond3A_191#3 : vector<16xi1>, vector<16xi32>
                %select_n3A_278 = arith.select %lt3A_275, %cond3A_191#2, %masked_sort3A_273 : vector<16xi1>, vector<16xf32>
                %select_n3A_279 = arith.select %lt3A_275, %cond3A_191#3, %masked_sort3A_274 : vector<16xi1>, vector<16xi32>
                %masked_sort3A_280 = arith.constant dense<true> : vector<16xi1>
                %masked_sort3A_281, %masked_sort3A_282, %masked_sort3A_283 = tpu.sort %select_n3A_276, %select_n3A_277 masked %masked_sort3A_280 {descending = true} : (vector<16xf32>, vector<16xi32>, vector<16xi1>) -> (vector<16xi1>, vector<16xf32>, vector<16xi32>)
                %masked_sort3A_284 = arith.constant dense<true> : vector<16xi1>
                %masked_sort3A_285, %masked_sort3A_286, %masked_sort3A_287 = tpu.sort %select_n3A_278, %select_n3A_279 masked %masked_sort3A_284 {descending = true} : (vector<16xf32>, vector<16xi32>, vector<16xi1>) -> (vector<16xi1>, vector<16xf32>, vector<16xi32>)
                scf.yield %masked_sort3A_282, %masked_sort3A_283, %masked_sort3A_286, %masked_sort3A_287, %cond3A_191#4, %cond3A_191#5, %cond3A_191#6, %cond3A_191#7 : vector<16xf32>, vector<16xi32>, vector<16xf32>, vector<16xi32>, vector<16xf32>, vector<16xi32>, vector<16xf32>, vector<16xi32>
              } else {
                %lt3A_267 = arith.cmpf olt, %masked_sort3A_198, %cond3A_191#0 : vector<16xf32>
                %select_n3A = arith.select %lt3A_267, %masked_sort3A_198, %cond3A_191#0 : vector<16xi1>, vector<16xf32>
                %select_n3A_268 = arith.select %lt3A_267, %masked_sort3A_199, %cond3A_191#1 : vector<16xi1>, vector<16xi32>
                %select_n3A_269 = arith.select %lt3A_267, %cond3A_191#0, %masked_sort3A_198 : vector<16xi1>, vector<16xf32>
                %select_n3A_270 = arith.select %lt3A_267, %cond3A_191#1, %masked_sort3A_199 : vector<16xi1>, vector<16xi32>
                %masked_sort3A_271 = arith.constant dense<true> : vector<16xi1>
                %masked_sort3A_272, %masked_sort3A_273, %masked_sort3A_274 = tpu.sort %select_n3A_269, %select_n3A_270 masked %masked_sort3A_271 : (vector<16xf32>, vector<16xi32>, vector<16xi1>) -> (vector<16xi1>, vector<16xf32>, vector<16xi32>)
                %lt3A_275 = arith.cmpf olt, %masked_sort3A_273, %cond3A_191#2 : vector<16xf32>
                %select_n3A_276 = arith.select %lt3A_275, %masked_sort3A_273, %cond3A_191#2 : vector<16xi1>, vector<16xf32>
                %select_n3A_277 = arith.select %lt3A_275, %masked_sort3A_274, %cond3A_191#3 : vector<16xi1>, vector<16xi32>
                %select_n3A_278 = arith.select %lt3A_275, %cond3A_191#2, %masked_sort3A_273 : vector<16xi1>, vector<16xf32>
                %select_n3A_279 = arith.select %lt3A_275, %cond3A_191#3, %masked_sort3A_274 : vector<16xi1>, vector<16xi32>
                %masked_sort3A_280 = arith.constant dense<true> : vector<16xi1>
                %masked_sort3A_281, %masked_sort3A_282, %masked_sort3A_283 = tpu.sort %select_n3A_276, %select_n3A_277 masked %masked_sort3A_280 {descending = true} : (vector<16xf32>, vector<16xi32>, vector<16xi1>) -> (vector<16xi1>, vector<16xf32>, vector<16xi32>)
                %masked_sort3A_284 = arith.constant dense<true> : vector<16xi1>
                %masked_sort3A_285, %masked_sort3A_286, %masked_sort3A_287 = tpu.sort %select_n3A_278, %select_n3A_279 masked %masked_sort3A_284 : (vector<16xf32>, vector<16xi32>, vector<16xi1>) -> (vector<16xi1>, vector<16xf32>, vector<16xi32>)
                %lt3A_288 = arith.cmpf olt, %masked_sort3A_286, %cond3A_191#4 : vector<16xf32>
                %select_n3A_289 = arith.select %lt3A_288, %masked_sort3A_286, %cond3A_191#4 : vector<16xi1>, vector<16xf32>
                %select_n3A_290 = arith.select %lt3A_288, %masked_sort3A_287, %cond3A_191#5 : vector<16xi1>, vector<16xi32>
                %select_n3A_291 = arith.select %lt3A_288, %cond3A_191#4, %masked_sort3A_286 : vector<16xi1>, vector<16xf32>
                %select_n3A_292 = arith.select %lt3A_288, %cond3A_191#5, %masked_sort3A_287 : vector<16xi1>, vector<16xi32>
                %masked_sort3A_293 = arith.constant dense<true> : vector<16xi1>
                %masked_sort3A_294, %masked_sort3A_295, %masked_sort3A_296 = tpu.sort %select_n3A_289, %select_n3A_290 masked %masked_sort3A_293 {descending = true} : (vector<16xf32>, vector<16xi32>, vector<16xi1>) -> (vector<16xi1>, vector<16xf32>, vector<16xi32>)
                %masked_sort3A_297 = arith.constant dense<true> : vector<16xi1>
                %masked_sort3A_298, %masked_sort3A_299, %masked_sort3A_300 = tpu.sort %select_n3A_291, %select_n3A_292 masked %masked_sort3A_297 : (vector<16xf32>, vector<16xi32>, vector<16xi1>) -> (vector<16xi1>, vector<16xf32>, vector<16xi32>)
                %lt3A_301 = arith.cmpf olt, %masked_sort3A_299, %cond3A_191#6 : vector<16xf32>
                %select_n3A_302 = arith.select %lt3A_301, %masked_sort3A_299, %cond3A_191#6 : vector<16xi1>, vector<16xf32>
                %select_n3A_303 = arith.select %lt3A_301, %masked_sort3A_300, %cond3A_191#7 : vector<16xi1>, vector<16xi32>
                %select_n3A_304 = arith.select %lt3A_301, %cond3A_191#6, %masked_sort3A_299 : vector<16xi1>, vector<16xf32>
                %select_n3A_305 = arith.select %lt3A_301, %cond3A_191#7, %masked_sort3A_300 : vector<16xi1>, vector<16xi32>
                %masked_sort3A_306 = arith.constant dense<true> : vector<16xi1>
                %masked_sort3A_307, %masked_sort3A_308, %masked_sort3A_309 = tpu.sort %select_n3A_302, %select_n3A_303 masked %masked_sort3A_306 {descending = true} : (vector<16xf32>, vector<16xi32>, vector<16xi1>) -> (vector<16xi1>, vector<16xf32>, vector<16xi32>)
                %masked_sort3A_310 = arith.constant dense<true> : vector<16xi1>
                %masked_sort3A_311, %masked_sort3A_312, %masked_sort3A_313 = tpu.sort %select_n3A_304, %select_n3A_305 masked %masked_sort3A_310 : (vector<16xf32>, vector<16xi32>, vector<16xi1>) -> (vector<16xi1>, vector<16xf32>, vector<16xi32>)
                %masked_sort3A_314 = arith.constant dense<true> : vector<16xi1>
                %masked_sort3A_315, %masked_sort3A_316, %masked_sort3A_317 = tpu.sort %masked_sort3A_312, %masked_sort3A_313 masked %masked_sort3A_314 {descending = true} : (vector<16xf32>, vector<16xi32>, vector<16xi1>) -> (vector<16xi1>, vector<16xf32>, vector<16xi32>)
                scf.yield %masked_sort3A_282, %masked_sort3A_283, %masked_sort3A_295, %masked_sort3A_296, %masked_sort3A_308, %masked_sort3A_309, %masked_sort3A_316, %masked_sort3A_317 : vector<16xf32>, vector<16xi32>, vector<16xf32>, vector<16xi32>, vector<16xf32>, vector<16xi32>, vector<16xf32>, vector<16xi32>
              }
              scf.yield %cond3A_266#0, %cond3A_266#1, %cond3A_266#2, %cond3A_266#3, %cond3A_266#4, %cond3A_266#5, %cond3A_266#6, %cond3A_266#7 : vector<16xf32>, vector<16xi32>, vector<16xf32>, vector<16xi32>, vector<16xf32>, vector<16xi32>, vector<16xf32>, vector<16xi32>
            }
            %slice3A_258 = vector.extract_strided_slice %cond3A_257#0 {offsets = [15], sizes = [1], strides = [1]} : vector<16xf32> to vector<1xf32>
            %squeeze3A_259 = vector.extract %slice3A_258[0] : f32 from vector<1xf32>
            scf.yield %cond3A_257#0, %cond3A_257#1, %cond3A_257#2, %cond3A_257#3, %cond3A_257#4, %cond3A_257#5, %cond3A_257#6, %cond3A_257#7, %squeeze3A_259 : vector<16xf32>, vector<16xi32>, vector<16xf32>, vector<16xi32>, vector<16xf32>, vector<16xi32>, vector<16xf32>, vector<16xi32>, f32
          } else {
            scf.yield %cond3A_191#0, %cond3A_191#1, %cond3A_191#2, %cond3A_191#3, %cond3A_191#4, %cond3A_191#5, %cond3A_191#6, %cond3A_191#7, %cond3A_191#8 : vector<16xf32>, vector<16xi32>, vector<16xf32>, vector<16xi32>, vector<16xf32>, vector<16xi32>, vector<16xf32>, vector<16xi32>, f32
          }
          %add3A_207 = arith.constant 112 : i32
          %add3A_208 = arith.addi %mul3A_49, %add3A_207 : i32
          %add3A_209 = vector.broadcast %add3A_208 : i32 to vector<16xi32>
          %add3A_210 = arith.addi %add3A_209, %iota3A : vector<16xi32>
          %masked_sort3A_211 = arith.constant dense<true> : vector<16xi1>
          %masked_sort3A_212, %masked_sort3A_213, %masked_sort3A_214 = tpu.sort %get3A_85, %add3A_210 masked %masked_sort3A_211 : (vector<16xf32>, vector<16xi32>, vector<16xi1>) -> (vector<16xi1>, vector<16xf32>, vector<16xi32>)
          %slice3A_215 = vector.extract_strided_slice %masked_sort3A_213 {offsets = [15], sizes = [1], strides = [1]} : vector<16xf32> to vector<1xf32>
          %squeeze3A_216 = vector.extract %slice3A_215[0] : f32 from vector<1xf32>
          %gt3A_217 = arith.cmpf ogt, %squeeze3A_216, %cond3A_206#8 : f32
          %convert_element_type3A_218 = arith.extui %gt3A_217 : i1 to i32
          %cond3A_219 = arith.constant 0 : i32
          %cond3A_220 = arith.cmpi ne, %convert_element_type3A_218, %cond3A_219 : i32
          %cond3A_221:9 = scf.if %cond3A_220 -> (vector<16xf32>, vector<16xi32>, vector<16xf32>, vector<16xi32>, vector<16xf32>, vector<16xi32>, vector<16xf32>, vector<16xi32>, f32) {
            %slice3A_252 = vector.extract_strided_slice %cond3A_206#2 {offsets = [15], sizes = [1], strides = [1]} : vector<16xf32> to vector<1xf32>
            %squeeze3A_253 = vector.extract %slice3A_252[0] : f32 from vector<1xf32>
            %lt3A = arith.cmpf olt, %squeeze3A_216, %squeeze3A_253 : f32
            %convert_element_type3A_254 = arith.extui %lt3A : i1 to i32
            %cond3A_255 = arith.constant 0 : i32
            %cond3A_256 = arith.cmpi ne, %convert_element_type3A_254, %cond3A_255 : i32
            %cond3A_257:8 = scf.if %cond3A_256 -> (vector<16xf32>, vector<16xi32>, vector<16xf32>, vector<16xi32>, vector<16xf32>, vector<16xi32>, vector<16xf32>, vector<16xi32>) {
              %lt3A_260 = arith.cmpf olt, %masked_sort3A_213, %cond3A_206#0 : vector<16xf32>
              %select_n3A = arith.select %lt3A_260, %masked_sort3A_213, %cond3A_206#0 : vector<16xi1>, vector<16xf32>
              %select_n3A_261 = arith.select %lt3A_260, %masked_sort3A_214, %cond3A_206#1 : vector<16xi1>, vector<16xi32>
              %select_n3A_262 = arith.select %lt3A_260, %cond3A_206#0, %masked_sort3A_213 : vector<16xi1>, vector<16xf32>
              %select_n3A_263 = arith.select %lt3A_260, %cond3A_206#1, %masked_sort3A_214 : vector<16xi1>, vector<16xi32>
              %masked_sort3A_264 = arith.constant dense<true> : vector<16xi1>
              %masked_sort3A_265, %masked_sort3A_266, %masked_sort3A_267 = tpu.sort %select_n3A_262, %select_n3A_263 masked %masked_sort3A_264 {descending = true} : (vector<16xf32>, vector<16xi32>, vector<16xi1>) -> (vector<16xi1>, vector<16xf32>, vector<16xi32>)
              scf.yield %masked_sort3A_266, %masked_sort3A_267, %cond3A_206#2, %cond3A_206#3, %cond3A_206#4, %cond3A_206#5, %cond3A_206#6, %cond3A_206#7 : vector<16xf32>, vector<16xi32>, vector<16xf32>, vector<16xi32>, vector<16xf32>, vector<16xi32>, vector<16xf32>, vector<16xi32>
            } else {
              %slice3A_260 = vector.extract_strided_slice %cond3A_206#4 {offsets = [15], sizes = [1], strides = [1]} : vector<16xf32> to vector<1xf32>
              %squeeze3A_261 = vector.extract %slice3A_260[0] : f32 from vector<1xf32>
              %lt3A_262 = arith.cmpf olt, %squeeze3A_216, %squeeze3A_261 : f32
              %convert_element_type3A_263 = arith.extui %lt3A_262 : i1 to i32
              %cond3A_264 = arith.constant 0 : i32
              %cond3A_265 = arith.cmpi ne, %convert_element_type3A_263, %cond3A_264 : i32
              %cond3A_266:8 = scf.if %cond3A_265 -> (vector<16xf32>, vector<16xi32>, vector<16xf32>, vector<16xi32>, vector<16xf32>, vector<16xi32>, vector<16xf32>, vector<16xi32>) {
                %lt3A_267 = arith.cmpf olt, %masked_sort3A_213, %cond3A_206#0 : vector<16xf32>
                %select_n3A = arith.select %lt3A_267, %masked_sort3A_213, %cond3A_206#0 : vector<16xi1>, vector<16xf32>
                %select_n3A_268 = arith.select %lt3A_267, %masked_sort3A_214, %cond3A_206#1 : vector<16xi1>, vector<16xi32>
                %select_n3A_269 = arith.select %lt3A_267, %cond3A_206#0, %masked_sort3A_213 : vector<16xi1>, vector<16xf32>
                %select_n3A_270 = arith.select %lt3A_267, %cond3A_206#1, %masked_sort3A_214 : vector<16xi1>, vector<16xi32>
                %masked_sort3A_271 = arith.constant dense<true> : vector<16xi1>
                %masked_sort3A_272, %masked_sort3A_273, %masked_sort3A_274 = tpu.sort %select_n3A_269, %select_n3A_270 masked %masked_sort3A_271 : (vector<16xf32>, vector<16xi32>, vector<16xi1>) -> (vector<16xi1>, vector<16xf32>, vector<16xi32>)
                %lt3A_275 = arith.cmpf olt, %masked_sort3A_273, %cond3A_206#2 : vector<16xf32>
                %select_n3A_276 = arith.select %lt3A_275, %masked_sort3A_273, %cond3A_206#2 : vector<16xi1>, vector<16xf32>
                %select_n3A_277 = arith.select %lt3A_275, %masked_sort3A_274, %cond3A_206#3 : vector<16xi1>, vector<16xi32>
                %select_n3A_278 = arith.select %lt3A_275, %cond3A_206#2, %masked_sort3A_273 : vector<16xi1>, vector<16xf32>
                %select_n3A_279 = arith.select %lt3A_275, %cond3A_206#3, %masked_sort3A_274 : vector<16xi1>, vector<16xi32>
                %masked_sort3A_280 = arith.constant dense<true> : vector<16xi1>
                %masked_sort3A_281, %masked_sort3A_282, %masked_sort3A_283 = tpu.sort %select_n3A_276, %select_n3A_277 masked %masked_sort3A_280 {descending = true} : (vector<16xf32>, vector<16xi32>, vector<16xi1>) -> (vector<16xi1>, vector<16xf32>, vector<16xi32>)
                %masked_sort3A_284 = arith.constant dense<true> : vector<16xi1>
                %masked_sort3A_285, %masked_sort3A_286, %masked_sort3A_287 = tpu.sort %select_n3A_278, %select_n3A_279 masked %masked_sort3A_284 {descending = true} : (vector<16xf32>, vector<16xi32>, vector<16xi1>) -> (vector<16xi1>, vector<16xf32>, vector<16xi32>)
                scf.yield %masked_sort3A_282, %masked_sort3A_283, %masked_sort3A_286, %masked_sort3A_287, %cond3A_206#4, %cond3A_206#5, %cond3A_206#6, %cond3A_206#7 : vector<16xf32>, vector<16xi32>, vector<16xf32>, vector<16xi32>, vector<16xf32>, vector<16xi32>, vector<16xf32>, vector<16xi32>
              } else {
                %lt3A_267 = arith.cmpf olt, %masked_sort3A_213, %cond3A_206#0 : vector<16xf32>
                %select_n3A = arith.select %lt3A_267, %masked_sort3A_213, %cond3A_206#0 : vector<16xi1>, vector<16xf32>
                %select_n3A_268 = arith.select %lt3A_267, %masked_sort3A_214, %cond3A_206#1 : vector<16xi1>, vector<16xi32>
                %select_n3A_269 = arith.select %lt3A_267, %cond3A_206#0, %masked_sort3A_213 : vector<16xi1>, vector<16xf32>
                %select_n3A_270 = arith.select %lt3A_267, %cond3A_206#1, %masked_sort3A_214 : vector<16xi1>, vector<16xi32>
                %masked_sort3A_271 = arith.constant dense<true> : vector<16xi1>
                %masked_sort3A_272, %masked_sort3A_273, %masked_sort3A_274 = tpu.sort %select_n3A_269, %select_n3A_270 masked %masked_sort3A_271 : (vector<16xf32>, vector<16xi32>, vector<16xi1>) -> (vector<16xi1>, vector<16xf32>, vector<16xi32>)
                %lt3A_275 = arith.cmpf olt, %masked_sort3A_273, %cond3A_206#2 : vector<16xf32>
                %select_n3A_276 = arith.select %lt3A_275, %masked_sort3A_273, %cond3A_206#2 : vector<16xi1>, vector<16xf32>
                %select_n3A_277 = arith.select %lt3A_275, %masked_sort3A_274, %cond3A_206#3 : vector<16xi1>, vector<16xi32>
                %select_n3A_278 = arith.select %lt3A_275, %cond3A_206#2, %masked_sort3A_273 : vector<16xi1>, vector<16xf32>
                %select_n3A_279 = arith.select %lt3A_275, %cond3A_206#3, %masked_sort3A_274 : vector<16xi1>, vector<16xi32>
                %masked_sort3A_280 = arith.constant dense<true> : vector<16xi1>
                %masked_sort3A_281, %masked_sort3A_282, %masked_sort3A_283 = tpu.sort %select_n3A_276, %select_n3A_277 masked %masked_sort3A_280 {descending = true} : (vector<16xf32>, vector<16xi32>, vector<16xi1>) -> (vector<16xi1>, vector<16xf32>, vector<16xi32>)
                %masked_sort3A_284 = arith.constant dense<true> : vector<16xi1>
                %masked_sort3A_285, %masked_sort3A_286, %masked_sort3A_287 = tpu.sort %select_n3A_278, %select_n3A_279 masked %masked_sort3A_284 : (vector<16xf32>, vector<16xi32>, vector<16xi1>) -> (vector<16xi1>, vector<16xf32>, vector<16xi32>)
                %lt3A_288 = arith.cmpf olt, %masked_sort3A_286, %cond3A_206#4 : vector<16xf32>
                %select_n3A_289 = arith.select %lt3A_288, %masked_sort3A_286, %cond3A_206#4 : vector<16xi1>, vector<16xf32>
                %select_n3A_290 = arith.select %lt3A_288, %masked_sort3A_287, %cond3A_206#5 : vector<16xi1>, vector<16xi32>
                %select_n3A_291 = arith.select %lt3A_288, %cond3A_206#4, %masked_sort3A_286 : vector<16xi1>, vector<16xf32>
                %select_n3A_292 = arith.select %lt3A_288, %cond3A_206#5, %masked_sort3A_287 : vector<16xi1>, vector<16xi32>
                %masked_sort3A_293 = arith.constant dense<true> : vector<16xi1>
                %masked_sort3A_294, %masked_sort3A_295, %masked_sort3A_296 = tpu.sort %select_n3A_289, %select_n3A_290 masked %masked_sort3A_293 {descending = true} : (vector<16xf32>, vector<16xi32>, vector<16xi1>) -> (vector<16xi1>, vector<16xf32>, vector<16xi32>)
                %masked_sort3A_297 = arith.constant dense<true> : vector<16xi1>
                %masked_sort3A_298, %masked_sort3A_299, %masked_sort3A_300 = tpu.sort %select_n3A_291, %select_n3A_292 masked %masked_sort3A_297 : (vector<16xf32>, vector<16xi32>, vector<16xi1>) -> (vector<16xi1>, vector<16xf32>, vector<16xi32>)
                %lt3A_301 = arith.cmpf olt, %masked_sort3A_299, %cond3A_206#6 : vector<16xf32>
                %select_n3A_302 = arith.select %lt3A_301, %masked_sort3A_299, %cond3A_206#6 : vector<16xi1>, vector<16xf32>
                %select_n3A_303 = arith.select %lt3A_301, %masked_sort3A_300, %cond3A_206#7 : vector<16xi1>, vector<16xi32>
                %select_n3A_304 = arith.select %lt3A_301, %cond3A_206#6, %masked_sort3A_299 : vector<16xi1>, vector<16xf32>
                %select_n3A_305 = arith.select %lt3A_301, %cond3A_206#7, %masked_sort3A_300 : vector<16xi1>, vector<16xi32>
                %masked_sort3A_306 = arith.constant dense<true> : vector<16xi1>
                %masked_sort3A_307, %masked_sort3A_308, %masked_sort3A_309 = tpu.sort %select_n3A_302, %select_n3A_303 masked %masked_sort3A_306 {descending = true} : (vector<16xf32>, vector<16xi32>, vector<16xi1>) -> (vector<16xi1>, vector<16xf32>, vector<16xi32>)
                %masked_sort3A_310 = arith.constant dense<true> : vector<16xi1>
                %masked_sort3A_311, %masked_sort3A_312, %masked_sort3A_313 = tpu.sort %select_n3A_304, %select_n3A_305 masked %masked_sort3A_310 : (vector<16xf32>, vector<16xi32>, vector<16xi1>) -> (vector<16xi1>, vector<16xf32>, vector<16xi32>)
                %masked_sort3A_314 = arith.constant dense<true> : vector<16xi1>
                %masked_sort3A_315, %masked_sort3A_316, %masked_sort3A_317 = tpu.sort %masked_sort3A_312, %masked_sort3A_313 masked %masked_sort3A_314 {descending = true} : (vector<16xf32>, vector<16xi32>, vector<16xi1>) -> (vector<16xi1>, vector<16xf32>, vector<16xi32>)
                scf.yield %masked_sort3A_282, %masked_sort3A_283, %masked_sort3A_295, %masked_sort3A_296, %masked_sort3A_308, %masked_sort3A_309, %masked_sort3A_316, %masked_sort3A_317 : vector<16xf32>, vector<16xi32>, vector<16xf32>, vector<16xi32>, vector<16xf32>, vector<16xi32>, vector<16xf32>, vector<16xi32>
              }
              scf.yield %cond3A_266#0, %cond3A_266#1, %cond3A_266#2, %cond3A_266#3, %cond3A_266#4, %cond3A_266#5, %cond3A_266#6, %cond3A_266#7 : vector<16xf32>, vector<16xi32>, vector<16xf32>, vector<16xi32>, vector<16xf32>, vector<16xi32>, vector<16xf32>, vector<16xi32>
            }
            %slice3A_258 = vector.extract_strided_slice %cond3A_257#0 {offsets = [15], sizes = [1], strides = [1]} : vector<16xf32> to vector<1xf32>
            %squeeze3A_259 = vector.extract %slice3A_258[0] : f32 from vector<1xf32>
            scf.yield %cond3A_257#0, %cond3A_257#1, %cond3A_257#2, %cond3A_257#3, %cond3A_257#4, %cond3A_257#5, %cond3A_257#6, %cond3A_257#7, %squeeze3A_259 : vector<16xf32>, vector<16xi32>, vector<16xf32>, vector<16xi32>, vector<16xf32>, vector<16xi32>, vector<16xf32>, vector<16xi32>, f32
          } else {
            scf.yield %cond3A_206#0, %cond3A_206#1, %cond3A_206#2, %cond3A_206#3, %cond3A_206#4, %cond3A_206#5, %cond3A_206#6, %cond3A_206#7, %cond3A_206#8 : vector<16xf32>, vector<16xi32>, vector<16xf32>, vector<16xi32>, vector<16xf32>, vector<16xi32>, vector<16xf32>, vector<16xi32>, f32
          }
          %add3A_222 = arith.constant 128 : i32
          %add3A_223 = arith.addi %mul3A_49, %add3A_222 : i32
          %add3A_224 = vector.broadcast %add3A_223 : i32 to vector<16xi32>
          %add3A_225 = arith.addi %add3A_224, %iota3A : vector<16xi32>
          %masked_sort3A_226 = arith.constant dense<true> : vector<16xi1>
          %masked_sort3A_227, %masked_sort3A_228, %masked_sort3A_229 = tpu.sort %get3A_90, %add3A_225 masked %masked_sort3A_226 : (vector<16xf32>, vector<16xi32>, vector<16xi1>) -> (vector<16xi1>, vector<16xf32>, vector<16xi32>)
          %slice3A_230 = vector.extract_strided_slice %masked_sort3A_228 {offsets = [15], sizes = [1], strides = [1]} : vector<16xf32> to vector<1xf32>
          %squeeze3A_231 = vector.extract %slice3A_230[0] : f32 from vector<1xf32>
          %gt3A_232 = arith.cmpf ogt, %squeeze3A_231, %cond3A_221#8 : f32
          %convert_element_type3A_233 = arith.extui %gt3A_232 : i1 to i32
          %cond3A_234 = arith.constant 0 : i32
          %cond3A_235 = arith.cmpi ne, %convert_element_type3A_233, %cond3A_234 : i32
          %cond3A_236:9 = scf.if %cond3A_235 -> (vector<16xf32>, vector<16xi32>, vector<16xf32>, vector<16xi32>, vector<16xf32>, vector<16xi32>, vector<16xf32>, vector<16xi32>, f32) {
            %slice3A_252 = vector.extract_strided_slice %cond3A_221#2 {offsets = [15], sizes = [1], strides = [1]} : vector<16xf32> to vector<1xf32>
            %squeeze3A_253 = vector.extract %slice3A_252[0] : f32 from vector<1xf32>
            %lt3A = arith.cmpf olt, %squeeze3A_231, %squeeze3A_253 : f32
            %convert_element_type3A_254 = arith.extui %lt3A : i1 to i32
            %cond3A_255 = arith.constant 0 : i32
            %cond3A_256 = arith.cmpi ne, %convert_element_type3A_254, %cond3A_255 : i32
            %cond3A_257:8 = scf.if %cond3A_256 -> (vector<16xf32>, vector<16xi32>, vector<16xf32>, vector<16xi32>, vector<16xf32>, vector<16xi32>, vector<16xf32>, vector<16xi32>) {
              %lt3A_260 = arith.cmpf olt, %masked_sort3A_228, %cond3A_221#0 : vector<16xf32>
              %select_n3A = arith.select %lt3A_260, %masked_sort3A_228, %cond3A_221#0 : vector<16xi1>, vector<16xf32>
              %select_n3A_261 = arith.select %lt3A_260, %masked_sort3A_229, %cond3A_221#1 : vector<16xi1>, vector<16xi32>
              %select_n3A_262 = arith.select %lt3A_260, %cond3A_221#0, %masked_sort3A_228 : vector<16xi1>, vector<16xf32>
              %select_n3A_263 = arith.select %lt3A_260, %cond3A_221#1, %masked_sort3A_229 : vector<16xi1>, vector<16xi32>
              %masked_sort3A_264 = arith.constant dense<true> : vector<16xi1>
              %masked_sort3A_265, %masked_sort3A_266, %masked_sort3A_267 = tpu.sort %select_n3A_262, %select_n3A_263 masked %masked_sort3A_264 {descending = true} : (vector<16xf32>, vector<16xi32>, vector<16xi1>) -> (vector<16xi1>, vector<16xf32>, vector<16xi32>)
              scf.yield %masked_sort3A_266, %masked_sort3A_267, %cond3A_221#2, %cond3A_221#3, %cond3A_221#4, %cond3A_221#5, %cond3A_221#6, %cond3A_221#7 : vector<16xf32>, vector<16xi32>, vector<16xf32>, vector<16xi32>, vector<16xf32>, vector<16xi32>, vector<16xf32>, vector<16xi32>
            } else {
              %slice3A_260 = vector.extract_strided_slice %cond3A_221#4 {offsets = [15], sizes = [1], strides = [1]} : vector<16xf32> to vector<1xf32>
              %squeeze3A_261 = vector.extract %slice3A_260[0] : f32 from vector<1xf32>
              %lt3A_262 = arith.cmpf olt, %squeeze3A_231, %squeeze3A_261 : f32
              %convert_element_type3A_263 = arith.extui %lt3A_262 : i1 to i32
              %cond3A_264 = arith.constant 0 : i32
              %cond3A_265 = arith.cmpi ne, %convert_element_type3A_263, %cond3A_264 : i32
              %cond3A_266:8 = scf.if %cond3A_265 -> (vector<16xf32>, vector<16xi32>, vector<16xf32>, vector<16xi32>, vector<16xf32>, vector<16xi32>, vector<16xf32>, vector<16xi32>) {
                %lt3A_267 = arith.cmpf olt, %masked_sort3A_228, %cond3A_221#0 : vector<16xf32>
                %select_n3A = arith.select %lt3A_267, %masked_sort3A_228, %cond3A_221#0 : vector<16xi1>, vector<16xf32>
                %select_n3A_268 = arith.select %lt3A_267, %masked_sort3A_229, %cond3A_221#1 : vector<16xi1>, vector<16xi32>
                %select_n3A_269 = arith.select %lt3A_267, %cond3A_221#0, %masked_sort3A_228 : vector<16xi1>, vector<16xf32>
                %select_n3A_270 = arith.select %lt3A_267, %cond3A_221#1, %masked_sort3A_229 : vector<16xi1>, vector<16xi32>
                %masked_sort3A_271 = arith.constant dense<true> : vector<16xi1>
                %masked_sort3A_272, %masked_sort3A_273, %masked_sort3A_274 = tpu.sort %select_n3A_269, %select_n3A_270 masked %masked_sort3A_271 : (vector<16xf32>, vector<16xi32>, vector<16xi1>) -> (vector<16xi1>, vector<16xf32>, vector<16xi32>)
                %lt3A_275 = arith.cmpf olt, %masked_sort3A_273, %cond3A_221#2 : vector<16xf32>
                %select_n3A_276 = arith.select %lt3A_275, %masked_sort3A_273, %cond3A_221#2 : vector<16xi1>, vector<16xf32>
                %select_n3A_277 = arith.select %lt3A_275, %masked_sort3A_274, %cond3A_221#3 : vector<16xi1>, vector<16xi32>
                %select_n3A_278 = arith.select %lt3A_275, %cond3A_221#2, %masked_sort3A_273 : vector<16xi1>, vector<16xf32>
                %select_n3A_279 = arith.select %lt3A_275, %cond3A_221#3, %masked_sort3A_274 : vector<16xi1>, vector<16xi32>
                %masked_sort3A_280 = arith.constant dense<true> : vector<16xi1>
                %masked_sort3A_281, %masked_sort3A_282, %masked_sort3A_283 = tpu.sort %select_n3A_276, %select_n3A_277 masked %masked_sort3A_280 {descending = true} : (vector<16xf32>, vector<16xi32>, vector<16xi1>) -> (vector<16xi1>, vector<16xf32>, vector<16xi32>)
                %masked_sort3A_284 = arith.constant dense<true> : vector<16xi1>
                %masked_sort3A_285, %masked_sort3A_286, %masked_sort3A_287 = tpu.sort %select_n3A_278, %select_n3A_279 masked %masked_sort3A_284 {descending = true} : (vector<16xf32>, vector<16xi32>, vector<16xi1>) -> (vector<16xi1>, vector<16xf32>, vector<16xi32>)
                scf.yield %masked_sort3A_282, %masked_sort3A_283, %masked_sort3A_286, %masked_sort3A_287, %cond3A_221#4, %cond3A_221#5, %cond3A_221#6, %cond3A_221#7 : vector<16xf32>, vector<16xi32>, vector<16xf32>, vector<16xi32>, vector<16xf32>, vector<16xi32>, vector<16xf32>, vector<16xi32>
              } else {
                %lt3A_267 = arith.cmpf olt, %masked_sort3A_228, %cond3A_221#0 : vector<16xf32>
                %select_n3A = arith.select %lt3A_267, %masked_sort3A_228, %cond3A_221#0 : vector<16xi1>, vector<16xf32>
                %select_n3A_268 = arith.select %lt3A_267, %masked_sort3A_229, %cond3A_221#1 : vector<16xi1>, vector<16xi32>
                %select_n3A_269 = arith.select %lt3A_267, %cond3A_221#0, %masked_sort3A_228 : vector<16xi1>, vector<16xf32>
                %select_n3A_270 = arith.select %lt3A_267, %cond3A_221#1, %masked_sort3A_229 : vector<16xi1>, vector<16xi32>
                %masked_sort3A_271 = arith.constant dense<true> : vector<16xi1>
                %masked_sort3A_272, %masked_sort3A_273, %masked_sort3A_274 = tpu.sort %select_n3A_269, %select_n3A_270 masked %masked_sort3A_271 : (vector<16xf32>, vector<16xi32>, vector<16xi1>) -> (vector<16xi1>, vector<16xf32>, vector<16xi32>)
                %lt3A_275 = arith.cmpf olt, %masked_sort3A_273, %cond3A_221#2 : vector<16xf32>
                %select_n3A_276 = arith.select %lt3A_275, %masked_sort3A_273, %cond3A_221#2 : vector<16xi1>, vector<16xf32>
                %select_n3A_277 = arith.select %lt3A_275, %masked_sort3A_274, %cond3A_221#3 : vector<16xi1>, vector<16xi32>
                %select_n3A_278 = arith.select %lt3A_275, %cond3A_221#2, %masked_sort3A_273 : vector<16xi1>, vector<16xf32>
                %select_n3A_279 = arith.select %lt3A_275, %cond3A_221#3, %masked_sort3A_274 : vector<16xi1>, vector<16xi32>
                %masked_sort3A_280 = arith.constant dense<true> : vector<16xi1>
                %masked_sort3A_281, %masked_sort3A_282, %masked_sort3A_283 = tpu.sort %select_n3A_276, %select_n3A_277 masked %masked_sort3A_280 {descending = true} : (vector<16xf32>, vector<16xi32>, vector<16xi1>) -> (vector<16xi1>, vector<16xf32>, vector<16xi32>)
                %masked_sort3A_284 = arith.constant dense<true> : vector<16xi1>
                %masked_sort3A_285, %masked_sort3A_286, %masked_sort3A_287 = tpu.sort %select_n3A_278, %select_n3A_279 masked %masked_sort3A_284 : (vector<16xf32>, vector<16xi32>, vector<16xi1>) -> (vector<16xi1>, vector<16xf32>, vector<16xi32>)
                %lt3A_288 = arith.cmpf olt, %masked_sort3A_286, %cond3A_221#4 : vector<16xf32>
                %select_n3A_289 = arith.select %lt3A_288, %masked_sort3A_286, %cond3A_221#4 : vector<16xi1>, vector<16xf32>
                %select_n3A_290 = arith.select %lt3A_288, %masked_sort3A_287, %cond3A_221#5 : vector<16xi1>, vector<16xi32>
                %select_n3A_291 = arith.select %lt3A_288, %cond3A_221#4, %masked_sort3A_286 : vector<16xi1>, vector<16xf32>
                %select_n3A_292 = arith.select %lt3A_288, %cond3A_221#5, %masked_sort3A_287 : vector<16xi1>, vector<16xi32>
                %masked_sort3A_293 = arith.constant dense<true> : vector<16xi1>
                %masked_sort3A_294, %masked_sort3A_295, %masked_sort3A_296 = tpu.sort %select_n3A_289, %select_n3A_290 masked %masked_sort3A_293 {descending = true} : (vector<16xf32>, vector<16xi32>, vector<16xi1>) -> (vector<16xi1>, vector<16xf32>, vector<16xi32>)
                %masked_sort3A_297 = arith.constant dense<true> : vector<16xi1>
                %masked_sort3A_298, %masked_sort3A_299, %masked_sort3A_300 = tpu.sort %select_n3A_291, %select_n3A_292 masked %masked_sort3A_297 : (vector<16xf32>, vector<16xi32>, vector<16xi1>) -> (vector<16xi1>, vector<16xf32>, vector<16xi32>)
                %lt3A_301 = arith.cmpf olt, %masked_sort3A_299, %cond3A_221#6 : vector<16xf32>
                %select_n3A_302 = arith.select %lt3A_301, %masked_sort3A_299, %cond3A_221#6 : vector<16xi1>, vector<16xf32>
                %select_n3A_303 = arith.select %lt3A_301, %masked_sort3A_300, %cond3A_221#7 : vector<16xi1>, vector<16xi32>
                %select_n3A_304 = arith.select %lt3A_301, %cond3A_221#6, %masked_sort3A_299 : vector<16xi1>, vector<16xf32>
                %select_n3A_305 = arith.select %lt3A_301, %cond3A_221#7, %masked_sort3A_300 : vector<16xi1>, vector<16xi32>
                %masked_sort3A_306 = arith.constant dense<true> : vector<16xi1>
                %masked_sort3A_307, %masked_sort3A_308, %masked_sort3A_309 = tpu.sort %select_n3A_302, %select_n3A_303 masked %masked_sort3A_306 {descending = true} : (vector<16xf32>, vector<16xi32>, vector<16xi1>) -> (vector<16xi1>, vector<16xf32>, vector<16xi32>)
                %masked_sort3A_310 = arith.constant dense<true> : vector<16xi1>
                %masked_sort3A_311, %masked_sort3A_312, %masked_sort3A_313 = tpu.sort %select_n3A_304, %select_n3A_305 masked %masked_sort3A_310 : (vector<16xf32>, vector<16xi32>, vector<16xi1>) -> (vector<16xi1>, vector<16xf32>, vector<16xi32>)
                %masked_sort3A_314 = arith.constant dense<true> : vector<16xi1>
                %masked_sort3A_315, %masked_sort3A_316, %masked_sort3A_317 = tpu.sort %masked_sort3A_312, %masked_sort3A_313 masked %masked_sort3A_314 {descending = true} : (vector<16xf32>, vector<16xi32>, vector<16xi1>) -> (vector<16xi1>, vector<16xf32>, vector<16xi32>)
                scf.yield %masked_sort3A_282, %masked_sort3A_283, %masked_sort3A_295, %masked_sort3A_296, %masked_sort3A_308, %masked_sort3A_309, %masked_sort3A_316, %masked_sort3A_317 : vector<16xf32>, vector<16xi32>, vector<16xf32>, vector<16xi32>, vector<16xf32>, vector<16xi32>, vector<16xf32>, vector<16xi32>
              }
              scf.yield %cond3A_266#0, %cond3A_266#1, %cond3A_266#2, %cond3A_266#3, %cond3A_266#4, %cond3A_266#5, %cond3A_266#6, %cond3A_266#7 : vector<16xf32>, vector<16xi32>, vector<16xf32>, vector<16xi32>, vector<16xf32>, vector<16xi32>, vector<16xf32>, vector<16xi32>
            }
            %slice3A_258 = vector.extract_strided_slice %cond3A_257#0 {offsets = [15], sizes = [1], strides = [1]} : vector<16xf32> to vector<1xf32>
            %squeeze3A_259 = vector.extract %slice3A_258[0] : f32 from vector<1xf32>
            scf.yield %cond3A_257#0, %cond3A_257#1, %cond3A_257#2, %cond3A_257#3, %cond3A_257#4, %cond3A_257#5, %cond3A_257#6, %cond3A_257#7, %squeeze3A_259 : vector<16xf32>, vector<16xi32>, vector<16xf32>, vector<16xi32>, vector<16xf32>, vector<16xi32>, vector<16xf32>, vector<16xi32>, f32
          } else {
            scf.yield %cond3A_221#0, %cond3A_221#1, %cond3A_221#2, %cond3A_221#3, %cond3A_221#4, %cond3A_221#5, %cond3A_221#6, %cond3A_221#7, %cond3A_221#8 : vector<16xf32>, vector<16xi32>, vector<16xf32>, vector<16xi32>, vector<16xf32>, vector<16xi32>, vector<16xf32>, vector<16xi32>, f32
          }
          %add3A_237 = arith.constant 144 : i32
          %add3A_238 = arith.addi %mul3A_49, %add3A_237 : i32
          %add3A_239 = vector.broadcast %add3A_238 : i32 to vector<16xi32>
          %add3A_240 = arith.addi %add3A_239, %iota3A : vector<16xi32>
          %masked_sort3A_241 = arith.constant dense<true> : vector<16xi1>
          %masked_sort3A_242, %masked_sort3A_243, %masked_sort3A_244 = tpu.sort %get3A_95, %add3A_240 masked %masked_sort3A_241 : (vector<16xf32>, vector<16xi32>, vector<16xi1>) -> (vector<16xi1>, vector<16xf32>, vector<16xi32>)
          %slice3A_245 = vector.extract_strided_slice %masked_sort3A_243 {offsets = [15], sizes = [1], strides = [1]} : vector<16xf32> to vector<1xf32>
          %squeeze3A_246 = vector.extract %slice3A_245[0] : f32 from vector<1xf32>
          %gt3A_247 = arith.cmpf ogt, %squeeze3A_246, %cond3A_236#8 : f32
          %convert_element_type3A_248 = arith.extui %gt3A_247 : i1 to i32
          %cond3A_249 = arith.constant 0 : i32
          %cond3A_250 = arith.cmpi ne, %convert_element_type3A_248, %cond3A_249 : i32
          %cond3A_251:9 = scf.if %cond3A_250 -> (vector<16xf32>, vector<16xi32>, vector<16xf32>, vector<16xi32>, vector<16xf32>, vector<16xi32>, vector<16xf32>, vector<16xi32>, f32) {
            %slice3A_252 = vector.extract_strided_slice %cond3A_236#2 {offsets = [15], sizes = [1], strides = [1]} : vector<16xf32> to vector<1xf32>
            %squeeze3A_253 = vector.extract %slice3A_252[0] : f32 from vector<1xf32>
            %lt3A = arith.cmpf olt, %squeeze3A_246, %squeeze3A_253 : f32
            %convert_element_type3A_254 = arith.extui %lt3A : i1 to i32
            %cond3A_255 = arith.constant 0 : i32
            %cond3A_256 = arith.cmpi ne, %convert_element_type3A_254, %cond3A_255 : i32
            %cond3A_257:8 = scf.if %cond3A_256 -> (vector<16xf32>, vector<16xi32>, vector<16xf32>, vector<16xi32>, vector<16xf32>, vector<16xi32>, vector<16xf32>, vector<16xi32>) {
              %lt3A_260 = arith.cmpf olt, %masked_sort3A_243, %cond3A_236#0 : vector<16xf32>
              %select_n3A = arith.select %lt3A_260, %masked_sort3A_243, %cond3A_236#0 : vector<16xi1>, vector<16xf32>
              %select_n3A_261 = arith.select %lt3A_260, %masked_sort3A_244, %cond3A_236#1 : vector<16xi1>, vector<16xi32>
              %select_n3A_262 = arith.select %lt3A_260, %cond3A_236#0, %masked_sort3A_243 : vector<16xi1>, vector<16xf32>
              %select_n3A_263 = arith.select %lt3A_260, %cond3A_236#1, %masked_sort3A_244 : vector<16xi1>, vector<16xi32>
              %masked_sort3A_264 = arith.constant dense<true> : vector<16xi1>
              %masked_sort3A_265, %masked_sort3A_266, %masked_sort3A_267 = tpu.sort %select_n3A_262, %select_n3A_263 masked %masked_sort3A_264 {descending = true} : (vector<16xf32>, vector<16xi32>, vector<16xi1>) -> (vector<16xi1>, vector<16xf32>, vector<16xi32>)
              scf.yield %masked_sort3A_266, %masked_sort3A_267, %cond3A_236#2, %cond3A_236#3, %cond3A_236#4, %cond3A_236#5, %cond3A_236#6, %cond3A_236#7 : vector<16xf32>, vector<16xi32>, vector<16xf32>, vector<16xi32>, vector<16xf32>, vector<16xi32>, vector<16xf32>, vector<16xi32>
            } else {
              %slice3A_260 = vector.extract_strided_slice %cond3A_236#4 {offsets = [15], sizes = [1], strides = [1]} : vector<16xf32> to vector<1xf32>
              %squeeze3A_261 = vector.extract %slice3A_260[0] : f32 from vector<1xf32>
              %lt3A_262 = arith.cmpf olt, %squeeze3A_246, %squeeze3A_261 : f32
              %convert_element_type3A_263 = arith.extui %lt3A_262 : i1 to i32
              %cond3A_264 = arith.constant 0 : i32
              %cond3A_265 = arith.cmpi ne, %convert_element_type3A_263, %cond3A_264 : i32
              %cond3A_266:8 = scf.if %cond3A_265 -> (vector<16xf32>, vector<16xi32>, vector<16xf32>, vector<16xi32>, vector<16xf32>, vector<16xi32>, vector<16xf32>, vector<16xi32>) {
                %lt3A_267 = arith.cmpf olt, %masked_sort3A_243, %cond3A_236#0 : vector<16xf32>
                %select_n3A = arith.select %lt3A_267, %masked_sort3A_243, %cond3A_236#0 : vector<16xi1>, vector<16xf32>
                %select_n3A_268 = arith.select %lt3A_267, %masked_sort3A_244, %cond3A_236#1 : vector<16xi1>, vector<16xi32>
                %select_n3A_269 = arith.select %lt3A_267, %cond3A_236#0, %masked_sort3A_243 : vector<16xi1>, vector<16xf32>
                %select_n3A_270 = arith.select %lt3A_267, %cond3A_236#1, %masked_sort3A_244 : vector<16xi1>, vector<16xi32>
                %masked_sort3A_271 = arith.constant dense<true> : vector<16xi1>
                %masked_sort3A_272, %masked_sort3A_273, %masked_sort3A_274 = tpu.sort %select_n3A_269, %select_n3A_270 masked %masked_sort3A_271 : (vector<16xf32>, vector<16xi32>, vector<16xi1>) -> (vector<16xi1>, vector<16xf32>, vector<16xi32>)
                %lt3A_275 = arith.cmpf olt, %masked_sort3A_273, %cond3A_236#2 : vector<16xf32>
                %select_n3A_276 = arith.select %lt3A_275, %masked_sort3A_273, %cond3A_236#2 : vector<16xi1>, vector<16xf32>
                %select_n3A_277 = arith.select %lt3A_275, %masked_sort3A_274, %cond3A_236#3 : vector<16xi1>, vector<16xi32>
                %select_n3A_278 = arith.select %lt3A_275, %cond3A_236#2, %masked_sort3A_273 : vector<16xi1>, vector<16xf32>
                %select_n3A_279 = arith.select %lt3A_275, %cond3A_236#3, %masked_sort3A_274 : vector<16xi1>, vector<16xi32>
                %masked_sort3A_280 = arith.constant dense<true> : vector<16xi1>
                %masked_sort3A_281, %masked_sort3A_282, %masked_sort3A_283 = tpu.sort %select_n3A_276, %select_n3A_277 masked %masked_sort3A_280 {descending = true} : (vector<16xf32>, vector<16xi32>, vector<16xi1>) -> (vector<16xi1>, vector<16xf32>, vector<16xi32>)
                %masked_sort3A_284 = arith.constant dense<true> : vector<16xi1>
                %masked_sort3A_285, %masked_sort3A_286, %masked_sort3A_287 = tpu.sort %select_n3A_278, %select_n3A_279 masked %masked_sort3A_284 {descending = true} : (vector<16xf32>, vector<16xi32>, vector<16xi1>) -> (vector<16xi1>, vector<16xf32>, vector<16xi32>)
                scf.yield %masked_sort3A_282, %masked_sort3A_283, %masked_sort3A_286, %masked_sort3A_287, %cond3A_236#4, %cond3A_236#5, %cond3A_236#6, %cond3A_236#7 : vector<16xf32>, vector<16xi32>, vector<16xf32>, vector<16xi32>, vector<16xf32>, vector<16xi32>, vector<16xf32>, vector<16xi32>
              } else {
                %lt3A_267 = arith.cmpf olt, %masked_sort3A_243, %cond3A_236#0 : vector<16xf32>
                %select_n3A = arith.select %lt3A_267, %masked_sort3A_243, %cond3A_236#0 : vector<16xi1>, vector<16xf32>
                %select_n3A_268 = arith.select %lt3A_267, %masked_sort3A_244, %cond3A_236#1 : vector<16xi1>, vector<16xi32>
                %select_n3A_269 = arith.select %lt3A_267, %cond3A_236#0, %masked_sort3A_243 : vector<16xi1>, vector<16xf32>
                %select_n3A_270 = arith.select %lt3A_267, %cond3A_236#1, %masked_sort3A_244 : vector<16xi1>, vector<16xi32>
                %masked_sort3A_271 = arith.constant dense<true> : vector<16xi1>
                %masked_sort3A_272, %masked_sort3A_273, %masked_sort3A_274 = tpu.sort %select_n3A_269, %select_n3A_270 masked %masked_sort3A_271 : (vector<16xf32>, vector<16xi32>, vector<16xi1>) -> (vector<16xi1>, vector<16xf32>, vector<16xi32>)
                %lt3A_275 = arith.cmpf olt, %masked_sort3A_273, %cond3A_236#2 : vector<16xf32>
                %select_n3A_276 = arith.select %lt3A_275, %masked_sort3A_273, %cond3A_236#2 : vector<16xi1>, vector<16xf32>
                %select_n3A_277 = arith.select %lt3A_275, %masked_sort3A_274, %cond3A_236#3 : vector<16xi1>, vector<16xi32>
                %select_n3A_278 = arith.select %lt3A_275, %cond3A_236#2, %masked_sort3A_273 : vector<16xi1>, vector<16xf32>
                %select_n3A_279 = arith.select %lt3A_275, %cond3A_236#3, %masked_sort3A_274 : vector<16xi1>, vector<16xi32>
                %masked_sort3A_280 = arith.constant dense<true> : vector<16xi1>
                %masked_sort3A_281, %masked_sort3A_282, %masked_sort3A_283 = tpu.sort %select_n3A_276, %select_n3A_277 masked %masked_sort3A_280 {descending = true} : (vector<16xf32>, vector<16xi32>, vector<16xi1>) -> (vector<16xi1>, vector<16xf32>, vector<16xi32>)
                %masked_sort3A_284 = arith.constant dense<true> : vector<16xi1>
                %masked_sort3A_285, %masked_sort3A_286, %masked_sort3A_287 = tpu.sort %select_n3A_278, %select_n3A_279 masked %masked_sort3A_284 : (vector<16xf32>, vector<16xi32>, vector<16xi1>) -> (vector<16xi1>, vector<16xf32>, vector<16xi32>)
                %lt3A_288 = arith.cmpf olt, %masked_sort3A_286, %cond3A_236#4 : vector<16xf32>
                %select_n3A_289 = arith.select %lt3A_288, %masked_sort3A_286, %cond3A_236#4 : vector<16xi1>, vector<16xf32>
                %select_n3A_290 = arith.select %lt3A_288, %masked_sort3A_287, %cond3A_236#5 : vector<16xi1>, vector<16xi32>
                %select_n3A_291 = arith.select %lt3A_288, %cond3A_236#4, %masked_sort3A_286 : vector<16xi1>, vector<16xf32>
                %select_n3A_292 = arith.select %lt3A_288, %cond3A_236#5, %masked_sort3A_287 : vector<16xi1>, vector<16xi32>
                %masked_sort3A_293 = arith.constant dense<true> : vector<16xi1>
                %masked_sort3A_294, %masked_sort3A_295, %masked_sort3A_296 = tpu.sort %select_n3A_289, %select_n3A_290 masked %masked_sort3A_293 {descending = true} : (vector<16xf32>, vector<16xi32>, vector<16xi1>) -> (vector<16xi1>, vector<16xf32>, vector<16xi32>)
                %masked_sort3A_297 = arith.constant dense<true> : vector<16xi1>
                %masked_sort3A_298, %masked_sort3A_299, %masked_sort3A_300 = tpu.sort %select_n3A_291, %select_n3A_292 masked %masked_sort3A_297 : (vector<16xf32>, vector<16xi32>, vector<16xi1>) -> (vector<16xi1>, vector<16xf32>, vector<16xi32>)
                %lt3A_301 = arith.cmpf olt, %masked_sort3A_299, %cond3A_236#6 : vector<16xf32>
                %select_n3A_302 = arith.select %lt3A_301, %masked_sort3A_299, %cond3A_236#6 : vector<16xi1>, vector<16xf32>
                %select_n3A_303 = arith.select %lt3A_301, %masked_sort3A_300, %cond3A_236#7 : vector<16xi1>, vector<16xi32>
                %select_n3A_304 = arith.select %lt3A_301, %cond3A_236#6, %masked_sort3A_299 : vector<16xi1>, vector<16xf32>
                %select_n3A_305 = arith.select %lt3A_301, %cond3A_236#7, %masked_sort3A_300 : vector<16xi1>, vector<16xi32>
                %masked_sort3A_306 = arith.constant dense<true> : vector<16xi1>
                %masked_sort3A_307, %masked_sort3A_308, %masked_sort3A_309 = tpu.sort %select_n3A_302, %select_n3A_303 masked %masked_sort3A_306 {descending = true} : (vector<16xf32>, vector<16xi32>, vector<16xi1>) -> (vector<16xi1>, vector<16xf32>, vector<16xi32>)
                %masked_sort3A_310 = arith.constant dense<true> : vector<16xi1>
                %masked_sort3A_311, %masked_sort3A_312, %masked_sort3A_313 = tpu.sort %select_n3A_304, %select_n3A_305 masked %masked_sort3A_310 : (vector<16xf32>, vector<16xi32>, vector<16xi1>) -> (vector<16xi1>, vector<16xf32>, vector<16xi32>)
                %masked_sort3A_314 = arith.constant dense<true> : vector<16xi1>
                %masked_sort3A_315, %masked_sort3A_316, %masked_sort3A_317 = tpu.sort %masked_sort3A_312, %masked_sort3A_313 masked %masked_sort3A_314 {descending = true} : (vector<16xf32>, vector<16xi32>, vector<16xi1>) -> (vector<16xi1>, vector<16xf32>, vector<16xi32>)
                scf.yield %masked_sort3A_282, %masked_sort3A_283, %masked_sort3A_295, %masked_sort3A_296, %masked_sort3A_308, %masked_sort3A_309, %masked_sort3A_316, %masked_sort3A_317 : vector<16xf32>, vector<16xi32>, vector<16xf32>, vector<16xi32>, vector<16xf32>, vector<16xi32>, vector<16xf32>, vector<16xi32>
              }
              scf.yield %cond3A_266#0, %cond3A_266#1, %cond3A_266#2, %cond3A_266#3, %cond3A_266#4, %cond3A_266#5, %cond3A_266#6, %cond3A_266#7 : vector<16xf32>, vector<16xi32>, vector<16xf32>, vector<16xi32>, vector<16xf32>, vector<16xi32>, vector<16xf32>, vector<16xi32>
            }
            %slice3A_258 = vector.extract_strided_slice %cond3A_257#0 {offsets = [15], sizes = [1], strides = [1]} : vector<16xf32> to vector<1xf32>
            %squeeze3A_259 = vector.extract %slice3A_258[0] : f32 from vector<1xf32>
            scf.yield %cond3A_257#0, %cond3A_257#1, %cond3A_257#2, %cond3A_257#3, %cond3A_257#4, %cond3A_257#5, %cond3A_257#6, %cond3A_257#7, %squeeze3A_259 : vector<16xf32>, vector<16xi32>, vector<16xf32>, vector<16xi32>, vector<16xf32>, vector<16xi32>, vector<16xf32>, vector<16xi32>, f32
          } else {
            scf.yield %cond3A_236#0, %cond3A_236#1, %cond3A_236#2, %cond3A_236#3, %cond3A_236#4, %cond3A_236#5, %cond3A_236#6, %cond3A_236#7, %cond3A_236#8 : vector<16xf32>, vector<16xi32>, vector<16xf32>, vector<16xi32>, vector<16xf32>, vector<16xi32>, vector<16xf32>, vector<16xi32>, f32
          }
          scf.yield %cond3A_251#0, %cond3A_251#1, %cond3A_251#2, %cond3A_251#3, %cond3A_251#4, %cond3A_251#5, %cond3A_251#6, %cond3A_251#7, %cond3A_251#8 : vector<16xf32>, vector<16xi32>, vector<16xf32>, vector<16xi32>, vector<16xf32>, vector<16xi32>, vector<16xf32>, vector<16xi32>, f32
        } else {
          scf.yield %scan3A_39, %scan3A_40, %scan3A_41, %scan3A_42, %scan3A_43, %scan3A_44, %scan3A_45, %scan3A_46, %scan3A_47 : vector<16xf32>, vector<16xi32>, vector<16xf32>, vector<16xi32>, vector<16xf32>, vector<16xi32>, vector<16xf32>, vector<16xi32>, f32
        }
        scf.yield %cond3A_101#0, %cond3A_101#1, %cond3A_101#2, %cond3A_101#3, %cond3A_101#4, %cond3A_101#5, %cond3A_101#6, %cond3A_101#7, %cond3A_101#8 : vector<16xf32>, vector<16xi32>, vector<16xf32>, vector<16xi32>, vector<16xf32>, vector<16xi32>, vector<16xf32>, vector<16xi32>, f32
      }
      %scan3A_21 = arith.constant 625 : i32
      %swap3A = arith.constant 0 : index
      %swap3A_22 = tpu.vector_load %arg6[%swap3A] {strides = array<i32>} : memref<64xf32, #tpu.memory_space<vmem>>, vector<16xf32>,
      tpu.vector_store %arg6[%swap3A], %scan3A_20#6 {strides = array<i32>} : memref<64xf32, #tpu.memory_space<vmem>>, vector<16xf32>,
      %swap3A_23 = arith.constant 0 : index
      %swap3A_24 = tpu.vector_load %arg7[%swap3A_23] {strides = array<i32>} : memref<64xi32, #tpu.memory_space<vmem>>, vector<16xi32>,
      tpu.vector_store %arg7[%swap3A_23], %scan3A_20#7 {strides = array<i32>} : memref<64xi32, #tpu.memory_space<vmem>>, vector<16xi32>,
      %swap3A_25 = arith.constant 16 : index
      %swap3A_26 = tpu.vector_load %arg6[%swap3A_25] {strides = array<i32>} : memref<64xf32, #tpu.memory_space<vmem>>, vector<16xf32>,
      tpu.vector_store %arg6[%swap3A_25], %scan3A_20#4 {strides = array<i32>} : memref<64xf32, #tpu.memory_space<vmem>>, vector<16xf32>,
      %swap3A_27 = arith.constant 16 : index
      %swap3A_28 = tpu.vector_load %arg7[%swap3A_27] {strides = array<i32>} : memref<64xi32, #tpu.memory_space<vmem>>, vector<16xi32>,
      tpu.vector_store %arg7[%swap3A_27], %scan3A_20#5 {strides = array<i32>} : memref<64xi32, #tpu.memory_space<vmem>>, vector<16xi32>,
      %swap3A_29 = arith.constant 32 : index
      %swap3A_30 = tpu.vector_load %arg6[%swap3A_29] {strides = array<i32>} : memref<64xf32, #tpu.memory_space<vmem>>, vector<16xf32>,
      tpu.vector_store %arg6[%swap3A_29], %scan3A_20#2 {strides = array<i32>} : memref<64xf32, #tpu.memory_space<vmem>>, vector<16xf32>,
      %swap3A_31 = arith.constant 32 : index
      %swap3A_32 = tpu.vector_load %arg7[%swap3A_31] {strides = array<i32>} : memref<64xi32, #tpu.memory_space<vmem>>, vector<16xi32>,
      tpu.vector_store %arg7[%swap3A_31], %scan3A_20#3 {strides = array<i32>} : memref<64xi32, #tpu.memory_space<vmem>>, vector<16xi32>,
      %swap3A_33 = arith.constant 48 : index
      %swap3A_34 = tpu.vector_load %arg6[%swap3A_33] {strides = array<i32>} : memref<64xf32, #tpu.memory_space<vmem>>, vector<16xf32>,
      tpu.vector_store %arg6[%swap3A_33], %scan3A_20#0 {strides = array<i32>} : memref<64xf32, #tpu.memory_space<vmem>>, vector<16xf32>,
      %swap3A_35 = arith.constant 48 : index
      %swap3A_36 = tpu.vector_load %arg7[%swap3A_35] {strides = array<i32>} : memref<64xi32, #tpu.memory_space<vmem>>, vector<16xi32>,
      tpu.vector_store %arg7[%swap3A_35], %scan3A_20#1 {strides = array<i32>} : memref<64xi32, #tpu.memory_space<vmem>>, vector<16xi32>,
      "tpu.region"() ({
        %run_scoped3A = tpu.sem_alloc : memref<!tpu.dma_semaphore, #tpu.memory_space<semaphore_mem>>
        %dma_start3A = arith.constant 0 : i32
        %dma_start3A_38 = tpu.memref_slice %arg3[%add3A_11, %dma_start3A] : memref<128x64xf32, #tpu.memory_space<hbm>> -> memref<1x64xf32, #tpu.memory_space<hbm>>
        %dma_start3A_39 = tpu.memref_squeeze %dma_start3A_38 : memref<1x64xf32, #tpu.memory_space<hbm>> -> memref<64xf32, #tpu.memory_space<hbm>>
        %dma_start3A_40 = arith.constant 0 : i32
        %dma_start3A_41 = tpu.memref_slice %arg3[%add3A_11, %dma_start3A_40] : memref<128x64xf32, #tpu.memory_space<hbm>> -> memref<1x64xf32, #tpu.memory_space<hbm>>
        %dma_start3A_42 = tpu.memref_squeeze %dma_start3A_41 : memref<1x64xf32, #tpu.memory_space<hbm>> -> memref<64xf32, #tpu.memory_space<hbm>>
        tpu.enqueue_dma source(%arg6 : memref<64xf32, #tpu.memory_space<vmem>>) target(%dma_start3A_42 : memref<64xf32, #tpu.memory_space<hbm>>) target_semaphore(%run_scoped3A : memref<!tpu.dma_semaphore, #tpu.memory_space<semaphore_mem>>)
        %dma_wait3A = arith.constant 0 : i32
        %dma_wait3A_43 = tpu.memref_slice %arg3[%add3A_11, %dma_wait3A] : memref<128x64xf32, #tpu.memory_space<hbm>> -> memref<1x64xf32, #tpu.memory_space<hbm>>
        %dma_wait3A_44 = tpu.memref_squeeze %dma_wait3A_43 : memref<1x64xf32, #tpu.memory_space<hbm>> -> memref<64xf32, #tpu.memory_space<hbm>>
        %dma_wait3A_45 = arith.constant 0 : i32
        %dma_wait3A_46 = tpu.memref_slice %arg3[%add3A_11, %dma_wait3A_45] : memref<128x64xf32, #tpu.memory_space<hbm>> -> memref<1x64xf32, #tpu.memory_space<hbm>>
        %dma_wait3A_47 = tpu.memref_squeeze %dma_wait3A_46 : memref<1x64xf32, #tpu.memory_space<hbm>> -> memref<64xf32, #tpu.memory_space<hbm>>
        tpu.wait_dma2 semaphore(%run_scoped3A : memref<!tpu.dma_semaphore, #tpu.memory_space<semaphore_mem>>) src(%arg6 : memref<64xf32, #tpu.memory_space<vmem>>) dst(%dma_wait3A_47 : memref<64xf32, #tpu.memory_space<hbm>>)
        tpu.yield
      }) : () -> ()
      "tpu.region"() ({
        %run_scoped3A = tpu.sem_alloc : memref<!tpu.dma_semaphore, #tpu.memory_space<semaphore_mem>>
        %dma_start3A = arith.constant 0 : i32
        %dma_start3A_38 = tpu.memref_slice %arg4[%add3A_11, %dma_start3A] : memref<128x64xi32, #tpu.memory_space<hbm>> -> memref<1x64xi32, #tpu.memory_space<hbm>>
        %dma_start3A_39 = tpu.memref_squeeze %dma_start3A_38 : memref<1x64xi32, #tpu.memory_space<hbm>> -> memref<64xi32, #tpu.memory_space<hbm>>
        %dma_start3A_40 = arith.constant 0 : i32
        %dma_start3A_41 = tpu.memref_slice %arg4[%add3A_11, %dma_start3A_40] : memref<128x64xi32, #tpu.memory_space<hbm>> -> memref<1x64xi32, #tpu.memory_space<hbm>>
        %dma_start3A_42 = tpu.memref_squeeze %dma_start3A_41 : memref<1x64xi32, #tpu.memory_space<hbm>> -> memref<64xi32, #tpu.memory_space<hbm>>
        tpu.enqueue_dma source(%arg7 : memref<64xi32, #tpu.memory_space<vmem>>) target(%dma_start3A_42 : memref<64xi32, #tpu.memory_space<hbm>>) target_semaphore(%run_scoped3A : memref<!tpu.dma_semaphore, #tpu.memory_space<semaphore_mem>>)
        %dma_wait3A = arith.constant 0 : i32
        %dma_wait3A_43 = tpu.memref_slice %arg4[%add3A_11, %dma_wait3A] : memref<128x64xi32, #tpu.memory_space<hbm>> -> memref<1x64xi32, #tpu.memory_space<hbm>>
        %dma_wait3A_44 = tpu.memref_squeeze %dma_wait3A_43 : memref<1x64xi32, #tpu.memory_space<hbm>> -> memref<64xi32, #tpu.memory_space<hbm>>
        %dma_wait3A_45 = arith.constant 0 : i32
        %dma_wait3A_46 = tpu.memref_slice %arg4[%add3A_11, %dma_wait3A_45] : memref<128x64xi32, #tpu.memory_space<hbm>> -> memref<1x64xi32, #tpu.memory_space<hbm>>
        %dma_wait3A_47 = tpu.memref_squeeze %dma_wait3A_46 : memref<1x64xi32, #tpu.memory_space<hbm>> -> memref<64xi32, #tpu.memory_space<hbm>>
        tpu.wait_dma2 semaphore(%run_scoped3A : memref<!tpu.dma_semaphore, #tpu.memory_space<semaphore_mem>>) src(%arg7 : memref<64xi32, #tpu.memory_space<vmem>>) dst(%dma_wait3A_47 : memref<64xi32, #tpu.memory_space<hbm>>)
        tpu.yield
      }) : () -> ()
      %scan3A_37 = arith.constant 0 : i32
      scf.yield %scan3A_37 : i32
    }
    %scan3A_6 = arith.constant 4 : i32
    return
  }
}

module attributes {stable_mosaic.version = 14 : i64} {
  func.func @_finalize_body(%arg0: i32, %arg1: memref<32x64xf32, #tpu.memory_space<vmem>>, %arg2: memref<32x64xi32, #tpu.memory_space<vmem>>, %arg3: memref<32x4xf32, #tpu.memory_space<vmem>>, %arg4: memref<1x1x32xi32, #tpu.memory_space<vmem>>) attributes {dimension_semantics = [#tpu.dimension_semantics<arbitrary>], iteration_bounds = array<i64: 4>, scalar_prefetch = 0 : i64, scratch_operands = 0 : i64, tpu.core_type = #tpu.core_type<tc>, window_params = [{transform_indices = @transform_0, window_bounds = array<i64: 32, 64>}, {transform_indices = @transform_1, window_bounds = array<i64: 32, 64>}, {transform_indices = @transform_2, window_bounds = array<i64: 32, 4>}, {transform_indices = @transform_3, window_bounds = array<i64: 1, 1, 32>}]} {
    %get3A = arith.constant 0 : index
    %get3A_0 = arith.constant 0 : index
    %get3A_1 = vector.load %arg3[%get3A, %get3A_0] : memref<32x4xf32, #tpu.memory_space<vmem>>, vector<32x1xf32>
    %get3A_2 = arith.constant 0 : index
    %get3A_3 = arith.constant 1 : index
    %get3A_4 = vector.load %arg3[%get3A_2, %get3A_3] : memref<32x4xf32, #tpu.memory_space<vmem>>, vector<32x1xf32>
    %get3A_5 = arith.constant 0 : index
    %get3A_6 = arith.constant 2 : index
    %get3A_7 = vector.load %arg3[%get3A_5, %get3A_6] : memref<32x4xf32, #tpu.memory_space<vmem>>, vector<32x1xf32>
    %get3A_8 = arith.constant 0 : index
    %get3A_9 = arith.constant 3 : index
    %get3A_10 = vector.load %arg3[%get3A_8, %get3A_9] : memref<32x4xf32, #tpu.memory_space<vmem>>, vector<32x1xf32>
    %convert_element_type3A = arith.fptosi %get3A_10 : vector<32x1xf32> to vector<32x1xi32>
    %get3A_11 = arith.constant 0 : index
    %get3A_12 = arith.constant 0 : index
    %get3A_13 = vector.load %arg1[%get3A_11, %get3A_12] : memref<32x64xf32, #tpu.memory_space<vmem>>, vector<32x64xf32>
    %div3A = vector.broadcast %get3A_1 : vector<32x1xf32> to vector<32x64xf32>
    %div3A_14 = arith.divf %get3A_13, %div3A : vector<32x64xf32>
    %get3A_15 = arith.constant 0 : index
    %get3A_16 = arith.constant 0 : index
    %get3A_17 = vector.load %arg2[%get3A_15, %get3A_16] : memref<32x64xi32, #tpu.memory_space<vmem>>, vector<32x64xi32>
    %iota3A = tpu.iota {dimensions = array<i32: 1>} : vector<32x64xi32>
    %sub3A = arith.constant 1 : i32
    %sub3A_18 = vector.broadcast %sub3A : i32 to vector<32x1xi32>
    %sub3A_19 = arith.subi %convert_element_type3A, %sub3A_18 : vector<32x1xi32>
    %eq3A = vector.broadcast %sub3A_19 : vector<32x1xi32> to vector<32x64xi32>
    %eq3A_20 = arith.cmpi eq, %iota3A, %eq3A : vector<32x64xi32>
    %jit3A = arith.constant 0.000000e+00 : f32
    %broadcast_in_dim3A = vector.broadcast %jit3A : f32 to vector<32x64xf32>
    %select_n3A = arith.select %eq3A_20, %div3A_14, %broadcast_in_dim3A : vector<32x64xi1>, vector<32x64xf32>
    %reduce_sum3A = arith.constant dense<0.000000e+00> : vector<32xf32>
    %reduce_sum3A_21 = vector.multi_reduction <add>, %select_n3A, %reduce_sum3A [1] : vector<32x64xf32> to vector<32xf32>
    %broadcast_in_dim3A_22 = vector.shape_cast %reduce_sum3A_21 : vector<32xf32> to vector<32x1xf32>
    %ge3A = vector.broadcast %broadcast_in_dim3A_22 : vector<32x1xf32> to vector<32x64xf32>
    %ge3A_23 = arith.cmpf oge, %div3A_14, %ge3A : vector<32x64xf32>
    %slice3A = vector.extract_strided_slice %div3A_14 {offsets = [0, 0], sizes = [32, 1], strides = [1, 1]} : vector<32x64xf32> to vector<32x1xf32>
    %sub3A_24 = vector.broadcast %slice3A : vector<32x1xf32> to vector<32x64xf32>
    %sub3A_25 = arith.subf %div3A_14, %sub3A_24 : vector<32x64xf32>
    %exp3A = math.exp %sub3A_25 : vector<32x64xf32>
    %jit3A_26 = arith.constant 0.000000e+00 : f32
    %broadcast_in_dim3A_27 = vector.broadcast %jit3A_26 : f32 to vector<32x64xf32>
    %select_n3A_28 = arith.select %ge3A_23, %exp3A, %broadcast_in_dim3A_27 : vector<32x64xi1>, vector<32x64xf32>
    %reduce_sum3A_29 = arith.constant dense<0.000000e+00> : vector<32xf32>
    %reduce_sum3A_30 = vector.multi_reduction <add>, %select_n3A_28, %reduce_sum3A_29 [1] : vector<32x64xf32> to vector<32xf32>
    %broadcast_in_dim3A_31 = vector.shape_cast %reduce_sum3A_30 : vector<32xf32> to vector<32x1xf32>
    %div3A_32 = vector.broadcast %broadcast_in_dim3A_31 : vector<32x1xf32> to vector<32x64xf32>
    %div3A_33 = arith.divf %select_n3A_28, %div3A_32 : vector<32x64xf32>
    %slice3A_34 = vector.extract_strided_slice %div3A_33 {offsets = [0, 1], sizes = [32, 63], strides = [1, 1]} : vector<32x64xf32> to vector<32x63xf32>
    %broadcast_in_dim3A_35 = arith.constant 0.000000e+00 : f32
    %broadcast_in_dim3A_36 = vector.broadcast %broadcast_in_dim3A_35 : f32 to vector<32x1xf32>
    %concatenate3A = tpu.concatenate %slice3A_34, %broadcast_in_dim3A_36 in 1 : vector<32x63xf32>, vector<32x1xf32> -> vector<32x64xf32>
    %add3A = arith.addf %div3A_33, %concatenate3A : vector<32x64xf32>
    %slice3A_37 = vector.extract_strided_slice %add3A {offsets = [0, 2], sizes = [32, 62], strides = [1, 1]} : vector<32x64xf32> to vector<32x62xf32>
    %broadcast_in_dim3A_38 = arith.constant 0.000000e+00 : f32
    %broadcast_in_dim3A_39 = vector.broadcast %broadcast_in_dim3A_38 : f32 to vector<32x2xf32>
    %concatenate3A_40 = tpu.concatenate %slice3A_37, %broadcast_in_dim3A_39 in 1 : vector<32x62xf32>, vector<32x2xf32> -> vector<32x64xf32>
    %add3A_41 = arith.addf %add3A, %concatenate3A_40 : vector<32x64xf32>
    %slice3A_42 = vector.extract_strided_slice %add3A_41 {offsets = [0, 4], sizes = [32, 60], strides = [1, 1]} : vector<32x64xf32> to vector<32x60xf32>
    %broadcast_in_dim3A_43 = arith.constant 0.000000e+00 : f32
    %broadcast_in_dim3A_44 = vector.broadcast %broadcast_in_dim3A_43 : f32 to vector<32x4xf32>
    %concatenate3A_45 = tpu.concatenate %slice3A_42, %broadcast_in_dim3A_44 in 1 : vector<32x60xf32>, vector<32x4xf32> -> vector<32x64xf32>
    %add3A_46 = arith.addf %add3A_41, %concatenate3A_45 : vector<32x64xf32>
    %slice3A_47 = vector.extract_strided_slice %add3A_46 {offsets = [0, 8], sizes = [32, 56], strides = [1, 1]} : vector<32x64xf32> to vector<32x56xf32>
    %broadcast_in_dim3A_48 = arith.constant 0.000000e+00 : f32
    %broadcast_in_dim3A_49 = vector.broadcast %broadcast_in_dim3A_48 : f32 to vector<32x8xf32>
    %concatenate3A_50 = tpu.concatenate %slice3A_47, %broadcast_in_dim3A_49 in 1 : vector<32x56xf32>, vector<32x8xf32> -> vector<32x64xf32>
    %add3A_51 = arith.addf %add3A_46, %concatenate3A_50 : vector<32x64xf32>
    %slice3A_52 = vector.extract_strided_slice %add3A_51 {offsets = [0, 16], sizes = [32, 48], strides = [1, 1]} : vector<32x64xf32> to vector<32x48xf32>
    %broadcast_in_dim3A_53 = arith.constant 0.000000e+00 : f32
    %broadcast_in_dim3A_54 = vector.broadcast %broadcast_in_dim3A_53 : f32 to vector<32x16xf32>
    %concatenate3A_55 = tpu.concatenate %slice3A_52, %broadcast_in_dim3A_54 in 1 : vector<32x48xf32>, vector<32x16xf32> -> vector<32x64xf32>
    %add3A_56 = arith.addf %add3A_51, %concatenate3A_55 : vector<32x64xf32>
    %slice3A_57 = vector.extract_strided_slice %add3A_56 {offsets = [0, 32], sizes = [32, 32], strides = [1, 1]} : vector<32x64xf32> to vector<32x32xf32>
    %broadcast_in_dim3A_58 = arith.constant 0.000000e+00 : f32
    %broadcast_in_dim3A_59 = vector.broadcast %broadcast_in_dim3A_58 : f32 to vector<32x32xf32>
    %concatenate3A_60 = tpu.concatenate %slice3A_57, %broadcast_in_dim3A_59 in 1 : vector<32x32xf32>, vector<32x32xf32> -> vector<32x64xf32>
    %add3A_61 = arith.addf %add3A_56, %concatenate3A_60 : vector<32x64xf32>
    %sub3A_62 = arith.constant 1.000000e+00 : f32
    %sub3A_63 = vector.broadcast %sub3A_62 : f32 to vector<32x1xf32>
    %sub3A_64 = arith.subf %sub3A_63, %get3A_7 : vector<32x1xf32>
    %le3A = vector.broadcast %sub3A_64 : vector<32x1xf32> to vector<32x64xf32>
    %le3A_65 = arith.cmpf ole, %add3A_61, %le3A : vector<32x64xf32>
    %gt3A = arith.constant 0 : i32
    %gt3A_66 = vector.broadcast %gt3A : i32 to vector<32x64xi32>
    %gt3A_67 = arith.cmpi sgt, %iota3A, %gt3A_66 : vector<32x64xi32>
    %and3A = arith.andi %le3A_65, %gt3A_67 : vector<32x64xi1>
    %not3A = arith.constant dense<true> : vector<32x64xi1>
    %not3A_68 = arith.xori %and3A, %not3A : vector<32x64xi1>
    %and3A_69 = arith.andi %ge3A_23, %not3A_68 : vector<32x64xi1>
    %jit3A_70 = arith.constant 0.000000e+00 : f32
    %broadcast_in_dim3A_71 = vector.broadcast %jit3A_70 : f32 to vector<32x64xf32>
    %select_n3A_72 = arith.select %and3A_69, %select_n3A_28, %broadcast_in_dim3A_71 : vector<32x64xi1>, vector<32x64xf32>
    %reduce_sum3A_73 = arith.constant dense<0.000000e+00> : vector<32xf32>
    %reduce_sum3A_74 = vector.multi_reduction <add>, %select_n3A_72, %reduce_sum3A_73 [1] : vector<32x64xf32> to vector<32xf32>
    %broadcast_in_dim3A_75 = vector.shape_cast %reduce_sum3A_74 : vector<32xf32> to vector<32x1xf32>
    %div3A_76 = vector.broadcast %broadcast_in_dim3A_75 : vector<32x1xf32> to vector<32x64xf32>
    %div3A_77 = arith.divf %select_n3A_72, %div3A_76 : vector<32x64xf32>
    %reduce_max3A = arith.constant dense<0xFF800000> : vector<32xf32>
    %reduce_max3A_78 = vector.multi_reduction <maximumf>, %div3A_77, %reduce_max3A [1] : vector<32x64xf32> to vector<32xf32>
    %broadcast_in_dim3A_79 = vector.shape_cast %reduce_max3A_78 : vector<32xf32> to vector<32x1xf32>
    %mul3A = arith.mulf %get3A_4, %broadcast_in_dim3A_79 : vector<32x1xf32>
    %lt3A = vector.broadcast %mul3A : vector<32x1xf32> to vector<32x64xf32>
    %lt3A_80 = arith.cmpf olt, %div3A_77, %lt3A : vector<32x64xf32>
    %not3A_81 = arith.constant dense<true> : vector<32x64xi1>
    %not3A_82 = arith.xori %lt3A_80, %not3A_81 : vector<32x64xi1>
    %and3A_83 = arith.andi %and3A_69, %not3A_82 : vector<32x64xi1>
    %mul3A_84 = arith.constant 32 : i32
    %mul3A_85 = arith.muli %arg0, %mul3A_84 : i32
    %iota3A_86 = tpu.iota {dimensions = array<i32: 0>} : vector<32x64xi32>
    %add3A_87 = vector.broadcast %mul3A_85 : i32 to vector<32x64xi32>
    %add3A_88 = arith.addi %add3A_87, %iota3A_86 : vector<32x64xi32>
    %mul3A_89 = arith.constant 100000 : i32
    %mul3A_90 = vector.broadcast %mul3A_89 : i32 to vector<32x64xi32>
    %mul3A_91 = arith.muli %add3A_88, %mul3A_90 : vector<32x64xi32>
    %add3A_92 = arith.addi %mul3A_91, %get3A_17 : vector<32x64xi32>
    %xor3A = arith.constant 0 : i32
    %xor3A_93 = arith.constant 42 : i32
    %xor3A_94 = arith.xori %xor3A, %xor3A_93 : i32
    %xor3A_95 = arith.constant 466688986 : i32
    %xor3A_96 = arith.xori %xor3A_94, %xor3A_95 : i32
    %broadcast_in_dim3A_97 = arith.constant 0 : i32
    %broadcast_in_dim3A_98 = vector.broadcast %broadcast_in_dim3A_97 : i32 to vector<32x64xi32>
    %add3A_99 = arith.constant 0 : i32
    %add3A_100 = vector.broadcast %add3A_99 : i32 to vector<32x64xi32>
    %add3A_101 = arith.addi %broadcast_in_dim3A_98, %add3A_100 : vector<32x64xi32>
    %add3A_102 = arith.constant 42 : i32
    %add3A_103 = vector.broadcast %add3A_102 : i32 to vector<32x64xi32>
    %add3A_104 = arith.addi %add3A_92, %add3A_103 : vector<32x64xi32>
    %add3A_105 = arith.addi %add3A_101, %add3A_104 : vector<32x64xi32>
    %shift_left3A = arith.constant 13 : i32
    %shift_left3A_106 = vector.broadcast %shift_left3A : i32 to vector<32x64xi32>
    %shift_left3A_107 = arith.shli %add3A_104, %shift_left3A_106 : vector<32x64xi32>
    %shift_right_logical3A = arith.constant 19 : i32
    %shift_right_logical3A_108 = vector.broadcast %shift_right_logical3A : i32 to vector<32x64xi32>
    %shift_right_logical3A_109 = arith.shrui %add3A_104, %shift_right_logical3A_108 : vector<32x64xi32>
    %or3A = arith.ori %shift_left3A_107, %shift_right_logical3A_109 : vector<32x64xi32>
    %xor3A_110 = arith.xori %or3A, %add3A_105 : vector<32x64xi32>
    %add3A_111 = arith.addi %add3A_105, %xor3A_110 : vector<32x64xi32>
    %shift_left3A_112 = arith.constant 15 : i32
    %shift_left3A_113 = vector.broadcast %shift_left3A_112 : i32 to vector<32x64xi32>
    %shift_left3A_114 = arith.shli %xor3A_110, %shift_left3A_113 : vector<32x64xi32>
    %shift_right_logical3A_115 = arith.constant 17 : i32
    %shift_right_logical3A_116 = vector.broadcast %shift_right_logical3A_115 : i32 to vector<32x64xi32>
    %shift_right_logical3A_117 = arith.shrui %xor3A_110, %shift_right_logical3A_116 : vector<32x64xi32>
    %or3A_118 = arith.ori %shift_left3A_114, %shift_right_logical3A_117 : vector<32x64xi32>
    %xor3A_119 = arith.xori %or3A_118, %add3A_111 : vector<32x64xi32>
    %add3A_120 = arith.addi %add3A_111, %xor3A_119 : vector<32x64xi32>
    %shift_left3A_121 = arith.constant 26 : i32
    %shift_left3A_122 = vector.broadcast %shift_left3A_121 : i32 to vector<32x64xi32>
    %shift_left3A_123 = arith.shli %xor3A_119, %shift_left3A_122 : vector<32x64xi32>
    %shift_right_logical3A_124 = arith.constant 6 : i32
    %shift_right_logical3A_125 = vector.broadcast %shift_right_logical3A_124 : i32 to vector<32x64xi32>
    %shift_right_logical3A_126 = arith.shrui %xor3A_119, %shift_right_logical3A_125 : vector<32x64xi32>
    %or3A_127 = arith.ori %shift_left3A_123, %shift_right_logical3A_126 : vector<32x64xi32>
    %xor3A_128 = arith.xori %or3A_127, %add3A_120 : vector<32x64xi32>
    %add3A_129 = arith.addi %add3A_120, %xor3A_128 : vector<32x64xi32>
    %shift_left3A_130 = arith.constant 6 : i32
    %shift_left3A_131 = vector.broadcast %shift_left3A_130 : i32 to vector<32x64xi32>
    %shift_left3A_132 = arith.shli %xor3A_128, %shift_left3A_131 : vector<32x64xi32>
    %shift_right_logical3A_133 = arith.constant 26 : i32
    %shift_right_logical3A_134 = vector.broadcast %shift_right_logical3A_133 : i32 to vector<32x64xi32>
    %shift_right_logical3A_135 = arith.shrui %xor3A_128, %shift_right_logical3A_134 : vector<32x64xi32>
    %or3A_136 = arith.ori %shift_left3A_132, %shift_right_logical3A_135 : vector<32x64xi32>
    %xor3A_137 = arith.xori %or3A_136, %add3A_129 : vector<32x64xi32>
    %add3A_138 = arith.constant 42 : i32
    %add3A_139 = vector.broadcast %add3A_138 : i32 to vector<32x64xi32>
    %add3A_140 = arith.addi %add3A_129, %add3A_139 : vector<32x64xi32>
    %add3A_141 = vector.broadcast %xor3A_96 : i32 to vector<32x64xi32>
    %add3A_142 = arith.addi %xor3A_137, %add3A_141 : vector<32x64xi32>
    %add3A_143 = arith.constant 1 : i32
    %add3A_144 = vector.broadcast %add3A_143 : i32 to vector<32x64xi32>
    %add3A_145 = arith.addi %add3A_142, %add3A_144 : vector<32x64xi32>
    %add3A_146 = arith.addi %add3A_140, %add3A_145 : vector<32x64xi32>
    %shift_left3A_147 = arith.constant 17 : i32
    %shift_left3A_148 = vector.broadcast %shift_left3A_147 : i32 to vector<32x64xi32>
    %shift_left3A_149 = arith.shli %add3A_145, %shift_left3A_148 : vector<32x64xi32>
    %shift_right_logical3A_150 = arith.constant 15 : i32
    %shift_right_logical3A_151 = vector.broadcast %shift_right_logical3A_150 : i32 to vector<32x64xi32>
    %shift_right_logical3A_152 = arith.shrui %add3A_145, %shift_right_logical3A_151 : vector<32x64xi32>
    %or3A_153 = arith.ori %shift_left3A_149, %shift_right_logical3A_152 : vector<32x64xi32>
    %xor3A_154 = arith.xori %or3A_153, %add3A_146 : vector<32x64xi32>
    %add3A_155 = arith.addi %add3A_146, %xor3A_154 : vector<32x64xi32>
    %shift_left3A_156 = arith.constant 29 : i32
    %shift_left3A_157 = vector.broadcast %shift_left3A_156 : i32 to vector<32x64xi32>
    %shift_left3A_158 = arith.shli %xor3A_154, %shift_left3A_157 : vector<32x64xi32>
    %shift_right_logical3A_159 = arith.constant 3 : i32
    %shift_right_logical3A_160 = vector.broadcast %shift_right_logical3A_159 : i32 to vector<32x64xi32>
    %shift_right_logical3A_161 = arith.shrui %xor3A_154, %shift_right_logical3A_160 : vector<32x64xi32>
    %or3A_162 = arith.ori %shift_left3A_158, %shift_right_logical3A_161 : vector<32x64xi32>
    %xor3A_163 = arith.xori %or3A_162, %add3A_155 : vector<32x64xi32>
    %add3A_164 = arith.addi %add3A_155, %xor3A_163 : vector<32x64xi32>
    %shift_left3A_165 = arith.constant 16 : i32
    %shift_left3A_166 = vector.broadcast %shift_left3A_165 : i32 to vector<32x64xi32>
    %shift_left3A_167 = arith.shli %xor3A_163, %shift_left3A_166 : vector<32x64xi32>
    %shift_right_logical3A_168 = arith.constant 16 : i32
    %shift_right_logical3A_169 = vector.broadcast %shift_right_logical3A_168 : i32 to vector<32x64xi32>
    %shift_right_logical3A_170 = arith.shrui %xor3A_163, %shift_right_logical3A_169 : vector<32x64xi32>
    %or3A_171 = arith.ori %shift_left3A_167, %shift_right_logical3A_170 : vector<32x64xi32>
    %xor3A_172 = arith.xori %or3A_171, %add3A_164 : vector<32x64xi32>
    %add3A_173 = arith.addi %add3A_164, %xor3A_172 : vector<32x64xi32>
    %shift_left3A_174 = arith.constant 24 : i32
    %shift_left3A_175 = vector.broadcast %shift_left3A_174 : i32 to vector<32x64xi32>
    %shift_left3A_176 = arith.shli %xor3A_172, %shift_left3A_175 : vector<32x64xi32>
    %shift_right_logical3A_177 = arith.constant 8 : i32
    %shift_right_logical3A_178 = vector.broadcast %shift_right_logical3A_177 : i32 to vector<32x64xi32>
    %shift_right_logical3A_179 = arith.shrui %xor3A_172, %shift_right_logical3A_178 : vector<32x64xi32>
    %or3A_180 = arith.ori %shift_left3A_176, %shift_right_logical3A_179 : vector<32x64xi32>
    %xor3A_181 = arith.xori %or3A_180, %add3A_173 : vector<32x64xi32>
    %add3A_182 = vector.broadcast %xor3A_96 : i32 to vector<32x64xi32>
    %add3A_183 = arith.addi %add3A_173, %add3A_182 : vector<32x64xi32>
    %add3A_184 = arith.constant 0 : i32
    %add3A_185 = vector.broadcast %add3A_184 : i32 to vector<32x64xi32>
    %add3A_186 = arith.addi %xor3A_181, %add3A_185 : vector<32x64xi32>
    %add3A_187 = arith.constant 2 : i32
    %add3A_188 = vector.broadcast %add3A_187 : i32 to vector<32x64xi32>
    %add3A_189 = arith.addi %add3A_186, %add3A_188 : vector<32x64xi32>
    %add3A_190 = arith.addi %add3A_183, %add3A_189 : vector<32x64xi32>
    %shift_left3A_191 = arith.constant 13 : i32
    %shift_left3A_192 = vector.broadcast %shift_left3A_191 : i32 to vector<32x64xi32>
    %shift_left3A_193 = arith.shli %add3A_189, %shift_left3A_192 : vector<32x64xi32>
    %shift_right_logical3A_194 = arith.constant 19 : i32
    %shift_right_logical3A_195 = vector.broadcast %shift_right_logical3A_194 : i32 to vector<32x64xi32>
    %shift_right_logical3A_196 = arith.shrui %add3A_189, %shift_right_logical3A_195 : vector<32x64xi32>
    %or3A_197 = arith.ori %shift_left3A_193, %shift_right_logical3A_196 : vector<32x64xi32>
    %xor3A_198 = arith.xori %or3A_197, %add3A_190 : vector<32x64xi32>
    %add3A_199 = arith.addi %add3A_190, %xor3A_198 : vector<32x64xi32>
    %shift_left3A_200 = arith.constant 15 : i32
    %shift_left3A_201 = vector.broadcast %shift_left3A_200 : i32 to vector<32x64xi32>
    %shift_left3A_202 = arith.shli %xor3A_198, %shift_left3A_201 : vector<32x64xi32>
    %shift_right_logical3A_203 = arith.constant 17 : i32
    %shift_right_logical3A_204 = vector.broadcast %shift_right_logical3A_203 : i32 to vector<32x64xi32>
    %shift_right_logical3A_205 = arith.shrui %xor3A_198, %shift_right_logical3A_204 : vector<32x64xi32>
    %or3A_206 = arith.ori %shift_left3A_202, %shift_right_logical3A_205 : vector<32x64xi32>
    %xor3A_207 = arith.xori %or3A_206, %add3A_199 : vector<32x64xi32>
    %add3A_208 = arith.addi %add3A_199, %xor3A_207 : vector<32x64xi32>
    %shift_left3A_209 = arith.constant 26 : i32
    %shift_left3A_210 = vector.broadcast %shift_left3A_209 : i32 to vector<32x64xi32>
    %shift_left3A_211 = arith.shli %xor3A_207, %shift_left3A_210 : vector<32x64xi32>
    %shift_right_logical3A_212 = arith.constant 6 : i32
    %shift_right_logical3A_213 = vector.broadcast %shift_right_logical3A_212 : i32 to vector<32x64xi32>
    %shift_right_logical3A_214 = arith.shrui %xor3A_207, %shift_right_logical3A_213 : vector<32x64xi32>
    %or3A_215 = arith.ori %shift_left3A_211, %shift_right_logical3A_214 : vector<32x64xi32>
    %xor3A_216 = arith.xori %or3A_215, %add3A_208 : vector<32x64xi32>
    %add3A_217 = arith.addi %add3A_208, %xor3A_216 : vector<32x64xi32>
    %shift_left3A_218 = arith.constant 6 : i32
    %shift_left3A_219 = vector.broadcast %shift_left3A_218 : i32 to vector<32x64xi32>
    %shift_left3A_220 = arith.shli %xor3A_216, %shift_left3A_219 : vector<32x64xi32>
    %shift_right_logical3A_221 = arith.constant 26 : i32
    %shift_right_logical3A_222 = vector.broadcast %shift_right_logical3A_221 : i32 to vector<32x64xi32>
    %shift_right_logical3A_223 = arith.shrui %xor3A_216, %shift_right_logical3A_222 : vector<32x64xi32>
    %or3A_224 = arith.ori %shift_left3A_220, %shift_right_logical3A_223 : vector<32x64xi32>
    %xor3A_225 = arith.xori %or3A_224, %add3A_217 : vector<32x64xi32>
    %add3A_226 = arith.constant 0 : i32
    %add3A_227 = vector.broadcast %add3A_226 : i32 to vector<32x64xi32>
    %add3A_228 = arith.addi %add3A_217, %add3A_227 : vector<32x64xi32>
    %add3A_229 = arith.constant 42 : i32
    %add3A_230 = vector.broadcast %add3A_229 : i32 to vector<32x64xi32>
    %add3A_231 = arith.addi %xor3A_225, %add3A_230 : vector<32x64xi32>
    %add3A_232 = arith.constant 3 : i32
    %add3A_233 = vector.broadcast %add3A_232 : i32 to vector<32x64xi32>
    %add3A_234 = arith.addi %add3A_231, %add3A_233 : vector<32x64xi32>
    %add3A_235 = arith.addi %add3A_228, %add3A_234 : vector<32x64xi32>
    %shift_left3A_236 = arith.constant 17 : i32
    %shift_left3A_237 = vector.broadcast %shift_left3A_236 : i32 to vector<32x64xi32>
    %shift_left3A_238 = arith.shli %add3A_234, %shift_left3A_237 : vector<32x64xi32>
    %shift_right_logical3A_239 = arith.constant 15 : i32
    %shift_right_logical3A_240 = vector.broadcast %shift_right_logical3A_239 : i32 to vector<32x64xi32>
    %shift_right_logical3A_241 = arith.shrui %add3A_234, %shift_right_logical3A_240 : vector<32x64xi32>
    %or3A_242 = arith.ori %shift_left3A_238, %shift_right_logical3A_241 : vector<32x64xi32>
    %xor3A_243 = arith.xori %or3A_242, %add3A_235 : vector<32x64xi32>
    %add3A_244 = arith.addi %add3A_235, %xor3A_243 : vector<32x64xi32>
    %shift_left3A_245 = arith.constant 29 : i32
    %shift_left3A_246 = vector.broadcast %shift_left3A_245 : i32 to vector<32x64xi32>
    %shift_left3A_247 = arith.shli %xor3A_243, %shift_left3A_246 : vector<32x64xi32>
    %shift_right_logical3A_248 = arith.constant 3 : i32
    %shift_right_logical3A_249 = vector.broadcast %shift_right_logical3A_248 : i32 to vector<32x64xi32>
    %shift_right_logical3A_250 = arith.shrui %xor3A_243, %shift_right_logical3A_249 : vector<32x64xi32>
    %or3A_251 = arith.ori %shift_left3A_247, %shift_right_logical3A_250 : vector<32x64xi32>
    %xor3A_252 = arith.xori %or3A_251, %add3A_244 : vector<32x64xi32>
    %add3A_253 = arith.addi %add3A_244, %xor3A_252 : vector<32x64xi32>
    %shift_left3A_254 = arith.constant 16 : i32
    %shift_left3A_255 = vector.broadcast %shift_left3A_254 : i32 to vector<32x64xi32>
    %shift_left3A_256 = arith.shli %xor3A_252, %shift_left3A_255 : vector<32x64xi32>
    %shift_right_logical3A_257 = arith.constant 16 : i32
    %shift_right_logical3A_258 = vector.broadcast %shift_right_logical3A_257 : i32 to vector<32x64xi32>
    %shift_right_logical3A_259 = arith.shrui %xor3A_252, %shift_right_logical3A_258 : vector<32x64xi32>
    %or3A_260 = arith.ori %shift_left3A_256, %shift_right_logical3A_259 : vector<32x64xi32>
    %xor3A_261 = arith.xori %or3A_260, %add3A_253 : vector<32x64xi32>
    %add3A_262 = arith.addi %add3A_253, %xor3A_261 : vector<32x64xi32>
    %shift_left3A_263 = arith.constant 24 : i32
    %shift_left3A_264 = vector.broadcast %shift_left3A_263 : i32 to vector<32x64xi32>
    %shift_left3A_265 = arith.shli %xor3A_261, %shift_left3A_264 : vector<32x64xi32>
    %shift_right_logical3A_266 = arith.constant 8 : i32
    %shift_right_logical3A_267 = vector.broadcast %shift_right_logical3A_266 : i32 to vector<32x64xi32>
    %shift_right_logical3A_268 = arith.shrui %xor3A_261, %shift_right_logical3A_267 : vector<32x64xi32>
    %or3A_269 = arith.ori %shift_left3A_265, %shift_right_logical3A_268 : vector<32x64xi32>
    %xor3A_270 = arith.xori %or3A_269, %add3A_262 : vector<32x64xi32>
    %add3A_271 = arith.constant 42 : i32
    %add3A_272 = vector.broadcast %add3A_271 : i32 to vector<32x64xi32>
    %add3A_273 = arith.addi %add3A_262, %add3A_272 : vector<32x64xi32>
    %add3A_274 = vector.broadcast %xor3A_96 : i32 to vector<32x64xi32>
    %add3A_275 = arith.addi %xor3A_270, %add3A_274 : vector<32x64xi32>
    %add3A_276 = arith.constant 4 : i32
    %add3A_277 = vector.broadcast %add3A_276 : i32 to vector<32x64xi32>
    %add3A_278 = arith.addi %add3A_275, %add3A_277 : vector<32x64xi32>
    %add3A_279 = arith.addi %add3A_273, %add3A_278 : vector<32x64xi32>
    %shift_left3A_280 = arith.constant 13 : i32
    %shift_left3A_281 = vector.broadcast %shift_left3A_280 : i32 to vector<32x64xi32>
    %shift_left3A_282 = arith.shli %add3A_278, %shift_left3A_281 : vector<32x64xi32>
    %shift_right_logical3A_283 = arith.constant 19 : i32
    %shift_right_logical3A_284 = vector.broadcast %shift_right_logical3A_283 : i32 to vector<32x64xi32>
    %shift_right_logical3A_285 = arith.shrui %add3A_278, %shift_right_logical3A_284 : vector<32x64xi32>
    %or3A_286 = arith.ori %shift_left3A_282, %shift_right_logical3A_285 : vector<32x64xi32>
    %xor3A_287 = arith.xori %or3A_286, %add3A_279 : vector<32x64xi32>
    %add3A_288 = arith.addi %add3A_279, %xor3A_287 : vector<32x64xi32>
    %shift_left3A_289 = arith.constant 15 : i32
    %shift_left3A_290 = vector.broadcast %shift_left3A_289 : i32 to vector<32x64xi32>
    %shift_left3A_291 = arith.shli %xor3A_287, %shift_left3A_290 : vector<32x64xi32>
    %shift_right_logical3A_292 = arith.constant 17 : i32
    %shift_right_logical3A_293 = vector.broadcast %shift_right_logical3A_292 : i32 to vector<32x64xi32>
    %shift_right_logical3A_294 = arith.shrui %xor3A_287, %shift_right_logical3A_293 : vector<32x64xi32>
    %or3A_295 = arith.ori %shift_left3A_291, %shift_right_logical3A_294 : vector<32x64xi32>
    %xor3A_296 = arith.xori %or3A_295, %add3A_288 : vector<32x64xi32>
    %add3A_297 = arith.addi %add3A_288, %xor3A_296 : vector<32x64xi32>
    %shift_left3A_298 = arith.constant 26 : i32
    %shift_left3A_299 = vector.broadcast %shift_left3A_298 : i32 to vector<32x64xi32>
    %shift_left3A_300 = arith.shli %xor3A_296, %shift_left3A_299 : vector<32x64xi32>
    %shift_right_logical3A_301 = arith.constant 6 : i32
    %shift_right_logical3A_302 = vector.broadcast %shift_right_logical3A_301 : i32 to vector<32x64xi32>
    %shift_right_logical3A_303 = arith.shrui %xor3A_296, %shift_right_logical3A_302 : vector<32x64xi32>
    %or3A_304 = arith.ori %shift_left3A_300, %shift_right_logical3A_303 : vector<32x64xi32>
    %xor3A_305 = arith.xori %or3A_304, %add3A_297 : vector<32x64xi32>
    %add3A_306 = arith.addi %add3A_297, %xor3A_305 : vector<32x64xi32>
    %shift_left3A_307 = arith.constant 6 : i32
    %shift_left3A_308 = vector.broadcast %shift_left3A_307 : i32 to vector<32x64xi32>
    %shift_left3A_309 = arith.shli %xor3A_305, %shift_left3A_308 : vector<32x64xi32>
    %shift_right_logical3A_310 = arith.constant 26 : i32
    %shift_right_logical3A_311 = vector.broadcast %shift_right_logical3A_310 : i32 to vector<32x64xi32>
    %shift_right_logical3A_312 = arith.shrui %xor3A_305, %shift_right_logical3A_311 : vector<32x64xi32>
    %or3A_313 = arith.ori %shift_left3A_309, %shift_right_logical3A_312 : vector<32x64xi32>
    %xor3A_314 = arith.xori %or3A_313, %add3A_306 : vector<32x64xi32>
    %add3A_315 = vector.broadcast %xor3A_96 : i32 to vector<32x64xi32>
    %add3A_316 = arith.addi %add3A_306, %add3A_315 : vector<32x64xi32>
    %add3A_317 = arith.constant 0 : i32
    %add3A_318 = vector.broadcast %add3A_317 : i32 to vector<32x64xi32>
    %add3A_319 = arith.addi %xor3A_314, %add3A_318 : vector<32x64xi32>
    %add3A_320 = arith.constant 5 : i32
    %add3A_321 = vector.broadcast %add3A_320 : i32 to vector<32x64xi32>
    %add3A_322 = arith.addi %add3A_319, %add3A_321 : vector<32x64xi32>
    %xor3A_323 = arith.xori %add3A_316, %add3A_322 : vector<32x64xi32>
    %shift_right_logical3A_324 = arith.constant 9 : i32
    %shift_right_logical3A_325 = vector.broadcast %shift_right_logical3A_324 : i32 to vector<32x64xi32>
    %shift_right_logical3A_326 = arith.shrui %xor3A_323, %shift_right_logical3A_325 : vector<32x64xi32>
    %or3A_327 = arith.constant 1065353216 : i32
    %or3A_328 = vector.broadcast %or3A_327 : i32 to vector<32x64xi32>
    %or3A_329 = arith.ori %shift_right_logical3A_326, %or3A_328 : vector<32x64xi32>
    %bitcast_convert_type3A = tpu.bitcast %or3A_329 : vector<32x64xi32> -> vector<32x64xf32>
    %sub3A_330 = arith.constant 1.000000e+00 : f32
    %sub3A_331 = vector.broadcast %sub3A_330 : f32 to vector<32x64xf32>
    %sub3A_332 = arith.subf %bitcast_convert_type3A, %sub3A_331 : vector<32x64xf32>
    %mul3A_333 = arith.constant 1.000000e+00 : f32
    %mul3A_334 = vector.broadcast %mul3A_333 : f32 to vector<32x64xf32>
    %mul3A_335 = arith.mulf %sub3A_332, %mul3A_334 : vector<32x64xf32>
    %add3A_336 = arith.constant 1.17549435E-38 : f32
    %add3A_337 = vector.broadcast %add3A_336 : f32 to vector<32x64xf32>
    %add3A_338 = arith.addf %mul3A_335, %add3A_337 : vector<32x64xf32>
    %max3A = arith.constant 1.17549435E-38 : f32
    %max3A_339 = vector.broadcast %max3A : f32 to vector<32x64xf32>
    %max3A_340 = arith.maximumf %max3A_339, %add3A_338 : vector<32x64xf32>
    %log3A = math.log %max3A_340 : vector<32x64xf32>
    %neg3A = arith.constant 0.000000e+00 : f32
    %neg3A_341 = vector.broadcast %neg3A : f32 to vector<32x64xf32>
    %neg3A_342 = arith.subf %neg3A_341, %log3A : vector<32x64xf32>
    %log3A_343 = math.log %neg3A_342 : vector<32x64xf32>
    %neg3A_344 = arith.constant 0.000000e+00 : f32
    %neg3A_345 = vector.broadcast %neg3A_344 : f32 to vector<32x64xf32>
    %neg3A_346 = arith.subf %neg3A_345, %log3A_343 : vector<32x64xf32>
    %add3A_347 = arith.addf %div3A_14, %neg3A_346 : vector<32x64xf32>
    %jit3A_348 = arith.constant 0xFF800000 : f32
    %broadcast_in_dim3A_349 = vector.broadcast %jit3A_348 : f32 to vector<32x64xf32>
    %select_n3A_350 = arith.select %and3A_83, %add3A_347, %broadcast_in_dim3A_349 : vector<32x64xi1>, vector<32x64xf32>
    %reduce_max3A_351 = arith.constant dense<0xFF800000> : vector<32xf32>
    %reduce_max3A_352 = vector.multi_reduction <maximumf>, %select_n3A_350, %reduce_max3A_351 [1] : vector<32x64xf32> to vector<32xf32>
    %broadcast_in_dim3A_353 = vector.shape_cast %reduce_max3A_352 : vector<32xf32> to vector<32x1xf32>
    %eq3A_354 = vector.broadcast %broadcast_in_dim3A_353 : vector<32x1xf32> to vector<32x64xf32>
    %eq3A_355 = arith.cmpf oeq, %select_n3A_350, %eq3A_354 : vector<32x64xf32>
    %jit3A_356 = arith.constant 100000 : i32
    %broadcast_in_dim3A_357 = vector.broadcast %jit3A_356 : i32 to vector<32x64xi32>
    %select_n3A_358 = arith.select %eq3A_355, %get3A_17, %broadcast_in_dim3A_357 : vector<32x64xi1>, vector<32x64xi32>
    %reduce_min3A = arith.constant dense<2147483647> : vector<32xi32>
    %reduce_min3A_359 = vector.multi_reduction <minsi>, %select_n3A_358, %reduce_min3A [1] : vector<32x64xi32> to vector<32xi32>
    %swap3A = arith.constant 0 : index
    %swap3A_360 = arith.constant 0 : index
    %swap3A_361 = arith.constant 0 : index
    %swap3A_362 = vector.load %arg4[%swap3A, %swap3A_360, %swap3A_361] : memref<1x1x32xi32, #tpu.memory_space<vmem>>, vector<1x1x32xi32>
    %swap3A_363 = vector.shape_cast %swap3A_362 : vector<1x1x32xi32> to vector<32xi32>
    %swap3A_364 = vector.shape_cast %reduce_min3A_359 : vector<32xi32> to vector<1x1x32xi32>
    tpu.vector_store %arg4[%swap3A, %swap3A_360, %swap3A_361], %swap3A_364 {strides = array<i32>} : memref<1x1x32xi32, #tpu.memory_space<vmem>>, vector<1x1x32xi32>,
    return
  }
  func.func @transform_0(%arg0: i32) -> (i32, i32) {
    %c0_i32 = arith.constant 0 : i32
    %c0_i32_0 = arith.constant 0 : i32
    return %arg0, %c0_i32 : i32, i32
  }
  func.func @transform_1(%arg0: i32) -> (i32, i32) {
    %c0_i32 = arith.constant 0 : i32
    %c0_i32_0 = arith.constant 0 : i32
    return %arg0, %c0_i32 : i32, i32
  }
  func.func @transform_2(%arg0: i32) -> (i32, i32) {
    %c0_i32 = arith.constant 0 : i32
    %c0_i32_0 = arith.constant 0 : i32
    return %arg0, %c0_i32 : i32, i32
  }
  func.func @transform_3(%arg0: i32) -> (i32, i32, i32) {
    %c0_i32 = arith.constant 0 : i32
    %c0_i32_0 = arith.constant 0 : i32
    %c0_i32_1 = arith.constant 0 : i32
    return %arg0, %c0_i32, %c0_i32_0 : i32, i32, i32
  }
}

</mosaic_0001>

<sc_bundles>
// kernel: kernel.4.cloned.1.call-start
scs
__scs_entry_jumppad:
0x0: {  	(pc) =	sbr.rel $0x88, $3  }
0x1: {  	(tag) =	ssettag $0x0;
	lr =	simm.s32 $0x1  }
0x2: {  	[smem:$0x3F9C] =	sst lr;
	_ =	strace $0xD0000000  }
0x3: {  	_ = 	snop  }
0x4: {  	_ = 	snop  }
0x5: {  	_ = 	snop  }
0x6: {  	_ = 	snop  }
0x7: {  	_ = 	snop  }
__scs_overlays_trampoline_lowered:
0x8: {  	[smem:$0x3FAB] =	sst s0  }
0x9: {  	[smem:$0x3FAC] =	sst s1  }
0xa: {  	[smem:$0x3FAD] =	sst s2  }
0xb: {  	[smem:$0x3FAE] =	sst s3  }
0xc: {  	[smem:$0x3FAF] =	sst s4  }
0xd: {  	[smem:$0x3FB0] =	sst s5  }
0xe: {  	[smem:$0x3FB1] =	sst s6  }
0xf: {  	[smem:$0x3FB2] =	sst s7  }
0x10: {  	[smem:$0x3FB3] =	sst s8  }
0x11: {  	[smem:$0x3FB4] =	sst s9;
	s0 =	simm.s32 @!p0 $0x0  }
0x12: {  	s1 =	sld [smem:$0x3F9A];
	s0 =	simm.s32 @p0 $0x1  }
0x13: {  	[smem:$0x3FB5] =	sst s0;
	s0 =	simm.s32 @!p1 $0x0  }
0x14: {  	s2 =	sld [smem:$0x3F99];
	s0 =	simm.s32 @p1 $0x1  }
0x15: {  	[smem:$0x3FB6] =	sst s0;
	s0 =	simm.s32 @!p2 $0x0  }
0x16: {  	s3 =	sld [smem:$0x3FDB];
	s0 =	simm.s32 @p2 $0x1  }
0x17: {  	s4 =	simm.s32 $0x1BF5;
	[smem:$0x3FB8] =	sst s0  }
0x18: {  	s0 =	sld [smem:$0x3F9B];
	_ =	swait.ge [sflag:s4], $0x0  }
0x19: {  	s7 =	sld [smem:$0x3F9C]  }
0x1a: {  	s8 =	sadd.s32 $0xFFFFE003, lr  }
0x1b: {  	s9 =	sadd.s32 $0xFFFFFEF7, lr;
	s5 =	simm.s32 $0xFFFFFFFF;
	p2 =	slt.u32 s8, $0xFFFFF086  }
0x1c: {  	p1 =	slt.u32 s9, $0xF7A;
	s5 =	simm.s32 @!p2 $0x0  }
0x1d: {  	s5 =	simm.s32 @p1 $0x1;
	p0 =	seq.s32 s7, s2  }
0x1e: {  	s7 =	smul.u32 @!p0 $0xF7A, s2;
	p2 =	seq.s32 @!p0 s5, $0x0  }
0x1f: {  	s9 =	smul.u32 $0xF7A, s1;
	s8 =	simm.s32 @!p0 $0x1BF5;
	p2 =	por !p2, p0  }
0x20: {  	[sflag:s8] =	ssyncset.s32 @!p0 $0xFFFFF086;
	s6 =	sadd.s32 @!p0 s3, s7;
	s7 =	simm.s32 @!p0 $0x108  }
0x21: {  	s3 =	sadd.s32 s3, s9;
	s6 =	sadd.s32 @!p0 $0x88, s6;
	s7 =	simm.s32 @p2 $0x1082  }
0x22: {  	[simem:s7], [sflag:s8] =	dma.local @!p0 [hbm:s6], $0xF7A  }
0x23: {  	s9 =	sor.u32 $0xD0000000, s2;
	s6 =	simm.s32 $0x108;
	_ =	swait.ge @!p0 [sflag:s8], $0x0  }
0x24: {  	s3 =	sadd.s32 $0x88, s3;
	s6 =	simm.s32 @!p1 $0x1082;
	[sflag:s4] =	ssyncset.s32 $0xFFFFF086  }
0x25: {  	[simem:s6], [sflag:s4] =	dma.local [hbm:s3], $0xF7A  }
0x26: {  	[smem:$0x3F9C] =	sst s1;
	(tag) =	ssettag s2;
	_ =	strace s9  }
0x27: {  	s1 =	sld [smem:$0x3FAC]  }
0x28: {  	s2 =	sld [smem:$0x3FAD]  }
0x29: {  	s4 =	sld [smem:$0x3FAF]  }
0x2a: {  	p0 =	seq.s32 s5, $0x0;
	s5 =	sld [smem:$0x3FB0]  }
0x2b: {  	s6 =	sld [smem:$0x3FB1]  }
0x2c: {  	s7 =	sld [smem:$0x3FB2]  }
0x2d: {  	s3 =	simm.s32 $0x108;
	s8 =	sld [smem:$0x3FB3]  }
0x2e: {  	s3 =	simm.s32 @!p0 $0x1082;
	s9 =	sld [smem:$0x3FB4]  }
0x2f: {  	lr =	sadd.s32 s0, s3;
	s0 =	sld [smem:$0x3FAB]  }
0x30: {  	s3 =	sld [smem:$0x3FAE]  }
0x31: {  	[smem:$0x3FB7] =	sst s10  }
0x32: {  	s10 =	sld [smem:$0x3FB5];
	_ =	sdelay $0x3  }
0x33: {  	p0 =	seq.s32 s10, $0x1;
	s10 =	sld [smem:$0x3FB7];
	_ =	sdelay $0x3  }
0x34: {  	[smem:$0x3FB7] =	sst s10  }
0x35: {  	s10 =	sld [smem:$0x3FB6];
	_ =	sdelay $0x3  }
0x36: {  	p1 =	seq.s32 s10, $0x1;
	s10 =	sld [smem:$0x3FB7];
	_ =	sdelay $0x3  }
0x37: {  	[smem:$0x3FB7] =	sst s10  }
0x38: {  	s10 =	sld [smem:$0x3FB8]  }
0x39: {  	_ = 	snop;
	(pc) =	sbr.ind lr, $3  }
0x3a: {  	_ = 	snop  }
0x3b: {  	_ = 	snop  }
0x3c: {  	p2 =	seq.s32 s10, $0x1;
	s10 =	sld [smem:$0x3FB7]  }
0x3d: {  	_ =	shalt  }
0x3e: {  	_ =	shalt  }
0x3f: {  	_ =	shalt  }
0x40: {  	_ =	shalt  }
0x41: {  	_ =	shalt  }
0x42: {  	_ =	shalt  }
0x43: {  	_ =	shalt  }
0x44: {  	_ =	shalt  }
0x45: {  	_ =	shalt  }
0x46: {  	_ =	shalt  }
0x47: {  	_ =	shalt  }
0x48: {  	_ =	shalt  }
0x49: {  	_ =	shalt  }
0x4a: {  	_ =	shalt  }
0x4b: {  	_ =	shalt  }
0x4c: {  	_ =	shalt  }
0x4d: {  	_ =	shalt  }
0x4e: {  	_ =	shalt  }
0x4f: {  	_ =	shalt  }
0x50: {  	_ =	shalt  }
0x51: {  	_ =	shalt  }
0x52: {  	_ =	shalt  }
0x53: {  	_ =	shalt  }
0x54: {  	_ =	shalt  }
0x55: {  	_ =	shalt  }
0x56: {  	_ =	shalt  }
0x57: {  	_ =	shalt  }
0x58: {  	_ =	shalt  }
0x59: {  	_ =	shalt  }
0x5a: {  	_ =	shalt  }
0x5b: {  	_ =	shalt  }
0x5c: {  	_ =	shalt  }
0x5d: {  	_ =	shalt  }
0x5e: {  	_ =	shalt  }
0x5f: {  	_ =	shalt  }
0x60: {  	_ =	shalt  }
0x61: {  	_ =	shalt  }
0x62: {  	_ =	shalt  }
0x63: {  	_ =	shalt  }
0x64: {  	_ =	shalt  }
0x65: {  	_ =	shalt  }
0x66: {  	_ =	shalt  }
0x67: {  	_ =	shalt  }
0x68: {  	_ =	shalt  }
0x69: {  	_ =	shalt  }
0x6a: {  	_ =	shalt  }
0x6b: {  	_ =	shalt  }
0x6c: {  	_ =	shalt  }
0x6d: {  	_ =	shalt  }
0x6e: {  	_ =	shalt  }
0x6f: {  	_ =	shalt  }
0x70: {  	_ =	shalt  }
0x71: {  	_ =	shalt  }
0x72: {  	_ =	shalt  }
0x73: {  	_ =	shalt  }
0x74: {  	_ =	shalt  }
0x75: {  	_ =	shalt  }
0x76: {  	_ =	shalt  }
0x77: {  	_ =	shalt  }
0x78: {  	_ =	shalt  }
0x79: {  	_ =	shalt  }
0x7a: {  	_ =	shalt  }
0x7b: {  	_ =	shalt  }
0x7c: {  	_ =	shalt  }
0x7d: {  	_ =	shalt  }
0x7e: {  	_ =	shalt  }
0x7f: {  	_ =	shalt  }
0x80: {  	_ =	shalt  }
0x81: {  	_ =	shalt  }
0x82: {  	_ =	shalt  }
0x83: {  	_ =	shalt  }
0x84: {  	_ =	shalt  }
0x85: {  	_ =	shalt  }
0x86: {  	_ =	shalt  }
0x87: {  	_ =	shalt  }
.Lfunc_end0:
.L_simem_size_0:
called_computation_lowered:
.L_overlay_start_0:
0x88: {  	s2 =	sld [smem:$0x3FD9]  }
0x89: {  	s3 =	sld [smem:$0x3FFE];
	_ =	sdelay $0x1  }
0x8a: {  	s1 =	srdreg.scid  }
0x8b: {  	s0 =	sand.u32 $0x1, s1  }
0x8c: {  	s16 =	sshll.u32 s0, $0xA;
	s2 =	sadd.s32 s3, s2  }
0x8d: {  	s2 =	sadd.s32 s2, s16  }
0x8e: {  	[smem:$0x3FC3] =	sst s2  }
0x8f: {  	_ = 	snop  }
0x90: {  	(tm) =	ssettm $0x1  }
0x91: {  	s17 =	sld [smem:$0x3FFB];
	_ =	sdelay $0x3  }
0x92: {  	_ =	strace s17  }
0x93: {  	s2 =	sld [smem:$0x3FFC];
	_ =	sdelay $0x3  }
0x94: {  	_ =	strace s2  }
0x95: {  	s2 =	sld [smem:$0x3FFD];
	_ =	sdelay $0x3  }
0x96: {  	_ =	strace s2  }
0x97: {  	_ =	strace $0x8FFFFFFF  }
0x98: {  	s18 =	sld [smem:$0x3FDB];
	_ =	sdelay $0x1  }
0x99: {  	s19 =	simm.s32 $_scs_section_size  }
0x9a: {  	s4 =	simm.s32 $_size__tile_overlayer_lowered;
	s5 =	simm.s32 $_tile_overlayer_lowered  }
0x9b: {  	s22 =	simm.s32 $0x1BFF;
	s21 =	sshll.u32 s5, $0x1;
	s2 =	sadd.s32 s19, s18  }
0x9c: {  	s6 =	simm.s32 $0x0;
	s20 =	sshll.u32 s4, $0x1;
	s4 =	sadd.s32 s21, s2  }
0x9d: {  	[timem:s6], [sflag:s22] =	dma.local [hbm:s4], s20  }
0x9e: {  	_ =	swait.ge [sflag:s22], s20  }
0x9f: {  	s3 =	ssub.s32 $0x0, s20;
	[sflag:s22] =	ssyncset.done $0x0  }
0xa0: {  	[sflag:s22] =	ssyncadd.s32 s3;
	_ =	sdelay $0x1  }
0xa1: {  	s23 =	simm.s32 $0x1B8B  }
0xa2: {  	_ =	swait.ge [sflag:s23], $0x1  }
0xa3: {  	[sflag:s23] =	ssyncset.done $0x0  }
0xa4: {  	s25 =	simm.s32 $0x1B8E;
	s24 =	sld [smem:$0x3FFE];
	[sflag:s23] =	ssyncadd.s32 $0xFFFFFFFF  }
0xa5: {  	s26 =	simm.s32 $execute0_lowered;
	[smem:$0x3FD2] =	sst s25  }
0xa6: {  	s4 =	sshll.u32 s26, $0x1;
	_ =	strace $0x80000046;
	[dreg:$0x1] =	wrdreg $0xFFFFFFFF  }
0xa7: {  	s28 =	simm.s32 $_size_execute0_lowered;
	s2 =	sadd.s32 s2, s4;
	[dreg:$0x0] =	wrdreg $0x0  }
0xa8: {  	s4 =	sshll.u32 s28, $0x1;
	[dreg:$0x2] =	wrdreg s2  }
0xa9: {  	[dreg:$0x3] =	wrdreg s4  }
0xaa: {  	[dreg:$0x4] =	wrdreg $0xC0  }
0xab: {  	_ =	task [dreg:s6], $0x5FFFF  }
0xac: {  	[dreg:$0x1] =	wrdreg $0xFFFFFFFF  }
0xad: {  	[dreg:$0x0] =	wrdreg $0x60  }
0xae: {  	[dreg:$0x2] =	wrdreg s24  }
0xaf: {  	[dreg:$0x3] =	wrdreg $0x9  }
0xb0: {  	_ =	task.clear_ibuf [dreg:s6], $0x4FFFF;
	_ =	strace $0x90000046  }
0xb1: {  	s29 =	simm.s32 $0x9;
	_ =	strace $0x80000048  }
0xb2: {  	_ =	swait.ge [sflag:s29], $0x1  }
0xb3: {  	[sflag:s29] =	ssyncadd.s32 $0xFFFFFFFF  }
0xb4: {  	_ =	strace $0x90000048  }
0xb5: {  	_ =	sfence  }
0xb6: {  	s30 =	sld [smem:$0x0];
	_ =	sdelay $0x2  }
0xb7: {  	s31 =	sshll.u32 s1, $0xD;
	s1 =	sshrl.u32 s1, $0x2  }
0xb8: {  	s3 =	sand.u32 $0x4000, s31;
	s1 =	sadd.s32 s1, s30  }
0xb9: {  	s0 =	sor.u32 s3, s0;
	s1 =	sshll.u32 s1, $0x11  }
0xba: {  	s0 =	sor.u32 s1, s0  }
0xbb: {  	s0 =	sadd.s32 $0x8F2B, s0  }
0xbc: {  	[sflag:s0] =	ssyncadd.remote.s32 $0x1  }
0xbd: {  	_ =	sfence.sel $0xFFFF  }
0xbe: {  	[dreg:$0x0] =	wrdreg $0xFFFFFFFF;
	(pc) =	sbr.abs _section_cstart, $3  }
0xbf: {  	[dreg:$0x1] =	wrdreg $0xFFFFFFFF  }
0xc0: {  	_ =	task.clear_ibuf [dreg:s6], $0x2FFFF;
	_ =	strace $0x9FFFFFFF  }
0xc1: {  	(tm) =	ssettm $0x7FFFFFFF  }
tec
execute0_lowered:
.L_overlay_start_1:
0x0: {  	(tag) =	ssettag $0x1  }
0x1: {  	s3 =	rddreg [dreg:$0x0]  }
0x2: {  	s0 =	rddreg [dreg:$0x1];
	s1 =	simm.s32 $0x0;
	s2 =	srdreg.scid  }
0x3: {  	s10 =	simm.s32 $0x80;
	s11 =	simm.s32 $0x400;
	s12 =	simm.s32 $0x1  }
0x4: {  	s13 =	simm.s32 $0x18700;
	s14 =	simm.s32 $0x18780;
	s15 =	simm.s32 $0x0  }
.Ltmp0:
0x5: {  	[smem:$0x7FF] =	sst s1;
	s6 =	sand.u32 $0x1, s2;
	(pc) =	sbr.rel .LBB2_1-.Ltmp0, $4  }
0x6: {  	s2 =	sadd.s32 $0x1000, s3;
	s4 =	sadd.s32 $0x188000, s3;
	s7 =	ssub.s32 $0x2, s6  }
0x7: {  	s5 =	sadd.s32 $0x188800, s3;
	s3 =	stileid.u32;
	s8 =	sshrl.u32 s7, $0x1  }
0x8: {  	_ =	strace $0x80000047;
	s6 =	sshll.u32 s6, $0x9;
	s9 =	ssub.s32 s7, s8  }
0x9: {  	v0 =	vlaneseq.u32;
	s7 =	smul.u32 $0xC3800, s3;
	s8 =	sshll.u32 s3, $0xA;
	s9 =	smax.u32 s9, $0x1  }
.LBB2_26:
0xa: {  	s15 =	sadd.s32 $0x1, s15  }
0xb: {  	p0 =	sne.s32 s15, s9  }
.Ltmp1:
0xc: {  	_ = 	snop;
	(pc) =	sbr.rel @!p0 .LBB2_27-.Ltmp1, $1  }
0xd: {  	_ =	sdelay $0x3  }
.LBB2_1:
.Ltmp2:
0xe: {  	(pc) =	sbr.rel .LBB2_2-.Ltmp2, $2  }
0xf: {  	_ =	sdelay $0x2  }
0x10: {  	s16 =	simm.s32 $0x0  }
.LBB2_25:
0x11: {  	[tilespmem:$0x18700] =	vst v3  }
0x12: {  	[tilespmem:$0x18780] =	vst v4  }
0x13: {  	[tilespmem:$0x18710] =	vst v5  }
0x14: {  	[tilespmem:$0x18790] =	vst v2  }
0x15: {  	[tilespmem:$0x18720] =	vst v6  }
0x16: {  	[tilespmem:$0x187A0] =	vst v1;
	s17 =	sadd.s32 s8, s17  }
0x17: {  	[tilespmem:$0x18730] =	vst v7;
	s17 =	sshrl.u32 s17, $0x3  }
0x18: {  	[tilespmem:$0x187B0] =	vst v9;
	s18 =	sadd.s32 s4, s17  }
0x19: {  	[hbm4b:s18+s1] =	stream.linear.scatter [tilespmem:s13], [sflag:$0x1], $0x80, $0x38;
	[tilespmem:$0x18800] =	vst v63  }
0x1a: {  	s16 =	sadd.s32 $0x1, s16;
	_ =	swait.ge [sflag:s12], $0x80  }
0x1b: {  	p0 =	sne.s32 s16, $0x4;
	[sflag:s12] =	ssyncset.done $0x0  }
.Ltmp3:
0x1c: {  	s17 =	sadd.s32 s5, s17;
	[sflag:s12] =	ssyncadd.s32 $0xFFFFFF80;
	(pc) =	sbr.rel @!p0 .LBB2_26-.Ltmp3, $4  }
0x1d: {  	[hbm4b:s17+s1] =	stream.linear.scatter [tilespmem:s14], [sflag:$0x1], $0x80, $0x38;
	[tilespmem:$0x18800] =	vst v63  }
0x1e: {  	_ =	swait.ge [sflag:s12], $0x80  }
0x1f: {  	[sflag:s12] =	ssyncset.done $0x0  }
0x20: {  	[sflag:s12] =	ssyncadd.s32 $0xFFFFFF80  }
.LBB2_2:
0x21: {  	s17 =	sshll.u32 s16, $0x7  }
0x22: {  	s17 =	sadd.s32 s6, s17  }
0x23: {  	s18 =	sadd.s32 s7, s17  }
0x24: {  	s18 =	sshrl.u32 s18, $0x3  }
.Ltmp4:
0x25: {  	s19 =	sadd.s32 s2, s18;
	s18 =	simm.s32 $0x0;
	(pc) =	sbr.rel .LBB2_3-.Ltmp4, $4  }
0x26: {  	[tilespmem:s18], [sflag:$0x1] =	stream.strided.gather [hbm4b:s19+s10], $0x18700, s11, s10, $0x38;
	[tilespmem:$0x18800] =	vst v63  }
0x27: {  	v3 =	vimm.f32 $-Inf;
	v4 =	vimm.s32 $0x0;
	_ =	swait.ge [sflag:s12], $0x18700  }
0x28: {  	v2 =	vimm.s32 $0x0;
	v5 =	vimm.f32 $-Inf;
	v1 =	vimm.s32 $0x0;
	[sflag:s12] =	ssyncset.done $0x0  }
0x29: {  	s21 =	simm.f32 $-Inf;
	v6 =	vimm.f32 $-Inf;
	v9 =	vimm.s32 $0x0;
	v7 =	vimm.f32 $-Inf;
	s19 =	simm.s32 $0x50;
	[sflag:s12] =	ssyncadd.s32 $0xFFFE7900  }
.LBB2_24:
0x2a: {  	s18 =	sadd.s32 $0xA0, s18  }
0x2b: {  	p0 =	sne.s32 s18, $0x186A0  }
.Ltmp5:
0x2c: {  	_ = 	snop;
	(pc) =	sbr.rel @!p0 .LBB2_25-.Ltmp5, $2  }
0x2d: {  	_ =	sdelay $0x2  }
0x2e: {  	s19 =	sadd.s32 $0xA0, s19  }
.LBB2_3:
0x2f: {  	v18 =	vld [tilespmem:s19+$0xFFFFFFB0]  }
0x30: {  	v17 =	vld [tilespmem:s19+$0xFFFFFFC0]  }
0x31: {  	v16 =	vld [tilespmem:s19+$0xFFFFFFD0]  }
0x32: {  	v15 =	vld [tilespmem:s19+$0xFFFFFFE0]  }
0x33: {  	v14 =	vld [tilespmem:s19+$0xFFFFFFF0]  }
0x34: {  	v13 =	vld [tilespmem:s19+$0x0];
	s20 =	sadd.s32 $0x80, s18  }
0x35: {  	v12 =	vld [tilespmem:s19+$0x10];
	s23 =	sand.u32 $0x60, s18;
	s22 =	sand.u32 $0x7FF80, s20;
	v8 =	vmax.f32 v18, v17  }
0x36: {  	v11 =	vld [tilespmem:s19+$0x20];
	s22 =	sor.u32 s23, s22;
	v8 =	vmax.f32 v8, v16  }
0x37: {  	v10 =	vld [tilespmem:s22+$0x0];
	v8 =	vmax.f32 v8, v15  }
0x38: {  	v19 =	vmax.f32 v8, v14;
	v8 =	vld [tilespmem:s19+$0x40]  }
0x39: {  	v19 =	vmax.f32 v19, v13  }
0x3a: {  	v19 =	vmax.f32 v19, v12  }
0x3b: {  	v19 =	vmax.f32 v19, v11  }
0x3c: {  	v19 =	vmax.f32 v19, v10  }
0x3d: {  	v19 =	vmax.f32 v19, v8  }
0x3e: {  	(xrf1) =	vsort.ascd.msk.f32 $0xffff, v19, v0;
	_ =	sdelay $0xd  }
0x3f: {  	v19, _, _ =	vpop (xrf1)  }
0x40: {  	(v2sf) =	vpush v19, $0xF;
	_ =	sdelay $0xe  }
0x41: {  	s31 =	spop (v2sf)  }
0x42: {  	p0 =	sgt.f32 s31, s21  }
.Ltmp6:
0x43: {  	_ = 	snop;
	(pc) =	sbr.rel @!p0 .LBB2_24-.Ltmp6, $1  }
0x44: {  	_ =	sdelay $0x3  }
0x45: {  	v19 =	vor.u32 s18, v0  }
0x46: {  	(xrf1) =	vsort.ascd.msk.f32 $0xffff, v18, v19;
	_ =	sdelay $0xd  }
0x47: {  	v19, v18, _ =	vpop (xrf1)  }
0x48: {  	(v2sf) =	vpush v19, $0xF;
	_ =	sdelay $0xe  }
0x49: {  	s22 =	spop (v2sf)  }
0x4a: {  	p0 =	sgt.f32 s22, s21  }
.Ltmp7:
0x4b: {  	_ = 	snop;
	(pc) =	sbr.rel @!p0 .LBB2_6-.Ltmp7, $1  }
0x4c: {  	_ =	sdelay $0x3  }
0x4d: {  	(v2sf) =	vpush v6, $0xF;
	_ =	sdelay $0xe  }
0x4e: {  	s21 =	spop (v2sf)  }
0x4f: {  	p0 =	slt.f32 s22, s21;
	_ =	sdelay $0x1  }
0x50: {  	vm0 =	vlt.f32 @!p0 v19, v7  }
0x51: {  	(v2sf) =	vpush @!p0 v5, $0xF;
	v20 =	vsel @!p0 vm0, v7, v19;
	v21 =	vsel @!p0 vm0, v9, v18  }
0x52: {  	(xrf1) =	vsort.ascd.msk.f32 @!p0 $0xffff, v20, v21;
	_ =	sdelay $0xd  }
0x53: {  	s21 =	spop @!p0 (v2sf);
	v20, v21, _ =	vpop @!p0 (xrf1)  }
0x54: {  	p1 =	slt.f32 @!p0 s22, s21;
	vm0 =	vlt.f32 @!p0 v20, v6  }
0x55: {  	v22 =	vsel @!p0 vm0, v20, v6;
	v23 =	vsel @!p0 vm0, v21, v1  }
0x56: {  	v20 =	vsel @!p0 vm0, v6, v20;
	v21 =	vsel @!p0 vm0, v1, v21;
	p2 =	por p1, p0;
	(xrf1) =	vsort.dscd.msk.f32 @!p0 $0xffff, v22, v23  }
0x57: {  	(xrf1) =	vsort.ascd.msk.f32 @!p2 $0xffff, v20, v21;
	_ =	sdelay $0xc  }
0x58: {  	v22, v23, _ =	vpop @!p0 (xrf1)  }
0x59: {  	v24, v25, _ =	vpop @!p2 (xrf1)  }
0x5a: {  	vm0 =	vlt.f32 @!p2 v24, v5  }
0x5b: {  	v26 =	vsel @!p2 vm0, v24, v5;
	v27 =	vsel @!p2 vm0, v25, v2  }
0x5c: {  	v24 =	vsel @!p2 vm0, v5, v24;
	v25 =	vsel @!p2 vm0, v2, v25;
	(xrf1) =	vsort.dscd.msk.f32 @!p2 $0xffff, v26, v27  }
0x5d: {  	(xrf1) =	vsort.ascd.msk.f32 @!p2 $0xffff, v24, v25;
	_ =	sdelay $0xc  }
0x5e: {  	v24, v25, _ =	vpop @!p2 (xrf1)  }
0x5f: {  	v26, v27, _ =	vpop @!p2 (xrf1)  }
0x60: {  	vm0 =	vlt.f32 @!p2 v26, v3  }
0x61: {  	v28 =	vsel @!p2 vm0, v26, v3;
	v29 =	vsel @!p2 vm0, v27, v4  }
0x62: {  	v26 =	vsel @!p2 vm0, v3, v26;
	v27 =	vsel @!p2 vm0, v4, v27;
	(xrf1) =	vsort.dscd.msk.f32 @!p2 $0xffff, v28, v29  }
0x63: {  	(xrf1) =	vsort.ascd.msk.f32 @!p2 $0xffff, v26, v27;
	_ =	sdelay $0xc  }
0x64: {  	v26, v27, _ =	vpop @!p2 (xrf1)  }
0x65: {  	v28, v29, _ =	vpop @!p2 (xrf1)  }
0x66: {  	p1 =	por !p1, p0;
	vm0 =	vlt.f32 @p0 v19, v7;
	(xrf1) =	vsort.dscd.msk.f32 @!p2 $0xffff, v28, v29  }
0x67: {  	v7 =	vsel @p0 vm0, v7, v19;
	v9 =	vsel @p0 vm0, v9, v18;
	(xrf1) =	vsort.dscd.msk.f32 @!p1 $0xffff, v20, v21  }
0x68: {  	(xrf1) =	vsort.dscd.msk.f32 @p0 $0xffff, v7, v9;
	_ =	sdelay $0xb  }
0x69: {  	v9, v18, _ =	vpop @!p2 (xrf1)  }
0x6a: {  	v19, v20, _ =	vpop @!p1 (xrf1)  }
0x6b: {  	v7, v21, _ =	vpop @p0 (xrf1)  }
0x6c: {  	v7 =	vpsel p0, v7, v22  }
0x6d: {  	(v2sf) =	vpush v7, $0xF;
	_ =	sdelay $0xa  }
0x6e: {  	v61 =	vpsel p1, v26, v5;
	v62 =	vpsel p1, v27, v2  }
0x6f: {  	v5 =	vpsel p0, v5, v61;
	v2 =	vpsel p0, v2, v62  }
0x70: {  	v63 =	vpsel p1, v9, v3;
	v18 =	vpsel p1, v18, v4;
	v19 =	vpsel p1, v24, v19  }
0x71: {  	v20 =	vpsel p1, v25, v20;
	v3 =	vpsel p0, v3, v63;
	v4 =	vpsel p0, v4, v18  }
0x72: {  	v9 =	vpsel p0, v21, v23;
	v6 =	vpsel p0, v6, v19;
	v1 =	vpsel p0, v1, v20;
	s21 =	spop (v2sf)  }
.LBB2_6:
0x73: {  	s22 =	sadd.s32 $0x10, s18  }
0x74: {  	v18 =	vor.u32 s22, v0  }
0x75: {  	(xrf1) =	vsort.ascd.msk.f32 $0xffff, v17, v18;
	_ =	sdelay $0xd  }
0x76: {  	v18, v17, _ =	vpop (xrf1)  }
0x77: {  	(v2sf) =	vpush v18, $0xF;
	_ =	sdelay $0xe  }
0x78: {  	s22 =	spop (v2sf)  }
0x79: {  	p0 =	sgt.f32 s22, s21  }
.Ltmp8:
0x7a: {  	_ = 	snop;
	(pc) =	sbr.rel @!p0 .LBB2_8-.Ltmp8, $1  }
0x7b: {  	_ =	sdelay $0x3  }
0x7c: {  	(v2sf) =	vpush v6, $0xF;
	_ =	sdelay $0xe  }
0x7d: {  	s21 =	spop (v2sf)  }
0x7e: {  	p0 =	slt.f32 s22, s21;
	_ =	sdelay $0x1  }
0x7f: {  	vm0 =	vlt.f32 @!p0 v18, v7  }
0x80: {  	(v2sf) =	vpush @!p0 v5, $0xF;
	v19 =	vsel @!p0 vm0, v7, v18;
	v20 =	vsel @!p0 vm0, v9, v17  }
0x81: {  	(xrf1) =	vsort.ascd.msk.f32 @!p0 $0xffff, v19, v20;
	_ =	sdelay $0xd  }
0x82: {  	s21 =	spop @!p0 (v2sf);
	v19, v20, _ =	vpop @!p0 (xrf1)  }
0x83: {  	p1 =	slt.f32 @!p0 s22, s21;
	vm0 =	vlt.f32 @!p0 v19, v6  }
0x84: {  	v21 =	vsel @!p0 vm0, v19, v6;
	v22 =	vsel @!p0 vm0, v20, v1  }
0x85: {  	v19 =	vsel @!p0 vm0, v6, v19;
	v20 =	vsel @!p0 vm0, v1, v20;
	p2 =	por p1, p0;
	(xrf1) =	vsort.dscd.msk.f32 @!p0 $0xffff, v21, v22  }
0x86: {  	(xrf1) =	vsort.ascd.msk.f32 @!p2 $0xffff, v19, v20;
	_ =	sdelay $0xc  }
0x87: {  	v21, v22, _ =	vpop @!p0 (xrf1)  }
0x88: {  	v23, v24, _ =	vpop @!p2 (xrf1)  }
0x89: {  	vm0 =	vlt.f32 @!p2 v23, v5  }
0x8a: {  	v25 =	vsel @!p2 vm0, v23, v5;
	v26 =	vsel @!p2 vm0, v24, v2  }
0x8b: {  	v23 =	vsel @!p2 vm0, v5, v23;
	v24 =	vsel @!p2 vm0, v2, v24;
	(xrf1) =	vsort.dscd.msk.f32 @!p2 $0xffff, v25, v26  }
0x8c: {  	(xrf1) =	vsort.ascd.msk.f32 @!p2 $0xffff, v23, v24;
	_ =	sdelay $0xc  }
0x8d: {  	v23, v24, _ =	vpop @!p2 (xrf1)  }
0x8e: {  	v25, v26, _ =	vpop @!p2 (xrf1)  }
0x8f: {  	vm0 =	vlt.f32 @!p2 v25, v3  }
0x90: {  	v27 =	vsel @!p2 vm0, v25, v3;
	v28 =	vsel @!p2 vm0, v26, v4  }
0x91: {  	v25 =	vsel @!p2 vm0, v3, v25;
	v26 =	vsel @!p2 vm0, v4, v26;
	(xrf1) =	vsort.dscd.msk.f32 @!p2 $0xffff, v27, v28  }
0x92: {  	(xrf1) =	vsort.ascd.msk.f32 @!p2 $0xffff, v25, v26;
	_ =	sdelay $0xc  }
0x93: {  	v25, v26, _ =	vpop @!p2 (xrf1)  }
0x94: {  	v27, v28, _ =	vpop @!p2 (xrf1)  }
0x95: {  	p1 =	por !p1, p0;
	vm0 =	vlt.f32 @p0 v18, v7;
	(xrf1) =	vsort.dscd.msk.f32 @!p2 $0xffff, v27, v28  }
0x96: {  	v7 =	vsel @p0 vm0, v7, v18;
	v9 =	vsel @p0 vm0, v9, v17;
	(xrf1) =	vsort.dscd.msk.f32 @!p1 $0xffff, v19, v20  }
0x97: {  	(xrf1) =	vsort.dscd.msk.f32 @p0 $0xffff, v7, v9;
	_ =	sdelay $0xb  }
0x98: {  	v9, v17, _ =	vpop @!p2 (xrf1)  }
0x99: {  	v18, v19, _ =	vpop @!p1 (xrf1)  }
0x9a: {  	v7, v20, _ =	vpop @p0 (xrf1)  }
0x9b: {  	v7 =	vpsel p0, v7, v21  }
0x9c: {  	(v2sf) =	vpush v7, $0xF;
	_ =	sdelay $0xa  }
0x9d: {  	v61 =	vpsel p1, v25, v5;
	v62 =	vpsel p1, v26, v2  }
0x9e: {  	v5 =	vpsel p0, v5, v61;
	v2 =	vpsel p0, v2, v62  }
0x9f: {  	v63 =	vpsel p1, v9, v3;
	v17 =	vpsel p1, v17, v4;
	v18 =	vpsel p1, v23, v18  }
0xa0: {  	v19 =	vpsel p1, v24, v19;
	v3 =	vpsel p0, v3, v63;
	v4 =	vpsel p0, v4, v17  }
0xa1: {  	v9 =	vpsel p0, v20, v22;
	v6 =	vpsel p0, v6, v18;
	v1 =	vpsel p0, v1, v19;
	s21 =	spop (v2sf)  }
.LBB2_8:
0xa2: {  	s22 =	sadd.s32 $0x20, s18  }
0xa3: {  	v17 =	vor.u32 s22, v0  }
0xa4: {  	(xrf1) =	vsort.ascd.msk.f32 $0xffff, v16, v17;
	_ =	sdelay $0xd  }
0xa5: {  	v17, v16, _ =	vpop (xrf1)  }
0xa6: {  	(v2sf) =	vpush v17, $0xF;
	_ =	sdelay $0xe  }
0xa7: {  	s22 =	spop (v2sf)  }
0xa8: {  	p0 =	sgt.f32 s22, s21  }
.Ltmp9:
0xa9: {  	_ = 	snop;
	(pc) =	sbr.rel @!p0 .LBB2_10-.Ltmp9, $1  }
0xaa: {  	_ =	sdelay $0x3  }
0xab: {  	(v2sf) =	vpush v6, $0xF;
	_ =	sdelay $0xe  }
0xac: {  	s21 =	spop (v2sf)  }
0xad: {  	p0 =	slt.f32 s22, s21;
	_ =	sdelay $0x1  }
0xae: {  	vm0 =	vlt.f32 @!p0 v17, v7  }
0xaf: {  	(v2sf) =	vpush @!p0 v5, $0xF;
	v18 =	vsel @!p0 vm0, v7, v17;
	v19 =	vsel @!p0 vm0, v9, v16  }
0xb0: {  	(xrf1) =	vsort.ascd.msk.f32 @!p0 $0xffff, v18, v19;
	_ =	sdelay $0xd  }
0xb1: {  	s21 =	spop @!p0 (v2sf);
	v18, v19, _ =	vpop @!p0 (xrf1)  }
0xb2: {  	p1 =	slt.f32 @!p0 s22, s21;
	vm0 =	vlt.f32 @!p0 v18, v6  }
0xb3: {  	v20 =	vsel @!p0 vm0, v18, v6;
	v21 =	vsel @!p0 vm0, v19, v1  }
0xb4: {  	v18 =	vsel @!p0 vm0, v6, v18;
	v19 =	vsel @!p0 vm0, v1, v19;
	p2 =	por p1, p0;
	(xrf1) =	vsort.dscd.msk.f32 @!p0 $0xffff, v20, v21  }
0xb5: {  	(xrf1) =	vsort.ascd.msk.f32 @!p2 $0xffff, v18, v19;
	_ =	sdelay $0xc  }
0xb6: {  	v20, v21, _ =	vpop @!p0 (xrf1)  }
0xb7: {  	v22, v23, _ =	vpop @!p2 (xrf1)  }
0xb8: {  	vm0 =	vlt.f32 @!p2 v22, v5  }
0xb9: {  	v24 =	vsel @!p2 vm0, v22, v5;
	v25 =	vsel @!p2 vm0, v23, v2  }
0xba: {  	v22 =	vsel @!p2 vm0, v5, v22;
	v23 =	vsel @!p2 vm0, v2, v23;
	(xrf1) =	vsort.dscd.msk.f32 @!p2 $0xffff, v24, v25  }
0xbb: {  	(xrf1) =	vsort.ascd.msk.f32 @!p2 $0xffff, v22, v23;
	_ =	sdelay $0xc  }
0xbc: {  	v22, v23, _ =	vpop @!p2 (xrf1)  }
0xbd: {  	v24, v25, _ =	vpop @!p2 (xrf1)  }
0xbe: {  	vm0 =	vlt.f32 @!p2 v24, v3  }
0xbf: {  	v26 =	vsel @!p2 vm0, v24, v3;
	v27 =	vsel @!p2 vm0, v25, v4  }
0xc0: {  	v24 =	vsel @!p2 vm0, v3, v24;
	v25 =	vsel @!p2 vm0, v4, v25;
	(xrf1) =	vsort.dscd.msk.f32 @!p2 $0xffff, v26, v27  }
0xc1: {  	(xrf1) =	vsort.ascd.msk.f32 @!p2 $0xffff, v24, v25;
	_ =	sdelay $0xc  }
0xc2: {  	v24, v25, _ =	vpop @!p2 (xrf1)  }
0xc3: {  	v26, v27, _ =	vpop @!p2 (xrf1)  }
0xc4: {  	p1 =	por !p1, p0;
	vm0 =	vlt.f32 @p0 v17, v7;
	(xrf1) =	vsort.dscd.msk.f32 @!p2 $0xffff, v26, v27  }
0xc5: {  	v7 =	vsel @p0 vm0, v7, v17;
	v9 =	vsel @p0 vm0, v9, v16;
	(xrf1) =	vsort.dscd.msk.f32 @!p1 $0xffff, v18, v19  }
0xc6: {  	(xrf1) =	vsort.dscd.msk.f32 @p0 $0xffff, v7, v9;
	_ =	sdelay $0xb  }
0xc7: {  	v9, v16, _ =	vpop @!p2 (xrf1)  }
0xc8: {  	v17, v18, _ =	vpop @!p1 (xrf1)  }
0xc9: {  	v7, v19, _ =	vpop @p0 (xrf1)  }
0xca: {  	v7 =	vpsel p0, v7, v20  }
0xcb: {  	(v2sf) =	vpush v7, $0xF;
	_ =	sdelay $0xa  }
0xcc: {  	v61 =	vpsel p1, v24, v5;
	v62 =	vpsel p1, v25, v2  }
0xcd: {  	v5 =	vpsel p0, v5, v61;
	v2 =	vpsel p0, v2, v62  }
0xce: {  	v63 =	vpsel p1, v9, v3;
	v16 =	vpsel p1, v16, v4;
	v17 =	vpsel p1, v22, v17  }
0xcf: {  	v18 =	vpsel p1, v23, v18;
	v3 =	vpsel p0, v3, v63;
	v4 =	vpsel p0, v4, v16  }
0xd0: {  	v9 =	vpsel p0, v19, v21;
	v6 =	vpsel p0, v6, v17;
	v1 =	vpsel p0, v1, v18;
	s21 =	spop (v2sf)  }
.LBB2_10:
0xd1: {  	s22 =	sadd.s32 $0x30, s18  }
0xd2: {  	v16 =	vor.u32 s22, v0  }
0xd3: {  	(xrf1) =	vsort.ascd.msk.f32 $0xffff, v15, v16;
	_ =	sdelay $0xd  }
0xd4: {  	v16, v15, _ =	vpop (xrf1)  }
0xd5: {  	(v2sf) =	vpush v16, $0xF;
	_ =	sdelay $0xe  }
0xd6: {  	s22 =	spop (v2sf)  }
0xd7: {  	p0 =	sgt.f32 s22, s21  }
.Ltmp10:
0xd8: {  	_ = 	snop;
	(pc) =	sbr.rel @!p0 .LBB2_12-.Ltmp10, $1  }
0xd9: {  	_ =	sdelay $0x3  }
0xda: {  	(v2sf) =	vpush v6, $0xF;
	_ =	sdelay $0xe  }
0xdb: {  	s21 =	spop (v2sf)  }
0xdc: {  	p0 =	slt.f32 s22, s21;
	_ =	sdelay $0x1  }
0xdd: {  	vm0 =	vlt.f32 @!p0 v16, v7  }
0xde: {  	(v2sf) =	vpush @!p0 v5, $0xF;
	v17 =	vsel @!p0 vm0, v7, v16;
	v18 =	vsel @!p0 vm0, v9, v15  }
0xdf: {  	(xrf1) =	vsort.ascd.msk.f32 @!p0 $0xffff, v17, v18;
	_ =	sdelay $0xd  }
0xe0: {  	s21 =	spop @!p0 (v2sf);
	v17, v18, _ =	vpop @!p0 (xrf1)  }
0xe1: {  	p1 =	slt.f32 @!p0 s22, s21;
	vm0 =	vlt.f32 @!p0 v17, v6  }
0xe2: {  	v19 =	vsel @!p0 vm0, v17, v6;
	v20 =	vsel @!p0 vm0, v18, v1  }
0xe3: {  	v17 =	vsel @!p0 vm0, v6, v17;
	v18 =	vsel @!p0 vm0, v1, v18;
	p2 =	por p1, p0;
	(xrf1) =	vsort.dscd.msk.f32 @!p0 $0xffff, v19, v20  }
0xe4: {  	(xrf1) =	vsort.ascd.msk.f32 @!p2 $0xffff, v17, v18;
	_ =	sdelay $0xc  }
0xe5: {  	v19, v20, _ =	vpop @!p0 (xrf1)  }
0xe6: {  	v21, v22, _ =	vpop @!p2 (xrf1)  }
0xe7: {  	vm0 =	vlt.f32 @!p2 v21, v5  }
0xe8: {  	v23 =	vsel @!p2 vm0, v21, v5;
	v24 =	vsel @!p2 vm0, v22, v2  }
0xe9: {  	v21 =	vsel @!p2 vm0, v5, v21;
	v22 =	vsel @!p2 vm0, v2, v22;
	(xrf1) =	vsort.dscd.msk.f32 @!p2 $0xffff, v23, v24  }
0xea: {  	(xrf1) =	vsort.ascd.msk.f32 @!p2 $0xffff, v21, v22;
	_ =	sdelay $0xc  }
0xeb: {  	v21, v22, _ =	vpop @!p2 (xrf1)  }
0xec: {  	v23, v24, _ =	vpop @!p2 (xrf1)  }
0xed: {  	vm0 =	vlt.f32 @!p2 v23, v3  }
0xee: {  	v25 =	vsel @!p2 vm0, v23, v3;
	v26 =	vsel @!p2 vm0, v24, v4  }
0xef: {  	v23 =	vsel @!p2 vm0, v3, v23;
	v24 =	vsel @!p2 vm0, v4, v24;
	(xrf1) =	vsort.dscd.msk.f32 @!p2 $0xffff, v25, v26  }
0xf0: {  	(xrf1) =	vsort.ascd.msk.f32 @!p2 $0xffff, v23, v24;
	_ =	sdelay $0xc  }
0xf1: {  	v23, v24, _ =	vpop @!p2 (xrf1)  }
0xf2: {  	v25, v26, _ =	vpop @!p2 (xrf1)  }
0xf3: {  	p1 =	por !p1, p0;
	vm0 =	vlt.f32 @p0 v16, v7;
	(xrf1) =	vsort.dscd.msk.f32 @!p2 $0xffff, v25, v26  }
0xf4: {  	v7 =	vsel @p0 vm0, v7, v16;
	v9 =	vsel @p0 vm0, v9, v15;
	(xrf1) =	vsort.dscd.msk.f32 @!p1 $0xffff, v17, v18  }
0xf5: {  	(xrf1) =	vsort.dscd.msk.f32 @p0 $0xffff, v7, v9;
	_ =	sdelay $0xb  }
0xf6: {  	v9, v15, _ =	vpop @!p2 (xrf1)  }
0xf7: {  	v16, v17, _ =	vpop @!p1 (xrf1)  }
0xf8: {  	v7, v18, _ =	vpop @p0 (xrf1)  }
0xf9: {  	v7 =	vpsel p0, v7, v19  }
0xfa: {  	(v2sf) =	vpush v7, $0xF;
	_ =	sdelay $0xa  }
0xfb: {  	v61 =	vpsel p1, v23, v5;
	v62 =	vpsel p1, v24, v2  }
0xfc: {  	v5 =	vpsel p0, v5, v61;
	v2 =	vpsel p0, v2, v62  }
0xfd: {  	v63 =	vpsel p1, v9, v3;
	v15 =	vpsel p1, v15, v4;
	v16 =	vpsel p1, v21, v16  }
0xfe: {  	v17 =	vpsel p1, v22, v17;
	v3 =	vpsel p0, v3, v63;
	v4 =	vpsel p0, v4, v15  }
0xff: {  	v9 =	vpsel p0, v18, v20;
	v6 =	vpsel p0, v6, v16;
	v1 =	vpsel p0, v1, v17;
	s21 =	spop (v2sf)  }
.LBB2_12:
0x100: {  	s22 =	sadd.s32 $0x40, s18  }
0x101: {  	v15 =	vor.u32 s22, v0  }
0x102: {  	(xrf1) =	vsort.ascd.msk.f32 $0xffff, v14, v15;
	_ =	sdelay $0xd  }
0x103: {  	v15, v14, _ =	vpop (xrf1)  }
0x104: {  	(v2sf) =	vpush v15, $0xF;
	_ =	sdelay $0xe  }
0x105: {  	s22 =	spop (v2sf)  }
0x106: {  	p0 =	sgt.f32 s22, s21  }
.Ltmp11:
0x107: {  	_ = 	snop;
	(pc) =	sbr.rel @!p0 .LBB2_14-.Ltmp11, $1  }
0x108: {  	_ =	sdelay $0x3  }
0x109: {  	(v2sf) =	vpush v6, $0xF;
	_ =	sdelay $0xe  }
0x10a: {  	s21 =	spop (v2sf)  }
0x10b: {  	p0 =	slt.f32 s22, s21;
	_ =	sdelay $0x1  }
0x10c: {  	vm0 =	vlt.f32 @!p0 v15, v7  }
0x10d: {  	(v2sf) =	vpush @!p0 v5, $0xF;
	v16 =	vsel @!p0 vm0, v7, v15;
	v17 =	vsel @!p0 vm0, v9, v14  }
0x10e: {  	(xrf1) =	vsort.ascd.msk.f32 @!p0 $0xffff, v16, v17;
	_ =	sdelay $0xd  }
0x10f: {  	s21 =	spop @!p0 (v2sf);
	v16, v17, _ =	vpop @!p0 (xrf1)  }
0x110: {  	p1 =	slt.f32 @!p0 s22, s21;
	vm0 =	vlt.f32 @!p0 v16, v6  }
0x111: {  	v18 =	vsel @!p0 vm0, v16, v6;
	v19 =	vsel @!p0 vm0, v17, v1  }
0x112: {  	v16 =	vsel @!p0 vm0, v6, v16;
	v17 =	vsel @!p0 vm0, v1, v17;
	p2 =	por p1, p0;
	(xrf1) =	vsort.dscd.msk.f32 @!p0 $0xffff, v18, v19  }
0x113: {  	(xrf1) =	vsort.ascd.msk.f32 @!p2 $0xffff, v16, v17;
	_ =	sdelay $0xc  }
0x114: {  	v18, v19, _ =	vpop @!p0 (xrf1)  }
0x115: {  	v20, v21, _ =	vpop @!p2 (xrf1)  }
0x116: {  	vm0 =	vlt.f32 @!p2 v20, v5  }
0x117: {  	v22 =	vsel @!p2 vm0, v20, v5;
	v23 =	vsel @!p2 vm0, v21, v2  }
0x118: {  	v20 =	vsel @!p2 vm0, v5, v20;
	v21 =	vsel @!p2 vm0, v2, v21;
	(xrf1) =	vsort.dscd.msk.f32 @!p2 $0xffff, v22, v23  }
0x119: {  	(xrf1) =	vsort.ascd.msk.f32 @!p2 $0xffff, v20, v21;
	_ =	sdelay $0xc  }
0x11a: {  	v20, v21, _ =	vpop @!p2 (xrf1)  }
0x11b: {  	v22, v23, _ =	vpop @!p2 (xrf1)  }
0x11c: {  	vm0 =	vlt.f32 @!p2 v22, v3  }
0x11d: {  	v24 =	vsel @!p2 vm0, v22, v3;
	v25 =	vsel @!p2 vm0, v23, v4  }
0x11e: {  	v22 =	vsel @!p2 vm0, v3, v22;
	v23 =	vsel @!p2 vm0, v4, v23;
	(xrf1) =	vsort.dscd.msk.f32 @!p2 $0xffff, v24, v25  }
0x11f: {  	(xrf1) =	vsort.ascd.msk.f32 @!p2 $0xffff, v22, v23;
	_ =	sdelay $0xc  }
0x120: {  	v22, v23, _ =	vpop @!p2 (xrf1)  }
0x121: {  	v24, v25, _ =	vpop @!p2 (xrf1)  }
0x122: {  	p1 =	por !p1, p0;
	vm0 =	vlt.f32 @p0 v15, v7;
	(xrf1) =	vsort.dscd.msk.f32 @!p2 $0xffff, v24, v25  }
0x123: {  	v7 =	vsel @p0 vm0, v7, v15;
	v9 =	vsel @p0 vm0, v9, v14;
	(xrf1) =	vsort.dscd.msk.f32 @!p1 $0xffff, v16, v17  }
0x124: {  	(xrf1) =	vsort.dscd.msk.f32 @p0 $0xffff, v7, v9;
	_ =	sdelay $0xb  }
0x125: {  	v9, v14, _ =	vpop @!p2 (xrf1)  }
0x126: {  	v15, v16, _ =	vpop @!p1 (xrf1)  }
0x127: {  	v7, v17, _ =	vpop @p0 (xrf1)  }
0x128: {  	v7 =	vpsel p0, v7, v18  }
0x129: {  	(v2sf) =	vpush v7, $0xF;
	_ =	sdelay $0xa  }
0x12a: {  	v61 =	vpsel p1, v22, v5;
	v62 =	vpsel p1, v23, v2  }
0x12b: {  	v5 =	vpsel p0, v5, v61;
	v2 =	vpsel p0, v2, v62  }
0x12c: {  	v63 =	vpsel p1, v9, v3;
	v14 =	vpsel p1, v14, v4;
	v15 =	vpsel p1, v20, v15  }
0x12d: {  	v16 =	vpsel p1, v21, v16;
	v3 =	vpsel p0, v3, v63;
	v4 =	vpsel p0, v4, v14  }
0x12e: {  	v9 =	vpsel p0, v17, v19;
	v6 =	vpsel p0, v6, v15;
	v1 =	vpsel p0, v1, v16;
	s21 =	spop (v2sf)  }
.LBB2_14:
0x12f: {  	s22 =	sadd.s32 $0x50, s18  }
0x130: {  	v14 =	vor.u32 s22, v0  }
0x131: {  	(xrf1) =	vsort.ascd.msk.f32 $0xffff, v13, v14;
	_ =	sdelay $0xd  }
0x132: {  	v14, v13, _ =	vpop (xrf1)  }
0x133: {  	(v2sf) =	vpush v14, $0xF;
	_ =	sdelay $0xe  }
0x134: {  	s22 =	spop (v2sf)  }
0x135: {  	p0 =	sgt.f32 s22, s21  }
.Ltmp12:
0x136: {  	_ = 	snop;
	(pc) =	sbr.rel @!p0 .LBB2_16-.Ltmp12, $1  }
0x137: {  	_ =	sdelay $0x3  }
0x138: {  	(v2sf) =	vpush v6, $0xF;
	_ =	sdelay $0xe  }
0x139: {  	s21 =	spop (v2sf)  }
0x13a: {  	p0 =	slt.f32 s22, s21;
	_ =	sdelay $0x1  }
0x13b: {  	vm0 =	vlt.f32 @!p0 v14, v7  }
0x13c: {  	(v2sf) =	vpush @!p0 v5, $0xF;
	v15 =	vsel @!p0 vm0, v7, v14;
	v16 =	vsel @!p0 vm0, v9, v13  }
0x13d: {  	(xrf1) =	vsort.ascd.msk.f32 @!p0 $0xffff, v15, v16;
	_ =	sdelay $0xd  }
0x13e: {  	s21 =	spop @!p0 (v2sf);
	v15, v16, _ =	vpop @!p0 (xrf1)  }
0x13f: {  	p1 =	slt.f32 @!p0 s22, s21;
	vm0 =	vlt.f32 @!p0 v15, v6  }
0x140: {  	v17 =	vsel @!p0 vm0, v15, v6;
	v18 =	vsel @!p0 vm0, v16, v1  }
0x141: {  	v15 =	vsel @!p0 vm0, v6, v15;
	v16 =	vsel @!p0 vm0, v1, v16;
	p2 =	por p1, p0;
	(xrf1) =	vsort.dscd.msk.f32 @!p0 $0xffff, v17, v18  }
0x142: {  	(xrf1) =	vsort.ascd.msk.f32 @!p2 $0xffff, v15, v16;
	_ =	sdelay $0xc  }
0x143: {  	v17, v18, _ =	vpop @!p0 (xrf1)  }
0x144: {  	v19, v20, _ =	vpop @!p2 (xrf1)  }
0x145: {  	vm0 =	vlt.f32 @!p2 v19, v5  }
0x146: {  	v21 =	vsel @!p2 vm0, v19, v5;
	v22 =	vsel @!p2 vm0, v20, v2  }
0x147: {  	v19 =	vsel @!p2 vm0, v5, v19;
	v20 =	vsel @!p2 vm0, v2, v20;
	(xrf1) =	vsort.dscd.msk.f32 @!p2 $0xffff, v21, v22  }
0x148: {  	(xrf1) =	vsort.ascd.msk.f32 @!p2 $0xffff, v19, v20;
	_ =	sdelay $0xc  }
0x149: {  	v19, v20, _ =	vpop @!p2 (xrf1)  }
0x14a: {  	v21, v22, _ =	vpop @!p2 (xrf1)  }
0x14b: {  	vm0 =	vlt.f32 @!p2 v21, v3  }
0x14c: {  	v23 =	vsel @!p2 vm0, v21, v3;
	v24 =	vsel @!p2 vm0, v22, v4  }
0x14d: {  	v21 =	vsel @!p2 vm0, v3, v21;
	v22 =	vsel @!p2 vm0, v4, v22;
	(xrf1) =	vsort.dscd.msk.f32 @!p2 $0xffff, v23, v24  }
0x14e: {  	(xrf1) =	vsort.ascd.msk.f32 @!p2 $0xffff, v21, v22;
	_ =	sdelay $0xc  }
0x14f: {  	v21, v22, _ =	vpop @!p2 (xrf1)  }
0x150: {  	v23, v24, _ =	vpop @!p2 (xrf1)  }
0x151: {  	p1 =	por !p1, p0;
	vm0 =	vlt.f32 @p0 v14, v7;
	(xrf1) =	vsort.dscd.msk.f32 @!p2 $0xffff, v23, v24  }
0x152: {  	v7 =	vsel @p0 vm0, v7, v14;
	v9 =	vsel @p0 vm0, v9, v13;
	(xrf1) =	vsort.dscd.msk.f32 @!p1 $0xffff, v15, v16  }
0x153: {  	(xrf1) =	vsort.dscd.msk.f32 @p0 $0xffff, v7, v9;
	_ =	sdelay $0xb  }
0x154: {  	v9, v13, _ =	vpop @!p2 (xrf1)  }
0x155: {  	v14, v15, _ =	vpop @!p1 (xrf1)  }
0x156: {  	v7, v16, _ =	vpop @p0 (xrf1)  }
0x157: {  	v7 =	vpsel p0, v7, v17  }
0x158: {  	(v2sf) =	vpush v7, $0xF;
	_ =	sdelay $0xa  }
0x159: {  	v61 =	vpsel p1, v21, v5;
	v62 =	vpsel p1, v22, v2  }
0x15a: {  	v5 =	vpsel p0, v5, v61;
	v2 =	vpsel p0, v2, v62  }
0x15b: {  	v63 =	vpsel p1, v9, v3;
	v13 =	vpsel p1, v13, v4;
	v14 =	vpsel p1, v19, v14  }
0x15c: {  	v15 =	vpsel p1, v20, v15;
	v3 =	vpsel p0, v3, v63;
	v4 =	vpsel p0, v4, v13  }
0x15d: {  	v9 =	vpsel p0, v16, v18;
	v6 =	vpsel p0, v6, v14;
	v1 =	vpsel p0, v1, v15;
	s21 =	spop (v2sf)  }
.LBB2_16:
0x15e: {  	s22 =	sadd.s32 $0x60, s18  }
0x15f: {  	v13 =	vor.u32 s22, v0  }
0x160: {  	(xrf1) =	vsort.ascd.msk.f32 $0xffff, v12, v13;
	_ =	sdelay $0xd  }
0x161: {  	v13, v12, _ =	vpop (xrf1)  }
0x162: {  	(v2sf) =	vpush v13, $0xF;
	_ =	sdelay $0xe  }
0x163: {  	s22 =	spop (v2sf)  }
0x164: {  	p0 =	sgt.f32 s22, s21  }
.Ltmp13:
0x165: {  	_ = 	snop;
	(pc) =	sbr.rel @!p0 .LBB2_18-.Ltmp13, $1  }
0x166: {  	_ =	sdelay $0x3  }
0x167: {  	(v2sf) =	vpush v6, $0xF;
	_ =	sdelay $0xe  }
0x168: {  	s21 =	spop (v2sf)  }
0x169: {  	p0 =	slt.f32 s22, s21;
	_ =	sdelay $0x1  }
0x16a: {  	vm0 =	vlt.f32 @!p0 v13, v7  }
0x16b: {  	(v2sf) =	vpush @!p0 v5, $0xF;
	v14 =	vsel @!p0 vm0, v7, v13;
	v15 =	vsel @!p0 vm0, v9, v12  }
0x16c: {  	(xrf1) =	vsort.ascd.msk.f32 @!p0 $0xffff, v14, v15;
	_ =	sdelay $0xd  }
0x16d: {  	s21 =	spop @!p0 (v2sf);
	v14, v15, _ =	vpop @!p0 (xrf1)  }
0x16e: {  	p1 =	slt.f32 @!p0 s22, s21;
	vm0 =	vlt.f32 @!p0 v14, v6  }
0x16f: {  	v16 =	vsel @!p0 vm0, v14, v6;
	v17 =	vsel @!p0 vm0, v15, v1  }
0x170: {  	v14 =	vsel @!p0 vm0, v6, v14;
	v15 =	vsel @!p0 vm0, v1, v15;
	p2 =	por p1, p0;
	(xrf1) =	vsort.dscd.msk.f32 @!p0 $0xffff, v16, v17  }
0x171: {  	(xrf1) =	vsort.ascd.msk.f32 @!p2 $0xffff, v14, v15;
	_ =	sdelay $0xc  }
0x172: {  	v16, v17, _ =	vpop @!p0 (xrf1)  }
0x173: {  	v18, v19, _ =	vpop @!p2 (xrf1)  }
0x174: {  	vm0 =	vlt.f32 @!p2 v18, v5  }
0x175: {  	v20 =	vsel @!p2 vm0, v18, v5;
	v21 =	vsel @!p2 vm0, v19, v2  }
0x176: {  	v18 =	vsel @!p2 vm0, v5, v18;
	v19 =	vsel @!p2 vm0, v2, v19;
	(xrf1) =	vsort.dscd.msk.f32 @!p2 $0xffff, v20, v21  }
0x177: {  	(xrf1) =	vsort.ascd.msk.f32 @!p2 $0xffff, v18, v19;
	_ =	sdelay $0xc  }
0x178: {  	v18, v19, _ =	vpop @!p2 (xrf1)  }
0x179: {  	v20, v21, _ =	vpop @!p2 (xrf1)  }
0x17a: {  	vm0 =	vlt.f32 @!p2 v20, v3  }
0x17b: {  	v22 =	vsel @!p2 vm0, v20, v3;
	v23 =	vsel @!p2 vm0, v21, v4  }
0x17c: {  	v20 =	vsel @!p2 vm0, v3, v20;
	v21 =	vsel @!p2 vm0, v4, v21;
	(xrf1) =	vsort.dscd.msk.f32 @!p2 $0xffff, v22, v23  }
0x17d: {  	(xrf1) =	vsort.ascd.msk.f32 @!p2 $0xffff, v20, v21;
	_ =	sdelay $0xc  }
0x17e: {  	v20, v21, _ =	vpop @!p2 (xrf1)  }
0x17f: {  	v22, v23, _ =	vpop @!p2 (xrf1)  }
0x180: {  	p1 =	por !p1, p0;
	vm0 =	vlt.f32 @p0 v13, v7;
	(xrf1) =	vsort.dscd.msk.f32 @!p2 $0xffff, v22, v23  }
0x181: {  	v7 =	vsel @p0 vm0, v7, v13;
	v9 =	vsel @p0 vm0, v9, v12;
	(xrf1) =	vsort.dscd.msk.f32 @!p1 $0xffff, v14, v15  }
0x182: {  	(xrf1) =	vsort.dscd.msk.f32 @p0 $0xffff, v7, v9;
	_ =	sdelay $0xb  }
0x183: {  	v9, v12, _ =	vpop @!p2 (xrf1)  }
0x184: {  	v13, v14, _ =	vpop @!p1 (xrf1)  }
0x185: {  	v7, v15, _ =	vpop @p0 (xrf1)  }
0x186: {  	v7 =	vpsel p0, v7, v16  }
0x187: {  	(v2sf) =	vpush v7, $0xF;
	_ =	sdelay $0xa  }
0x188: {  	v61 =	vpsel p1, v20, v5;
	v62 =	vpsel p1, v21, v2  }
0x189: {  	v5 =	vpsel p0, v5, v61;
	v2 =	vpsel p0, v2, v62  }
0x18a: {  	v63 =	vpsel p1, v9, v3;
	v12 =	vpsel p1, v12, v4;
	v13 =	vpsel p1, v18, v13  }
0x18b: {  	v14 =	vpsel p1, v19, v14;
	v3 =	vpsel p0, v3, v63;
	v4 =	vpsel p0, v4, v12  }
0x18c: {  	v9 =	vpsel p0, v15, v17;
	v6 =	vpsel p0, v6, v13;
	v1 =	vpsel p0, v1, v14;
	s21 =	spop (v2sf)  }
.LBB2_18:
0x18d: {  	s22 =	sadd.s32 $0x70, s18  }
0x18e: {  	v12 =	vor.u32 s22, v0  }
0x18f: {  	(xrf1) =	vsort.ascd.msk.f32 $0xffff, v11, v12;
	_ =	sdelay $0xd  }
0x190: {  	v12, v11, _ =	vpop (xrf1)  }
0x191: {  	(v2sf) =	vpush v12, $0xF;
	_ =	sdelay $0xe  }
0x192: {  	s22 =	spop (v2sf)  }
0x193: {  	p0 =	sgt.f32 s22, s21  }
.Ltmp14:
0x194: {  	_ = 	snop;
	(pc) =	sbr.rel @!p0 .LBB2_20-.Ltmp14, $1  }
0x195: {  	_ =	sdelay $0x3  }
0x196: {  	(v2sf) =	vpush v6, $0xF;
	_ =	sdelay $0xe  }
0x197: {  	s21 =	spop (v2sf)  }
0x198: {  	p0 =	slt.f32 s22, s21;
	_ =	sdelay $0x1  }
0x199: {  	vm0 =	vlt.f32 @!p0 v12, v7  }
0x19a: {  	(v2sf) =	vpush @!p0 v5, $0xF;
	v13 =	vsel @!p0 vm0, v7, v12;
	v14 =	vsel @!p0 vm0, v9, v11  }
0x19b: {  	(xrf1) =	vsort.ascd.msk.f32 @!p0 $0xffff, v13, v14;
	_ =	sdelay $0xd  }
0x19c: {  	s21 =	spop @!p0 (v2sf);
	v13, v14, _ =	vpop @!p0 (xrf1)  }
0x19d: {  	p1 =	slt.f32 @!p0 s22, s21;
	vm0 =	vlt.f32 @!p0 v13, v6  }
0x19e: {  	v15 =	vsel @!p0 vm0, v13, v6;
	v16 =	vsel @!p0 vm0, v14, v1  }
0x19f: {  	v13 =	vsel @!p0 vm0, v6, v13;
	v14 =	vsel @!p0 vm0, v1, v14;
	p2 =	por p1, p0;
	(xrf1) =	vsort.dscd.msk.f32 @!p0 $0xffff, v15, v16  }
0x1a0: {  	(xrf1) =	vsort.ascd.msk.f32 @!p2 $0xffff, v13, v14;
	_ =	sdelay $0xc  }
0x1a1: {  	v15, v16, _ =	vpop @!p0 (xrf1)  }
0x1a2: {  	v17, v18, _ =	vpop @!p2 (xrf1)  }
0x1a3: {  	vm0 =	vlt.f32 @!p2 v17, v5  }
0x1a4: {  	v19 =	vsel @!p2 vm0, v17, v5;
	v20 =	vsel @!p2 vm0, v18, v2  }
0x1a5: {  	v17 =	vsel @!p2 vm0, v5, v17;
	v18 =	vsel @!p2 vm0, v2, v18;
	(xrf1) =	vsort.dscd.msk.f32 @!p2 $0xffff, v19, v20  }
0x1a6: {  	(xrf1) =	vsort.ascd.msk.f32 @!p2 $0xffff, v17, v18;
	_ =	sdelay $0xc  }
0x1a7: {  	v17, v18, _ =	vpop @!p2 (xrf1)  }
0x1a8: {  	v19, v20, _ =	vpop @!p2 (xrf1)  }
0x1a9: {  	vm0 =	vlt.f32 @!p2 v19, v3  }
0x1aa: {  	v21 =	vsel @!p2 vm0, v19, v3;
	v22 =	vsel @!p2 vm0, v20, v4  }
0x1ab: {  	v19 =	vsel @!p2 vm0, v3, v19;
	v20 =	vsel @!p2 vm0, v4, v20;
	(xrf1) =	vsort.dscd.msk.f32 @!p2 $0xffff, v21, v22  }
0x1ac: {  	(xrf1) =	vsort.ascd.msk.f32 @!p2 $0xffff, v19, v20;
	_ =	sdelay $0xc  }
0x1ad: {  	v19, v20, _ =	vpop @!p2 (xrf1)  }
0x1ae: {  	v21, v22, _ =	vpop @!p2 (xrf1)  }
0x1af: {  	p1 =	por !p1, p0;
	vm0 =	vlt.f32 @p0 v12, v7;
	(xrf1) =	vsort.dscd.msk.f32 @!p2 $0xffff, v21, v22  }
0x1b0: {  	v7 =	vsel @p0 vm0, v7, v12;
	v9 =	vsel @p0 vm0, v9, v11;
	(xrf1) =	vsort.dscd.msk.f32 @!p1 $0xffff, v13, v14  }
0x1b1: {  	(xrf1) =	vsort.dscd.msk.f32 @p0 $0xffff, v7, v9;
	_ =	sdelay $0xb  }
0x1b2: {  	v9, v11, _ =	vpop @!p2 (xrf1)  }
0x1b3: {  	v12, v13, _ =	vpop @!p1 (xrf1)  }
0x1b4: {  	v7, v14, _ =	vpop @p0 (xrf1)  }
0x1b5: {  	v7 =	vpsel p0, v7, v15  }
0x1b6: {  	(v2sf) =	vpush v7, $0xF;
	_ =	sdelay $0xa  }
0x1b7: {  	v61 =	vpsel p1, v19, v5;
	v62 =	vpsel p1, v20, v2  }
0x1b8: {  	v5 =	vpsel p0, v5, v61;
	v2 =	vpsel p0, v2, v62  }
0x1b9: {  	v63 =	vpsel p1, v9, v3;
	v11 =	vpsel p1, v11, v4;
	v12 =	vpsel p1, v17, v12  }
0x1ba: {  	v13 =	vpsel p1, v18, v13;
	v3 =	vpsel p0, v3, v63;
	v4 =	vpsel p0, v4, v11  }
0x1bb: {  	v9 =	vpsel p0, v14, v16;
	v6 =	vpsel p0, v6, v12;
	v1 =	vpsel p0, v1, v13;
	s21 =	spop (v2sf)  }
.LBB2_20:
0x1bc: {  	v11 =	vor.u32 s20, v0  }
0x1bd: {  	(xrf1) =	vsort.ascd.msk.f32 $0xffff, v10, v11;
	_ =	sdelay $0xd  }
0x1be: {  	v11, v10, _ =	vpop (xrf1)  }
0x1bf: {  	(v2sf) =	vpush v11, $0xF;
	_ =	sdelay $0xe  }
0x1c0: {  	s20 =	spop (v2sf)  }
0x1c1: {  	p0 =	sgt.f32 s20, s21  }
.Ltmp15:
0x1c2: {  	_ = 	snop;
	(pc) =	sbr.rel @!p0 .LBB2_22-.Ltmp15, $1  }
0x1c3: {  	_ =	sdelay $0x3  }
0x1c4: {  	(v2sf) =	vpush v6, $0xF;
	_ =	sdelay $0xe  }
0x1c5: {  	s21 =	spop (v2sf)  }
0x1c6: {  	p0 =	slt.f32 s20, s21;
	_ =	sdelay $0x1  }
0x1c7: {  	vm0 =	vlt.f32 @!p0 v11, v7  }
0x1c8: {  	(v2sf) =	vpush @!p0 v5, $0xF;
	v12 =	vsel @!p0 vm0, v7, v11;
	v13 =	vsel @!p0 vm0, v9, v10  }
0x1c9: {  	(xrf1) =	vsort.ascd.msk.f32 @!p0 $0xffff, v12, v13;
	_ =	sdelay $0xd  }
0x1ca: {  	s21 =	spop @!p0 (v2sf);
	v12, v13, _ =	vpop @!p0 (xrf1)  }
0x1cb: {  	p1 =	slt.f32 @!p0 s20, s21;
	vm0 =	vlt.f32 @!p0 v12, v6  }
0x1cc: {  	v14 =	vsel @!p0 vm0, v12, v6;
	v15 =	vsel @!p0 vm0, v13, v1  }
0x1cd: {  	v12 =	vsel @!p0 vm0, v6, v12;
	v13 =	vsel @!p0 vm0, v1, v13;
	p2 =	por p1, p0;
	(xrf1) =	vsort.dscd.msk.f32 @!p0 $0xffff, v14, v15  }
0x1ce: {  	(xrf1) =	vsort.ascd.msk.f32 @!p2 $0xffff, v12, v13;
	_ =	sdelay $0xc  }
0x1cf: {  	v14, v15, _ =	vpop @!p0 (xrf1)  }
0x1d0: {  	v16, v17, _ =	vpop @!p2 (xrf1)  }
0x1d1: {  	vm0 =	vlt.f32 @!p2 v16, v5  }
0x1d2: {  	v18 =	vsel @!p2 vm0, v16, v5;
	v19 =	vsel @!p2 vm0, v17, v2  }
0x1d3: {  	v16 =	vsel @!p2 vm0, v5, v16;
	v17 =	vsel @!p2 vm0, v2, v17;
	(xrf1) =	vsort.dscd.msk.f32 @!p2 $0xffff, v18, v19  }
0x1d4: {  	(xrf1) =	vsort.ascd.msk.f32 @!p2 $0xffff, v16, v17;
	_ =	sdelay $0xc  }
0x1d5: {  	v16, v17, _ =	vpop @!p2 (xrf1)  }
0x1d6: {  	v18, v19, _ =	vpop @!p2 (xrf1)  }
0x1d7: {  	vm0 =	vlt.f32 @!p2 v18, v3  }
0x1d8: {  	v20 =	vsel @!p2 vm0, v18, v3;
	v21 =	vsel @!p2 vm0, v19, v4  }
0x1d9: {  	v18 =	vsel @!p2 vm0, v3, v18;
	v19 =	vsel @!p2 vm0, v4, v19;
	(xrf1) =	vsort.dscd.msk.f32 @!p2 $0xffff, v20, v21  }
0x1da: {  	(xrf1) =	vsort.ascd.msk.f32 @!p2 $0xffff, v18, v19;
	_ =	sdelay $0xc  }
0x1db: {  	v18, v19, _ =	vpop @!p2 (xrf1)  }
0x1dc: {  	v20, v21, _ =	vpop @!p2 (xrf1)  }
0x1dd: {  	p1 =	por !p1, p0;
	vm0 =	vlt.f32 @p0 v11, v7;
	(xrf1) =	vsort.dscd.msk.f32 @!p2 $0xffff, v20, v21  }
0x1de: {  	v7 =	vsel @p0 vm0, v7, v11;
	v9 =	vsel @p0 vm0, v9, v10;
	(xrf1) =	vsort.dscd.msk.f32 @!p1 $0xffff, v12, v13  }
0x1df: {  	(xrf1) =	vsort.dscd.msk.f32 @p0 $0xffff, v7, v9;
	_ =	sdelay $0xb  }
0x1e0: {  	v9, v10, _ =	vpop @!p2 (xrf1)  }
0x1e1: {  	v11, v12, _ =	vpop @!p1 (xrf1)  }
0x1e2: {  	v7, v13, _ =	vpop @p0 (xrf1)  }
0x1e3: {  	v7 =	vpsel p0, v7, v14  }
0x1e4: {  	(v2sf) =	vpush v7, $0xF;
	_ =	sdelay $0xa  }
0x1e5: {  	v61 =	vpsel p1, v18, v5;
	v62 =	vpsel p1, v19, v2  }
0x1e6: {  	v5 =	vpsel p0, v5, v61;
	v2 =	vpsel p0, v2, v62  }
0x1e7: {  	v63 =	vpsel p1, v9, v3;
	v10 =	vpsel p1, v10, v4;
	v11 =	vpsel p1, v16, v11  }
0x1e8: {  	v12 =	vpsel p1, v17, v12;
	v3 =	vpsel p0, v3, v63;
	v4 =	vpsel p0, v4, v10  }
0x1e9: {  	v9 =	vpsel p0, v13, v15;
	v6 =	vpsel p0, v6, v11;
	v1 =	vpsel p0, v1, v12;
	s21 =	spop (v2sf)  }
.LBB2_22:
0x1ea: {  	s20 =	sadd.s32 $0x90, s18  }
0x1eb: {  	v10 =	vor.u32 s20, v0  }
0x1ec: {  	(xrf1) =	vsort.ascd.msk.f32 $0xffff, v8, v10;
	_ =	sdelay $0xd  }
0x1ed: {  	v10, v8, _ =	vpop (xrf1)  }
0x1ee: {  	(v2sf) =	vpush v10, $0xF;
	_ =	sdelay $0xe  }
0x1ef: {  	s20 =	spop (v2sf)  }
0x1f0: {  	p0 =	sgt.f32 s20, s21  }
.Ltmp16:
0x1f1: {  	_ = 	snop;
	(pc) =	sbr.rel @!p0 .LBB2_24-.Ltmp16, $1  }
0x1f2: {  	_ =	sdelay $0x3  }
0x1f3: {  	(v2sf) =	vpush v6, $0xF;
	_ =	sdelay $0xe  }
0x1f4: {  	s21 =	spop (v2sf)  }
0x1f5: {  	p0 =	slt.f32 s20, s21;
	_ =	sdelay $0x1  }
0x1f6: {  	vm0 =	vlt.f32 @!p0 v10, v7  }
0x1f7: {  	(v2sf) =	vpush @!p0 v5, $0xF;
	v11 =	vsel @!p0 vm0, v7, v10;
	v12 =	vsel @!p0 vm0, v9, v8  }
0x1f8: {  	(xrf1) =	vsort.ascd.msk.f32 @!p0 $0xffff, v11, v12;
	_ =	sdelay $0xd  }
0x1f9: {  	s21 =	spop @!p0 (v2sf);
	v11, v12, _ =	vpop @!p0 (xrf1)  }
0x1fa: {  	p1 =	slt.f32 @!p0 s20, s21;
	vm0 =	vlt.f32 @!p0 v11, v6  }
0x1fb: {  	v13 =	vsel @!p0 vm0, v11, v6;
	v14 =	vsel @!p0 vm0, v12, v1  }
0x1fc: {  	v11 =	vsel @!p0 vm0, v6, v11;
	v12 =	vsel @!p0 vm0, v1, v12;
	p2 =	por p1, p0;
	(xrf1) =	vsort.dscd.msk.f32 @!p0 $0xffff, v13, v14  }
0x1fd: {  	(xrf1) =	vsort.ascd.msk.f32 @!p2 $0xffff, v11, v12;
	_ =	sdelay $0xc  }
0x1fe: {  	v13, v14, _ =	vpop @!p0 (xrf1)  }
0x1ff: {  	v15, v16, _ =	vpop @!p2 (xrf1)  }
0x200: {  	vm0 =	vlt.f32 @!p2 v15, v5  }
0x201: {  	v17 =	vsel @!p2 vm0, v15, v5;
	v18 =	vsel @!p2 vm0, v16, v2  }
0x202: {  	v15 =	vsel @!p2 vm0, v5, v15;
	v16 =	vsel @!p2 vm0, v2, v16;
	(xrf1) =	vsort.dscd.msk.f32 @!p2 $0xffff, v17, v18  }
0x203: {  	(xrf1) =	vsort.ascd.msk.f32 @!p2 $0xffff, v15, v16;
	_ =	sdelay $0xc  }
0x204: {  	v15, v16, _ =	vpop @!p2 (xrf1)  }
0x205: {  	v17, v18, _ =	vpop @!p2 (xrf1)  }
0x206: {  	vm0 =	vlt.f32 @!p2 v17, v3  }
0x207: {  	v19 =	vsel @!p2 vm0, v17, v3;
	v20 =	vsel @!p2 vm0, v18, v4  }
0x208: {  	v17 =	vsel @!p2 vm0, v3, v17;
	v18 =	vsel @!p2 vm0, v4, v18;
	(xrf1) =	vsort.dscd.msk.f32 @!p2 $0xffff, v19, v20  }
0x209: {  	(xrf1) =	vsort.ascd.msk.f32 @!p2 $0xffff, v17, v18;
	_ =	sdelay $0xc  }
0x20a: {  	v17, v18, _ =	vpop @!p2 (xrf1)  }
0x20b: {  	v19, v20, _ =	vpop @!p2 (xrf1)  }
0x20c: {  	p1 =	por !p1, p0;
	vm0 =	vlt.f32 @p0 v10, v7;
	(xrf1) =	vsort.dscd.msk.f32 @!p2 $0xffff, v19, v20  }
0x20d: {  	v7 =	vsel @p0 vm0, v7, v10;
	v8 =	vsel @p0 vm0, v9, v8;
	(xrf1) =	vsort.dscd.msk.f32 @!p1 $0xffff, v11, v12  }
0x20e: {  	(xrf1) =	vsort.dscd.msk.f32 @p0 $0xffff, v7, v8;
	_ =	sdelay $0xb  }
0x20f: {  	v8, v9, _ =	vpop @!p2 (xrf1)  }
0x210: {  	v10, v11, _ =	vpop @!p1 (xrf1)  }
0x211: {  	v7, v12, _ =	vpop @p0 (xrf1)  }
0x212: {  	v7 =	vpsel p0, v7, v13  }
0x213: {  	(v2sf) =	vpush v7, $0xF;
	_ =	sdelay $0xa  }
.Ltmp17:
0x214: {  	v61 =	vpsel p1, v17, v5;
	v62 =	vpsel p1, v18, v2;
	(pc) =	sbr.rel .LBB2_24-.Ltmp17, $4  }
0x215: {  	v5 =	vpsel p0, v5, v61;
	v2 =	vpsel p0, v2, v62  }
0x216: {  	v8 =	vpsel p1, v8, v3;
	v63 =	vpsel p1, v9, v4;
	v10 =	vpsel p1, v15, v10  }
0x217: {  	v11 =	vpsel p1, v16, v11;
	v3 =	vpsel p0, v3, v8;
	v4 =	vpsel p0, v4, v63  }
0x218: {  	v9 =	vpsel p0, v12, v14;
	v6 =	vpsel p0, v6, v10;
	v1 =	vpsel p0, v1, v11;
	s21 =	spop (v2sf)  }
.LBB2_27:
0x219: {  	_ =	sfence.sel $0x180000  }
0x21a: {  	[bflag:$0x0] =	sbarrier.arrive $0xFFFF  }
0x21b: {  	p0 =	sne.s32 s3, $0x0;
	_ =	strace $0x90000047  }
0x21c: {  	s0 =	sadd.s32 @!p0 $0x100000, s0;
	[bflag:$0x2] =	sbarrier.arrive $0xFFFF  }
0x21d: {  	[sflag:s0] =	ssyncadd.tile.s32 @!p0 $0x1;
	_ =	shalt  }
.Lfunc_end2:
_tile_overlayer_lowered:
.L_overlay_start_2:
0x21e: {  	(tag) =	ssettag $0x2  }
0x21f: {  	s0 =	rddreg [dreg:$0x0];
	s2 =	stileid.u32  }
0x220: {  	s1 =	rddreg [dreg:$0x1];
	p0 =	sne.s32 s2, $0x0  }
0x221: {  	s3 =	rddreg [dreg:$0x2];
	[bflag:$0x3] =	sbarrier.arrive $0xFFFF;
	s2 =	simm.s32 @!p0 $0x1C01  }
0x222: {  	[timem:s3], [sflag:s2] =	dma.local @!p0 [hbm:s0], s1  }
0x223: {  	s0 =	simm.s32 @!p0 $0x1  }
0x224: {  	_ =	swait.ge @!p0 [sflag:s0], s1  }
0x225: {  	s1 =	ssub.s32 @!p0 $0x0, s1;
	[sflag:s0] =	ssyncset.done @!p0 $0x0  }
0x226: {  	[sflag:s0] =	ssyncadd.s32 @!p0 s1  }
0x227: {  	[bflag:$0x3] =	sbarrier.arrive $0xFFFF  }
0x228: {  	_ =	shalt  }

</sc_bundles>
